<compile_context>
chip_gen: v7x
topology: tpu7x:2x2x1
jax: 0.10.2.dev20260603
libtpu: 0.0.44.dev20260713+nightly
codegen_flags: <defaults>
</compile_context>

<pallas_src>
import functools

import jax
import jax.numpy as jnp
from jax import lax
from jax.experimental import pallas as pl
from jax.experimental.pallas import tpu as pltpu
from jax.experimental.pallas import tpu_sc as plsc

N_NODES = 10000
N_EDGES = 320000
D = 128

NUM_CORES = 2
NUM_SUBCORES = 16
E_PER_TILE = N_EDGES // NUM_SUBCORES
ROWS_PER_TILE = N_NODES // NUM_SUBCORES

W = 64
DEGW = 8
CHUNK = 400
N_CHUNKS = E_PER_TILE // CHUNK


def _make_sc_aggregate(with_deg: bool):
  mesh = plsc.VectorSubcoreMesh(core_axis_name="c", subcore_axis_name="s",
                                num_cores=NUM_CORES, num_subcores=NUM_SUBCORES)

  out_type = [jax.ShapeDtypeStruct((N_NODES, D), jnp.float32)]
  scratch = [
      pltpu.VMEM((CHUNK,), jnp.int32),
      pltpu.VMEM((CHUNK,), jnp.int32),
      pltpu.VMEM((CHUNK,), jnp.int32),
      pltpu.VMEM((CHUNK,), jnp.int32),
      pltpu.VMEM((CHUNK, W), jnp.float32),
      pltpu.VMEM((CHUNK, W), jnp.float32),
      pltpu.VMEM_SHARED((N_NODES, W), jnp.float32),
      pltpu.SemaphoreType.DMA,
      pltpu.SemaphoreType.DMA,
      pltpu.SemaphoreType.DMA,
      pltpu.SemaphoreType.DMA,
      pltpu.SemaphoreType.DMA,
  ]
  if with_deg:
    out_type.append(jax.ShapeDtypeStruct((N_NODES, D), jnp.float32))
    scratch += [
        pltpu.VMEM((CHUNK, DEGW), jnp.float32),
        pltpu.VMEM_SHARED((N_NODES, DEGW), jnp.float32),
    ]

  @functools.partial(
      pl.kernel,
      out_type=tuple(out_type),
      mesh=mesh,
      scratch_types=scratch,
      compiler_params=pltpu.CompilerParams(use_tc_tiling_on_sc=False),
  )
  def sc_agg(table_hbm, eidx_hbm, zeros_hbm, ones_hbm, *rest):
    if with_deg:
      out_hbm, deg_hbm = rest[0], rest[1]
      (src0, src1, dst0, dst1, buf0, buf1, acc_sh,
       isem0, isem1, rsem0, rsem1, zsem, ones_v, deg_sh) = rest[2:]
    else:
      out_hbm = rest[0]
      (src0, src1, dst0, dst1, buf0, buf1, acc_sh,
       isem0, isem1, rsem0, rsem1, zsem) = rest[1:]

    cid = lax.axis_index("c")
    sid = lax.axis_index("s")
    row0 = sid * ROWS_PER_TILE
    base = sid * E_PER_TILE
    rows = pl.ds(row0, ROWS_PER_TILE)

    ibufs = ((src0, dst0), (src1, dst1))
    isems = (isem0, isem1)
    rbufs = (buf0, buf1)
    rsems = (rsem0, rsem1)

    zcopies = [pltpu.make_async_copy(zeros_hbm.at[rows], acc_sh.at[rows],
                                     zsem)]
    if with_deg:
      zcopies.append(pltpu.make_async_copy(
          zeros_hbm.at[rows, pl.ds(0, DEGW)], deg_sh.at[rows], zsem))
      pltpu.sync_copy(ones_hbm, ones_v)
    for z in zcopies:
      z.start()

    def idx_load(k, b):
      off = base + k * CHUNK
      return (pltpu.make_async_copy(eidx_hbm.at[0, pl.ds(off, CHUNK)],
                                    ibufs[b][0], isems[b]),
              pltpu.make_async_copy(eidx_hbm.at[1, pl.ds(off, CHUNK)],
                                    ibufs[b][1], isems[b]))

    def run_edges(half):
      def transform_src(b):
        sref = ibufs[b][0]

        def tbody(i, carry):
          sv = sref[pl.ds(i * 16, 16)]
          sref[pl.ds(i * 16, 16)] = sv * 2 + cid
          return carry

        lax.fori_loop(0, CHUNK // 16, tbody, 0, unroll=False)

      def gather(b):
        return pltpu.make_async_copy(table_hbm.at[ibufs[b][0]], rbufs[b],
                                     rsems[b])

      ia, ib = idx_load(0, 0)
      ia.start(); ib.start(); ia.wait(); ib.wait()
      transform_src(0)
      ia, ib = idx_load(1, 1)
      ia.start(); ib.start()
      gather(0).start()
      for z in zcopies:
        z.wait()
      plsc.subcore_barrier()

      def body(j, carry):
        for b in range(2):
          k = 2 * j + b

          @pl.when(k + 1 < N_CHUNKS)
          def _():
            ia, ib = idx_load(k + 1, 1 - b)
            ia.wait(); ib.wait()
            transform_src(1 - b)
            gather(1 - b).start()

          gather(b).wait()
          pltpu.sync_copy(rbufs[b], acc_sh.at[ibufs[b][1]], add=True)
          if with_deg and b == half:
            pltpu.sync_copy(ones_v, deg_sh.at[ibufs[b][1]], add=True)

          @pl.when(k + 2 < N_CHUNKS)
          def _():
            ia, ib = idx_load(k + 2, b)
            ia.start(); ib.start()
        return carry

      lax.fori_loop(0, N_CHUNKS // 2, body, 0, unroll=False)

    @pl.when(cid == 0)
    def _():
      run_edges(0)

    @pl.when(cid == 1)
    def _():
      run_edges(1)

    plsc.subcore_barrier()

    @pl.when(cid == 0)
    def _():
      pltpu.sync_copy(acc_sh.at[rows], out_hbm.at[rows, pl.ds(0, W)])
      if with_deg:
        pltpu.sync_copy(deg_sh.at[rows], deg_hbm.at[rows, pl.ds(0, DEGW)])

    @pl.when(cid == 1)
    def _():
      pltpu.sync_copy(acc_sh.at[rows], out_hbm.at[rows, pl.ds(W, W)])
      if with_deg:
        pltpu.sync_copy(deg_sh.at[rows], deg_hbm.at[rows, pl.ds(DEGW, DEGW)])

  return sc_agg


_sc_agg_cache = {}


def _sc_aggregate(with_deg: bool):
  if with_deg not in _sc_agg_cache:
    _sc_agg_cache[with_deg] = _make_sc_aggregate(with_deg)
  return _sc_agg_cache[with_deg]


ROW_BLK = 5000


def _tc_layer1_body(agg_ref, deg_ref, x_ref, ws_ref, wn_ref, b_ref,
                    h1_ref, deginv_ref):
  deg = deg_ref[:, 0:1] + deg_ref[:, DEGW:DEGW + 1]
  scale = 1.0 / jnp.maximum(deg, 1.0)
  hn = agg_ref[...] * scale
  acc = jnp.dot(x_ref[...], ws_ref[...], preferred_element_type=jnp.float32)
  acc += jnp.dot(hn, wn_ref[...], preferred_element_type=jnp.float32)
  acc += b_ref[...]
  h1_ref[...] = jnp.maximum(acc, 0.0)
  deginv_ref[...] = scale


def _tc_layer2_body(agg_ref, h1_ref, deginv_ref, ws_ref, wn_ref,
                    b_ref, out_ref):
  hn = agg_ref[...] * deginv_ref[...]
  acc = jnp.dot(h1_ref[...], ws_ref[...], preferred_element_type=jnp.float32)
  acc += jnp.dot(hn, wn_ref[...], preferred_element_type=jnp.float32)
  acc += b_ref[...]
  out_ref[...] = acc


def _row_spec(width):
  return pl.BlockSpec((ROW_BLK, width), lambda i: (i, 0))


def _full_spec(shape):
  return pl.BlockSpec(shape, lambda i: (0,) * len(shape))


def _tc_layer1(agg, degblk, x, ws, wn, b):
  return pl.pallas_call(
      _tc_layer1_body,
      grid=(N_NODES // ROW_BLK,),
      in_specs=[
          _row_spec(D), _row_spec(D), _row_spec(D),
          _full_spec((D, D)), _full_spec((D, D)), _full_spec((1, D)),
      ],
      out_specs=[_row_spec(D), _row_spec(1)],
      out_shape=[
          jax.ShapeDtypeStruct((N_NODES, D), jnp.float32),
          jax.ShapeDtypeStruct((N_NODES, 1), jnp.float32),
      ],
  )(agg, degblk, x, ws, wn, b)


def _tc_layer2(agg, h1, deginv, ws, wn, b):
  return pl.pallas_call(
      _tc_layer2_body,
      grid=(N_NODES // ROW_BLK,),
      in_specs=[
          _row_spec(D), _row_spec(D), _row_spec(1),
          _full_spec((D, D)), _full_spec((D, D)), _full_spec((1, D)),
      ],
      out_specs=_row_spec(D),
      out_shape=jax.ShapeDtypeStruct((N_NODES, D), jnp.float32),
  )(agg, h1, deginv, ws, wn, b)


@jax.jit
def kernel(inputs, edge_index, W_self1, W_neigh1, b1, W_self2, W_neigh2, b2):
  x2 = inputs.reshape(2 * N_NODES, W)

  zeros = jnp.zeros((N_NODES, W), jnp.float32)
  ones_rows = jnp.ones((CHUNK, DEGW), jnp.float32)

  agg1, degblk = _sc_aggregate(True)(x2, edge_index, zeros, ones_rows)
  h1, deginv = _tc_layer1(agg1, degblk, inputs,
                          W_self1, W_neigh1, b1.reshape(1, D))

  agg2, = _sc_aggregate(False)(h1.reshape(2 * N_NODES, W), edge_index,
                               zeros, ones_rows)
  out = _tc_layer2(agg2, h1, deginv,
                   W_self2, W_neigh2, b2.reshape(1, D))
  return out

# --- scband reference (transcript-rebuilt; emitter-appended) ---
"""Pipeline reference for scband-sage-652835029772 (READ-ONLY COPY).

The authoritative reference and input builder live on the scoring server;
editing this copy changes nothing except your own understanding.
"""

import jax, jax.numpy as jnp
import numpy as np

N_NODES = 10000
N_EDGES = 320000
D_IN = 128
D_HID = 128
D_OUT = 128


def setup_inputs(seed: int = 0) -> dict:
    key = jax.random.key(seed)
    ks = jax.random.split(key, 10)
    x = jax.random.normal(ks[0], (N_NODES, D_IN), dtype=jnp.float32)
    edge_index = jax.random.randint(ks[1], (2, N_EDGES), 0, N_NODES, dtype=jnp.int32)
    s_in = 1.0 / np.sqrt(D_IN)
    s_hid = 1.0 / np.sqrt(D_HID)
    W_self1 = jax.random.normal(ks[2], (D_IN, D_HID), dtype=jnp.float32) * s_in
    W_neigh1 = jax.random.normal(ks[3], (D_IN, D_HID), dtype=jnp.float32) * s_in
    b1 = jnp.zeros((D_HID,), dtype=jnp.float32)
    W_self2 = jax.random.normal(ks[4], (D_HID, D_OUT), dtype=jnp.float32) * s_hid
    W_neigh2 = jax.random.normal(ks[5], (D_HID, D_OUT), dtype=jnp.float32) * s_hid
    b2 = jnp.zeros((D_OUT,), dtype=jnp.float32)
    return {"inputs": x, "edge_index": edge_index,
            "W_self1": W_self1, "W_neigh1": W_neigh1, "b1": b1,
            "W_self2": W_self2, "W_neigh2": W_neigh2, "b2": b2}


def _sage_conv_mean(x, src, dst, W_self, W_neigh, b, n_nodes):
    # DGL SAGEConv(aggregator_type='mean'):
    #   h_neigh = mean over incoming edges of src features
    #   out = fc_self(h_self) + fc_neigh(h_neigh) + bias
    msg = jnp.take(x, src, axis=0)                      # gather  [E, d]
    agg = jax.ops.segment_sum(msg, dst, num_segments=n_nodes)  # scatter-add
    deg = jax.ops.segment_sum(jnp.ones((src.shape[0],), dtype=x.dtype), dst,
                              num_segments=n_nodes)
    h_neigh = agg / jnp.clip(deg, 1.0, None)[:, None]
    return x @ W_self + h_neigh @ W_neigh + b


def reference(inputs, edge_index, W_self1, W_neigh1, b1, W_self2, W_neigh2, b2):
    src = edge_index[0]
    dst = edge_index[1]
    h = _sage_conv_mean(inputs, src, dst, W_self1, W_neigh1, b1, N_NODES)
    h = jax.nn.relu(h)
    h = _sage_conv_mean(h, src, dst, W_self2, W_neigh2, b2, N_NODES)
    return h

if __name__ == "__main__":
    import jax
    _d = setup_inputs()
    print(jax.jit(kernel)(*tuple(_d.values())))

</pallas_src>

<mosaic_0001>
#map = affine_map<(d0, d1) -> (0, 0)>
module attributes {stable_mosaic.version = 14 : i64} {
  func.func @sc_agg(%arg0: i32, %arg1: i32, %arg2: memref<20000x64xf32, #tpu.memory_space<hbm>>, %arg3: memref<2x320000xi32, #tpu.memory_space<hbm>>, %arg4: memref<10000x64xf32, #tpu.memory_space<hbm>>, %arg5: memref<400x8xf32, #tpu.memory_space<hbm>>, %arg6: memref<10000x128xf32, #tpu.memory_space<hbm>>, %arg7: memref<400xi32, #tpu.memory_space<vmem>>, %arg8: memref<400xi32, #tpu.memory_space<vmem>>, %arg9: memref<400xi32, #tpu.memory_space<vmem>>, %arg10: memref<400xi32, #tpu.memory_space<vmem>>, %arg11: memref<400x64xf32, #tpu.memory_space<vmem>>, %arg12: memref<400x64xf32, #tpu.memory_space<vmem>>, %arg13: memref<10000x64xf32, #tpu.memory_space<vmem_shared>>, %arg14: memref<!tpu.dma_semaphore, #tpu.memory_space<semaphore_mem>>, %arg15: memref<!tpu.dma_semaphore, #tpu.memory_space<semaphore_mem>>, %arg16: memref<!tpu.dma_semaphore, #tpu.memory_space<semaphore_mem>>, %arg17: memref<!tpu.dma_semaphore, #tpu.memory_space<semaphore_mem>>, %arg18: memref<!tpu.dma_semaphore, #tpu.memory_space<semaphore_mem>>) attributes {dimension_semantics = [#tpu.dimension_semantics<core_parallel>, #tpu.dimension_semantics<subcore_parallel>], iteration_bounds = array<i64: 2, 16>, scalar_prefetch = 0 : i64, scratch_operands = 12 : i64, tpu.core_type = #tpu.core_type<sc_vector_subcore>, window_params = [{transform_indices = #map}, {transform_indices = #map}, {transform_indices = #map}, {transform_indices = #map}, {transform_indices = #map}]} {
    %mul3A = arith.constant 625 : i32
    %mul3A_0 = arith.muli %arg1, %mul3A : i32
    %mul3A_1 = arith.constant 20000 : i32
    %mul3A_2 = arith.muli %arg1, %mul3A_1 : i32
    %dma_start3A = arith.constant 0 : i32
    %dma_start3A_3 = tpu.memref_slice %arg13[%mul3A_0, %dma_start3A] : memref<10000x64xf32, #tpu.memory_space<vmem_shared>> -> memref<625x64xf32, #tpu.memory_space<vmem_shared>>
    %dma_start3A_4 = arith.constant 0 : i32
    %dma_start3A_5 = tpu.memref_slice %arg4[%mul3A_0, %dma_start3A_4] : memref<10000x64xf32, #tpu.memory_space<hbm>> -> memref<625x64xf32, #tpu.memory_space<hbm>>
    tpu.enqueue_dma source(%dma_start3A_5 : memref<625x64xf32, #tpu.memory_space<hbm>>) target(%dma_start3A_3 : memref<625x64xf32, #tpu.memory_space<vmem_shared>>) target_semaphore(%arg18 : memref<!tpu.dma_semaphore, #tpu.memory_space<semaphore_mem>>)
    %eq3A = arith.constant 0 : i32
    %eq3A_6 = arith.cmpi eq, %arg0, %eq3A : i32
    %convert_element_type3A = arith.extui %eq3A_6 : i1 to i32
    %cond3A = arith.constant 0 : i32
    %cond3A_7 = arith.cmpi ne, %convert_element_type3A, %cond3A : i32
    scf.if %cond3A_7 {
      %add3A = arith.constant 0 : i32
      %add3A_23 = arith.addi %mul3A_2, %add3A : i32
      %dma_start3A_24 = arith.constant 0 : i32
      %dma_start3A_25 = tpu.memref_slice %arg3[%dma_start3A_24, %add3A_23] : memref<2x320000xi32, #tpu.memory_space<hbm>> -> memref<1x400xi32, #tpu.memory_space<hbm>>
      %dma_start3A_26 = tpu.memref_squeeze %dma_start3A_25 : memref<1x400xi32, #tpu.memory_space<hbm>> -> memref<400xi32, #tpu.memory_space<hbm>>
      %dma_start3A_27 = tpu.memref_slice %arg3[%dma_start3A_24, %add3A_23] : memref<2x320000xi32, #tpu.memory_space<hbm>> -> memref<1x400xi32, #tpu.memory_space<hbm>>
      %dma_start3A_28 = tpu.memref_squeeze %dma_start3A_27 : memref<1x400xi32, #tpu.memory_space<hbm>> -> memref<400xi32, #tpu.memory_space<hbm>>
      tpu.enqueue_dma source(%dma_start3A_28 : memref<400xi32, #tpu.memory_space<hbm>>) target(%arg7 : memref<400xi32, #tpu.memory_space<vmem>>) target_semaphore(%arg14 : memref<!tpu.dma_semaphore, #tpu.memory_space<semaphore_mem>>)
      %dma_start3A_29 = arith.constant 1 : i32
      %dma_start3A_30 = tpu.memref_slice %arg3[%dma_start3A_29, %add3A_23] : memref<2x320000xi32, #tpu.memory_space<hbm>> -> memref<1x400xi32, #tpu.memory_space<hbm>>
      %dma_start3A_31 = tpu.memref_squeeze %dma_start3A_30 : memref<1x400xi32, #tpu.memory_space<hbm>> -> memref<400xi32, #tpu.memory_space<hbm>>
      %dma_start3A_32 = tpu.memref_slice %arg3[%dma_start3A_29, %add3A_23] : memref<2x320000xi32, #tpu.memory_space<hbm>> -> memref<1x400xi32, #tpu.memory_space<hbm>>
      %dma_start3A_33 = tpu.memref_squeeze %dma_start3A_32 : memref<1x400xi32, #tpu.memory_space<hbm>> -> memref<400xi32, #tpu.memory_space<hbm>>
      tpu.enqueue_dma source(%dma_start3A_33 : memref<400xi32, #tpu.memory_space<hbm>>) target(%arg9 : memref<400xi32, #tpu.memory_space<vmem>>) target_semaphore(%arg14 : memref<!tpu.dma_semaphore, #tpu.memory_space<semaphore_mem>>)
      %dma_wait3A = arith.constant 0 : i32
      %dma_wait3A_34 = tpu.memref_slice %arg3[%dma_wait3A, %add3A_23] : memref<2x320000xi32, #tpu.memory_space<hbm>> -> memref<1x400xi32, #tpu.memory_space<hbm>>
      %dma_wait3A_35 = tpu.memref_squeeze %dma_wait3A_34 : memref<1x400xi32, #tpu.memory_space<hbm>> -> memref<400xi32, #tpu.memory_space<hbm>>
      %dma_wait3A_36 = tpu.memref_slice %arg3[%dma_wait3A, %add3A_23] : memref<2x320000xi32, #tpu.memory_space<hbm>> -> memref<1x400xi32, #tpu.memory_space<hbm>>
      %dma_wait3A_37 = tpu.memref_squeeze %dma_wait3A_36 : memref<1x400xi32, #tpu.memory_space<hbm>> -> memref<400xi32, #tpu.memory_space<hbm>>
      tpu.wait_dma2 semaphore(%arg14 : memref<!tpu.dma_semaphore, #tpu.memory_space<semaphore_mem>>) src(%dma_wait3A_37 : memref<400xi32, #tpu.memory_space<hbm>>) dst(%arg7 : memref<400xi32, #tpu.memory_space<vmem>>)
      %dma_wait3A_38 = arith.constant 1 : i32
      %dma_wait3A_39 = tpu.memref_slice %arg3[%dma_wait3A_38, %add3A_23] : memref<2x320000xi32, #tpu.memory_space<hbm>> -> memref<1x400xi32, #tpu.memory_space<hbm>>
      %dma_wait3A_40 = tpu.memref_squeeze %dma_wait3A_39 : memref<1x400xi32, #tpu.memory_space<hbm>> -> memref<400xi32, #tpu.memory_space<hbm>>
      %dma_wait3A_41 = tpu.memref_slice %arg3[%dma_wait3A_38, %add3A_23] : memref<2x320000xi32, #tpu.memory_space<hbm>> -> memref<1x400xi32, #tpu.memory_space<hbm>>
      %dma_wait3A_42 = tpu.memref_squeeze %dma_wait3A_41 : memref<1x400xi32, #tpu.memory_space<hbm>> -> memref<400xi32, #tpu.memory_space<hbm>>
      tpu.wait_dma2 semaphore(%arg14 : memref<!tpu.dma_semaphore, #tpu.memory_space<semaphore_mem>>) src(%dma_wait3A_42 : memref<400xi32, #tpu.memory_space<hbm>>) dst(%arg9 : memref<400xi32, #tpu.memory_space<vmem>>)
      %scan3A = arith.constant 0 : i32
      %scan3A_43 = arith.constant 0 : i32
      %scan3A_44 = arith.constant 25 : i32
      %scan3A_45 = arith.addi %scan3A_43, %scan3A_44 : i32
      %scan3A_46 = arith.constant 1 : i32
      scf.for %scan3A_74 = %scan3A_43 to %scan3A_45 step %scan3A_46  : i32 {
        %mul3A_75 = arith.constant 16 : i32
        %mul3A_76 = arith.muli %scan3A_74, %mul3A_75 : i32
        %get3A = arith.index_cast %mul3A_76 : i32 to index
        %get3A_77 = tpu.vector_load %arg7[%get3A] {strides = array<i32>} : memref<400xi32, #tpu.memory_space<vmem>>, vector<16xi32>,
        %get3A_78 = vector.shape_cast %get3A_77 : vector<16xi32> to vector<16xi32>
        %mul3A_79 = arith.constant 2 : i32
        %mul3A_80 = vector.broadcast %mul3A_79 : i32 to vector<16xi32>
        %mul3A_81 = arith.muli %get3A_78, %mul3A_80 : vector<16xi32>
        %add3A_82 = vector.broadcast %arg0 : i32 to vector<16xi32>
        %add3A_83 = arith.addi %mul3A_81, %add3A_82 : vector<16xi32>
        %mul3A_84 = arith.constant 16 : i32
        %mul3A_85 = arith.muli %scan3A_74, %mul3A_84 : i32
        %swap3A = arith.index_cast %mul3A_85 : i32 to index
        %swap3A_86 = tpu.vector_load %arg7[%swap3A] {strides = array<i32>} : memref<400xi32, #tpu.memory_space<vmem>>, vector<16xi32>,
        %swap3A_87 = vector.shape_cast %swap3A_86 : vector<16xi32> to vector<16xi32>
        %swap3A_88 = vector.shape_cast %add3A_83 : vector<16xi32> to vector<16xi32>
        tpu.vector_store %arg7[%swap3A], %swap3A_88 {strides = array<i32>} : memref<400xi32, #tpu.memory_space<vmem>>, vector<16xi32>,
      }
      %scan3A_47 = arith.constant 25 : i32
      %add3A_48 = arith.constant 400 : i32
      %add3A_49 = arith.addi %mul3A_2, %add3A_48 : i32
      %dma_start3A_50 = arith.constant 0 : i32
      %dma_start3A_51 = tpu.memref_slice %arg3[%dma_start3A_50, %add3A_49] : memref<2x320000xi32, #tpu.memory_space<hbm>> -> memref<1x400xi32, #tpu.memory_space<hbm>>
      %dma_start3A_52 = tpu.memref_squeeze %dma_start3A_51 : memref<1x400xi32, #tpu.memory_space<hbm>> -> memref<400xi32, #tpu.memory_space<hbm>>
      %dma_start3A_53 = tpu.memref_slice %arg3[%dma_start3A_50, %add3A_49] : memref<2x320000xi32, #tpu.memory_space<hbm>> -> memref<1x400xi32, #tpu.memory_space<hbm>>
      %dma_start3A_54 = tpu.memref_squeeze %dma_start3A_53 : memref<1x400xi32, #tpu.memory_space<hbm>> -> memref<400xi32, #tpu.memory_space<hbm>>
      tpu.enqueue_dma source(%dma_start3A_54 : memref<400xi32, #tpu.memory_space<hbm>>) target(%arg8 : memref<400xi32, #tpu.memory_space<vmem>>) target_semaphore(%arg15 : memref<!tpu.dma_semaphore, #tpu.memory_space<semaphore_mem>>)
      %dma_start3A_55 = arith.constant 1 : i32
      %dma_start3A_56 = tpu.memref_slice %arg3[%dma_start3A_55, %add3A_49] : memref<2x320000xi32, #tpu.memory_space<hbm>> -> memref<1x400xi32, #tpu.memory_space<hbm>>
      %dma_start3A_57 = tpu.memref_squeeze %dma_start3A_56 : memref<1x400xi32, #tpu.memory_space<hbm>> -> memref<400xi32, #tpu.memory_space<hbm>>
      %dma_start3A_58 = tpu.memref_slice %arg3[%dma_start3A_55, %add3A_49] : memref<2x320000xi32, #tpu.memory_space<hbm>> -> memref<1x400xi32, #tpu.memory_space<hbm>>
      %dma_start3A_59 = tpu.memref_squeeze %dma_start3A_58 : memref<1x400xi32, #tpu.memory_space<hbm>> -> memref<400xi32, #tpu.memory_space<hbm>>
      tpu.enqueue_dma source(%dma_start3A_59 : memref<400xi32, #tpu.memory_space<hbm>>) target(%arg10 : memref<400xi32, #tpu.memory_space<vmem>>) target_semaphore(%arg15 : memref<!tpu.dma_semaphore, #tpu.memory_space<semaphore_mem>>)
      %dma_start3A_60 = arith.constant 0 : i32
      %dma_start3A_61 = arith.constant 0 : i32
      %dma_start3A_62 = tpu.memref_slice %arg2[%dma_start3A_60, %dma_start3A_61] : memref<20000x64xf32, #tpu.memory_space<hbm>> -> memref<20000x64xf32, #tpu.memory_space<hbm>>
      tpu.enqueue_indirect_dma source(%dma_start3A_62 : memref<20000x64xf32, #tpu.memory_space<hbm>>) target(%arg11 : memref<400x64xf32, #tpu.memory_space<vmem>>) offsets(%arg7 : memref<400xi32, #tpu.memory_space<vmem>>) semaphore(%arg16 : memref<!tpu.dma_semaphore, #tpu.memory_space<semaphore_mem>>)
      %dma_wait3A_63 = arith.constant 0 : i32
      %dma_wait3A_64 = tpu.memref_slice %arg13[%mul3A_0, %dma_wait3A_63] : memref<10000x64xf32, #tpu.memory_space<vmem_shared>> -> memref<625x64xf32, #tpu.memory_space<vmem_shared>>
      %dma_wait3A_65 = arith.constant 0 : i32
      %dma_wait3A_66 = tpu.memref_slice %arg4[%mul3A_0, %dma_wait3A_65] : memref<10000x64xf32, #tpu.memory_space<hbm>> -> memref<625x64xf32, #tpu.memory_space<hbm>>
      tpu.wait_dma2 semaphore(%arg18 : memref<!tpu.dma_semaphore, #tpu.memory_space<semaphore_mem>>) src(%dma_wait3A_66 : memref<625x64xf32, #tpu.memory_space<hbm>>) dst(%dma_wait3A_64 : memref<625x64xf32, #tpu.memory_space<vmem_shared>>)
      %barrier3A_67 = arith.constant 0 : index
      tpu.barrier barrier_id(%barrier3A_67)
      %scan3A_68 = arith.constant 0 : i32
      %scan3A_69 = arith.constant 0 : i32
      %scan3A_70 = arith.constant 25 : i32
      %scan3A_71 = arith.addi %scan3A_69, %scan3A_70 : i32
      %scan3A_72 = arith.constant 1 : i32
      scf.for %scan3A_74 = %scan3A_69 to %scan3A_71 step %scan3A_72  : i32 {
        %mul3A_75 = arith.constant 2 : i32
        %mul3A_76 = arith.muli %mul3A_75, %scan3A_74 : i32
        %add3A_77 = arith.constant 0 : i32
        %add3A_78 = arith.addi %mul3A_76, %add3A_77 : i32
        %add3A_79 = arith.constant 1 : i32
        %add3A_80 = arith.addi %add3A_78, %add3A_79 : i32
        %lt3A = arith.constant 50 : i32
        %lt3A_81 = arith.cmpi slt, %add3A_80, %lt3A : i32
        %convert_element_type3A_82 = arith.extui %lt3A_81 : i1 to i32
        %cond3A_83 = arith.constant 0 : i32
        %cond3A_84 = arith.cmpi ne, %convert_element_type3A_82, %cond3A_83 : i32
        scf.if %cond3A_84 {
          %add3A_116 = arith.constant 1 : i32
          %add3A_117 = arith.addi %add3A_78, %add3A_116 : i32
          %mul3A_118 = arith.constant 400 : i32
          %mul3A_119 = arith.muli %add3A_117, %mul3A_118 : i32
          %add3A_120 = arith.addi %mul3A_2, %mul3A_119 : i32
          %dma_wait3A_121 = arith.constant 0 : i32
          %dma_wait3A_122 = tpu.memref_slice %arg3[%dma_wait3A_121, %add3A_120] : memref<2x320000xi32, #tpu.memory_space<hbm>> -> memref<1x400xi32, #tpu.memory_space<hbm>>
          %dma_wait3A_123 = tpu.memref_squeeze %dma_wait3A_122 : memref<1x400xi32, #tpu.memory_space<hbm>> -> memref<400xi32, #tpu.memory_space<hbm>>
          %dma_wait3A_124 = tpu.memref_slice %arg3[%dma_wait3A_121, %add3A_120] : memref<2x320000xi32, #tpu.memory_space<hbm>> -> memref<1x400xi32, #tpu.memory_space<hbm>>
          %dma_wait3A_125 = tpu.memref_squeeze %dma_wait3A_124 : memref<1x400xi32, #tpu.memory_space<hbm>> -> memref<400xi32, #tpu.memory_space<hbm>>
          tpu.wait_dma2 semaphore(%arg15 : memref<!tpu.dma_semaphore, #tpu.memory_space<semaphore_mem>>) src(%dma_wait3A_125 : memref<400xi32, #tpu.memory_space<hbm>>) dst(%arg8 : memref<400xi32, #tpu.memory_space<vmem>>)
          %dma_wait3A_126 = arith.constant 1 : i32
          %dma_wait3A_127 = tpu.memref_slice %arg3[%dma_wait3A_126, %add3A_120] : memref<2x320000xi32, #tpu.memory_space<hbm>> -> memref<1x400xi32, #tpu.memory_space<hbm>>
          %dma_wait3A_128 = tpu.memref_squeeze %dma_wait3A_127 : memref<1x400xi32, #tpu.memory_space<hbm>> -> memref<400xi32, #tpu.memory_space<hbm>>
          %dma_wait3A_129 = tpu.memref_slice %arg3[%dma_wait3A_126, %add3A_120] : memref<2x320000xi32, #tpu.memory_space<hbm>> -> memref<1x400xi32, #tpu.memory_space<hbm>>
          %dma_wait3A_130 = tpu.memref_squeeze %dma_wait3A_129 : memref<1x400xi32, #tpu.memory_space<hbm>> -> memref<400xi32, #tpu.memory_space<hbm>>
          tpu.wait_dma2 semaphore(%arg15 : memref<!tpu.dma_semaphore, #tpu.memory_space<semaphore_mem>>) src(%dma_wait3A_130 : memref<400xi32, #tpu.memory_space<hbm>>) dst(%arg10 : memref<400xi32, #tpu.memory_space<vmem>>)
          %scan3A_131 = arith.constant 0 : i32
          %scan3A_132 = arith.constant 0 : i32
          %scan3A_133 = arith.constant 25 : i32
          %scan3A_134 = arith.addi %scan3A_132, %scan3A_133 : i32
          %scan3A_135 = arith.constant 1 : i32
          scf.for %scan3A_140 = %scan3A_132 to %scan3A_134 step %scan3A_135  : i32 {
            %mul3A_141 = arith.constant 16 : i32
            %mul3A_142 = arith.muli %scan3A_140, %mul3A_141 : i32
            %get3A = arith.index_cast %mul3A_142 : i32 to index
            %get3A_143 = tpu.vector_load %arg8[%get3A] {strides = array<i32>} : memref<400xi32, #tpu.memory_space<vmem>>, vector<16xi32>,
            %get3A_144 = vector.shape_cast %get3A_143 : vector<16xi32> to vector<16xi32>
            %mul3A_145 = arith.constant 2 : i32
            %mul3A_146 = vector.broadcast %mul3A_145 : i32 to vector<16xi32>
            %mul3A_147 = arith.muli %get3A_144, %mul3A_146 : vector<16xi32>
            %add3A_148 = vector.broadcast %arg0 : i32 to vector<16xi32>
            %add3A_149 = arith.addi %mul3A_147, %add3A_148 : vector<16xi32>
            %mul3A_150 = arith.constant 16 : i32
            %mul3A_151 = arith.muli %scan3A_140, %mul3A_150 : i32
            %swap3A = arith.index_cast %mul3A_151 : i32 to index
            %swap3A_152 = tpu.vector_load %arg8[%swap3A] {strides = array<i32>} : memref<400xi32, #tpu.memory_space<vmem>>, vector<16xi32>,
            %swap3A_153 = vector.shape_cast %swap3A_152 : vector<16xi32> to vector<16xi32>
            %swap3A_154 = vector.shape_cast %add3A_149 : vector<16xi32> to vector<16xi32>
            tpu.vector_store %arg8[%swap3A], %swap3A_154 {strides = array<i32>} : memref<400xi32, #tpu.memory_space<vmem>>, vector<16xi32>,
          }
          %scan3A_136 = arith.constant 25 : i32
          %dma_start3A_137 = arith.constant 0 : i32
          %dma_start3A_138 = arith.constant 0 : i32
          %dma_start3A_139 = tpu.memref_slice %arg2[%dma_start3A_137, %dma_start3A_138] : memref<20000x64xf32, #tpu.memory_space<hbm>> -> memref<20000x64xf32, #tpu.memory_space<hbm>>
          tpu.enqueue_indirect_dma source(%dma_start3A_139 : memref<20000x64xf32, #tpu.memory_space<hbm>>) target(%arg12 : memref<400x64xf32, #tpu.memory_space<vmem>>) offsets(%arg8 : memref<400xi32, #tpu.memory_space<vmem>>) semaphore(%arg17 : memref<!tpu.dma_semaphore, #tpu.memory_space<semaphore_mem>>)
        } else {
        }
        %dma_wait3A_85 = arith.constant 0 : i32
        %dma_wait3A_86 = arith.constant 0 : i32
        %dma_wait3A_87 = tpu.memref_slice %arg2[%dma_wait3A_85, %dma_wait3A_86] : memref<20000x64xf32, #tpu.memory_space<hbm>> -> memref<20000x64xf32, #tpu.memory_space<hbm>>
        tpu.wait_indirect_dma semaphore(%arg16 : memref<!tpu.dma_semaphore, #tpu.memory_space<semaphore_mem>>) src(%dma_wait3A_87 : memref<20000x64xf32, #tpu.memory_space<hbm>>) dst(%arg11 : memref<400x64xf32, #tpu.memory_space<vmem>>)
        "tpu.region"() ({
          %run_scoped3A = tpu.sem_alloc : memref<!tpu.dma_semaphore, #tpu.memory_space<semaphore_mem>>
          %dma_start3A_116 = arith.constant 0 : i32
          %dma_start3A_117 = arith.constant 0 : i32
          %dma_start3A_118 = tpu.memref_slice %arg13[%dma_start3A_116, %dma_start3A_117] : memref<10000x64xf32, #tpu.memory_space<vmem_shared>> -> memref<10000x64xf32, #tpu.memory_space<vmem_shared>>
          tpu.enqueue_indirect_dma source(%arg11 : memref<400x64xf32, #tpu.memory_space<vmem>>) target(%dma_start3A_118 : memref<10000x64xf32, #tpu.memory_space<vmem_shared>>) offsets(%arg9 : memref<400xi32, #tpu.memory_space<vmem>>) semaphore(%run_scoped3A : memref<!tpu.dma_semaphore, #tpu.memory_space<semaphore_mem>>) {add = true}
          %dma_wait3A_119 = arith.constant 0 : i32
          %dma_wait3A_120 = arith.constant 0 : i32
          %dma_wait3A_121 = tpu.memref_slice %arg13[%dma_wait3A_119, %dma_wait3A_120] : memref<10000x64xf32, #tpu.memory_space<vmem_shared>> -> memref<10000x64xf32, #tpu.memory_space<vmem_shared>>
          tpu.wait_indirect_dma semaphore(%run_scoped3A : memref<!tpu.dma_semaphore, #tpu.memory_space<semaphore_mem>>) src(%arg11 : memref<400x64xf32, #tpu.memory_space<vmem>>) dst(%dma_wait3A_121 : memref<10000x64xf32, #tpu.memory_space<vmem_shared>>)
          tpu.yield
        }) : () -> ()
        %add3A_88 = arith.constant 2 : i32
        %add3A_89 = arith.addi %add3A_78, %add3A_88 : i32
        %lt3A_90 = arith.constant 50 : i32
        %lt3A_91 = arith.cmpi slt, %add3A_89, %lt3A_90 : i32
        %convert_element_type3A_92 = arith.extui %lt3A_91 : i1 to i32
        %cond3A_93 = arith.constant 0 : i32
        %cond3A_94 = arith.cmpi ne, %convert_element_type3A_92, %cond3A_93 : i32
        scf.if %cond3A_94 {
          %add3A_116 = arith.constant 2 : i32
          %add3A_117 = arith.addi %add3A_78, %add3A_116 : i32
          %mul3A_118 = arith.constant 400 : i32
          %mul3A_119 = arith.muli %add3A_117, %mul3A_118 : i32
          %add3A_120 = arith.addi %mul3A_2, %mul3A_119 : i32
          %dma_start3A_121 = arith.constant 0 : i32
          %dma_start3A_122 = tpu.memref_slice %arg3[%dma_start3A_121, %add3A_120] : memref<2x320000xi32, #tpu.memory_space<hbm>> -> memref<1x400xi32, #tpu.memory_space<hbm>>
          %dma_start3A_123 = tpu.memref_squeeze %dma_start3A_122 : memref<1x400xi32, #tpu.memory_space<hbm>> -> memref<400xi32, #tpu.memory_space<hbm>>
          %dma_start3A_124 = tpu.memref_slice %arg3[%dma_start3A_121, %add3A_120] : memref<2x320000xi32, #tpu.memory_space<hbm>> -> memref<1x400xi32, #tpu.memory_space<hbm>>
          %dma_start3A_125 = tpu.memref_squeeze %dma_start3A_124 : memref<1x400xi32, #tpu.memory_space<hbm>> -> memref<400xi32, #tpu.memory_space<hbm>>
          tpu.enqueue_dma source(%dma_start3A_125 : memref<400xi32, #tpu.memory_space<hbm>>) target(%arg7 : memref<400xi32, #tpu.memory_space<vmem>>) target_semaphore(%arg14 : memref<!tpu.dma_semaphore, #tpu.memory_space<semaphore_mem>>)
          %dma_start3A_126 = arith.constant 1 : i32
          %dma_start3A_127 = tpu.memref_slice %arg3[%dma_start3A_126, %add3A_120] : memref<2x320000xi32, #tpu.memory_space<hbm>> -> memref<1x400xi32, #tpu.memory_space<hbm>>
          %dma_start3A_128 = tpu.memref_squeeze %dma_start3A_127 : memref<1x400xi32, #tpu.memory_space<hbm>> -> memref<400xi32, #tpu.memory_space<hbm>>
          %dma_start3A_129 = tpu.memref_slice %arg3[%dma_start3A_126, %add3A_120] : memref<2x320000xi32, #tpu.memory_space<hbm>> -> memref<1x400xi32, #tpu.memory_space<hbm>>
          %dma_start3A_130 = tpu.memref_squeeze %dma_start3A_129 : memref<1x400xi32, #tpu.memory_space<hbm>> -> memref<400xi32, #tpu.memory_space<hbm>>
          tpu.enqueue_dma source(%dma_start3A_130 : memref<400xi32, #tpu.memory_space<hbm>>) target(%arg9 : memref<400xi32, #tpu.memory_space<vmem>>) target_semaphore(%arg14 : memref<!tpu.dma_semaphore, #tpu.memory_space<semaphore_mem>>)
        } else {
        }
        %mul3A_95 = arith.constant 2 : i32
        %mul3A_96 = arith.muli %mul3A_95, %scan3A_74 : i32
        %add3A_97 = arith.constant 1 : i32
        %add3A_98 = arith.addi %mul3A_96, %add3A_97 : i32
        %add3A_99 = arith.constant 1 : i32
        %add3A_100 = arith.addi %add3A_98, %add3A_99 : i32
        %lt3A_101 = arith.constant 50 : i32
        %lt3A_102 = arith.cmpi slt, %add3A_100, %lt3A_101 : i32
        %convert_element_type3A_103 = arith.extui %lt3A_102 : i1 to i32
        %cond3A_104 = arith.constant 0 : i32
        %cond3A_105 = arith.cmpi ne, %convert_element_type3A_103, %cond3A_104 : i32
        scf.if %cond3A_105 {
          %add3A_116 = arith.constant 1 : i32
          %add3A_117 = arith.addi %add3A_98, %add3A_116 : i32
          %mul3A_118 = arith.constant 400 : i32
          %mul3A_119 = arith.muli %add3A_117, %mul3A_118 : i32
          %add3A_120 = arith.addi %mul3A_2, %mul3A_119 : i32
          %dma_wait3A_121 = arith.constant 0 : i32
          %dma_wait3A_122 = tpu.memref_slice %arg3[%dma_wait3A_121, %add3A_120] : memref<2x320000xi32, #tpu.memory_space<hbm>> -> memref<1x400xi32, #tpu.memory_space<hbm>>
          %dma_wait3A_123 = tpu.memref_squeeze %dma_wait3A_122 : memref<1x400xi32, #tpu.memory_space<hbm>> -> memref<400xi32, #tpu.memory_space<hbm>>
          %dma_wait3A_124 = tpu.memref_slice %arg3[%dma_wait3A_121, %add3A_120] : memref<2x320000xi32, #tpu.memory_space<hbm>> -> memref<1x400xi32, #tpu.memory_space<hbm>>
          %dma_wait3A_125 = tpu.memref_squeeze %dma_wait3A_124 : memref<1x400xi32, #tpu.memory_space<hbm>> -> memref<400xi32, #tpu.memory_space<hbm>>
          tpu.wait_dma2 semaphore(%arg14 : memref<!tpu.dma_semaphore, #tpu.memory_space<semaphore_mem>>) src(%dma_wait3A_125 : memref<400xi32, #tpu.memory_space<hbm>>) dst(%arg7 : memref<400xi32, #tpu.memory_space<vmem>>)
          %dma_wait3A_126 = arith.constant 1 : i32
          %dma_wait3A_127 = tpu.memref_slice %arg3[%dma_wait3A_126, %add3A_120] : memref<2x320000xi32, #tpu.memory_space<hbm>> -> memref<1x400xi32, #tpu.memory_space<hbm>>
          %dma_wait3A_128 = tpu.memref_squeeze %dma_wait3A_127 : memref<1x400xi32, #tpu.memory_space<hbm>> -> memref<400xi32, #tpu.memory_space<hbm>>
          %dma_wait3A_129 = tpu.memref_slice %arg3[%dma_wait3A_126, %add3A_120] : memref<2x320000xi32, #tpu.memory_space<hbm>> -> memref<1x400xi32, #tpu.memory_space<hbm>>
          %dma_wait3A_130 = tpu.memref_squeeze %dma_wait3A_129 : memref<1x400xi32, #tpu.memory_space<hbm>> -> memref<400xi32, #tpu.memory_space<hbm>>
          tpu.wait_dma2 semaphore(%arg14 : memref<!tpu.dma_semaphore, #tpu.memory_space<semaphore_mem>>) src(%dma_wait3A_130 : memref<400xi32, #tpu.memory_space<hbm>>) dst(%arg9 : memref<400xi32, #tpu.memory_space<vmem>>)
          %scan3A_131 = arith.constant 0 : i32
          %scan3A_132 = arith.constant 0 : i32
          %scan3A_133 = arith.constant 25 : i32
          %scan3A_134 = arith.addi %scan3A_132, %scan3A_133 : i32
          %scan3A_135 = arith.constant 1 : i32
          scf.for %scan3A_140 = %scan3A_132 to %scan3A_134 step %scan3A_135  : i32 {
            %mul3A_141 = arith.constant 16 : i32
            %mul3A_142 = arith.muli %scan3A_140, %mul3A_141 : i32
            %get3A = arith.index_cast %mul3A_142 : i32 to index
            %get3A_143 = tpu.vector_load %arg7[%get3A] {strides = array<i32>} : memref<400xi32, #tpu.memory_space<vmem>>, vector<16xi32>,
            %get3A_144 = vector.shape_cast %get3A_143 : vector<16xi32> to vector<16xi32>
            %mul3A_145 = arith.constant 2 : i32
            %mul3A_146 = vector.broadcast %mul3A_145 : i32 to vector<16xi32>
            %mul3A_147 = arith.muli %get3A_144, %mul3A_146 : vector<16xi32>
            %add3A_148 = vector.broadcast %arg0 : i32 to vector<16xi32>
            %add3A_149 = arith.addi %mul3A_147, %add3A_148 : vector<16xi32>
            %mul3A_150 = arith.constant 16 : i32
            %mul3A_151 = arith.muli %scan3A_140, %mul3A_150 : i32
            %swap3A = arith.index_cast %mul3A_151 : i32 to index
            %swap3A_152 = tpu.vector_load %arg7[%swap3A] {strides = array<i32>} : memref<400xi32, #tpu.memory_space<vmem>>, vector<16xi32>,
            %swap3A_153 = vector.shape_cast %swap3A_152 : vector<16xi32> to vector<16xi32>
            %swap3A_154 = vector.shape_cast %add3A_149 : vector<16xi32> to vector<16xi32>
            tpu.vector_store %arg7[%swap3A], %swap3A_154 {strides = array<i32>} : memref<400xi32, #tpu.memory_space<vmem>>, vector<16xi32>,
          }
          %scan3A_136 = arith.constant 25 : i32
          %dma_start3A_137 = arith.constant 0 : i32
          %dma_start3A_138 = arith.constant 0 : i32
          %dma_start3A_139 = tpu.memref_slice %arg2[%dma_start3A_137, %dma_start3A_138] : memref<20000x64xf32, #tpu.memory_space<hbm>> -> memref<20000x64xf32, #tpu.memory_space<hbm>>
          tpu.enqueue_indirect_dma source(%dma_start3A_139 : memref<20000x64xf32, #tpu.memory_space<hbm>>) target(%arg11 : memref<400x64xf32, #tpu.memory_space<vmem>>) offsets(%arg7 : memref<400xi32, #tpu.memory_space<vmem>>) semaphore(%arg16 : memref<!tpu.dma_semaphore, #tpu.memory_space<semaphore_mem>>)
        } else {
        }
        %dma_wait3A_106 = arith.constant 0 : i32
        %dma_wait3A_107 = arith.constant 0 : i32
        %dma_wait3A_108 = tpu.memref_slice %arg2[%dma_wait3A_106, %dma_wait3A_107] : memref<20000x64xf32, #tpu.memory_space<hbm>> -> memref<20000x64xf32, #tpu.memory_space<hbm>>
        tpu.wait_indirect_dma semaphore(%arg17 : memref<!tpu.dma_semaphore, #tpu.memory_space<semaphore_mem>>) src(%dma_wait3A_108 : memref<20000x64xf32, #tpu.memory_space<hbm>>) dst(%arg12 : memref<400x64xf32, #tpu.memory_space<vmem>>)
        "tpu.region"() ({
          %run_scoped3A = tpu.sem_alloc : memref<!tpu.dma_semaphore, #tpu.memory_space<semaphore_mem>>
          %dma_start3A_116 = arith.constant 0 : i32
          %dma_start3A_117 = arith.constant 0 : i32
          %dma_start3A_118 = tpu.memref_slice %arg13[%dma_start3A_116, %dma_start3A_117] : memref<10000x64xf32, #tpu.memory_space<vmem_shared>> -> memref<10000x64xf32, #tpu.memory_space<vmem_shared>>
          tpu.enqueue_indirect_dma source(%arg12 : memref<400x64xf32, #tpu.memory_space<vmem>>) target(%dma_start3A_118 : memref<10000x64xf32, #tpu.memory_space<vmem_shared>>) offsets(%arg10 : memref<400xi32, #tpu.memory_space<vmem>>) semaphore(%run_scoped3A : memref<!tpu.dma_semaphore, #tpu.memory_space<semaphore_mem>>) {add = true}
          %dma_wait3A_119 = arith.constant 0 : i32
          %dma_wait3A_120 = arith.constant 0 : i32
          %dma_wait3A_121 = tpu.memref_slice %arg13[%dma_wait3A_119, %dma_wait3A_120] : memref<10000x64xf32, #tpu.memory_space<vmem_shared>> -> memref<10000x64xf32, #tpu.memory_space<vmem_shared>>
          tpu.wait_indirect_dma semaphore(%run_scoped3A : memref<!tpu.dma_semaphore, #tpu.memory_space<semaphore_mem>>) src(%arg12 : memref<400x64xf32, #tpu.memory_space<vmem>>) dst(%dma_wait3A_121 : memref<10000x64xf32, #tpu.memory_space<vmem_shared>>)
          tpu.yield
        }) : () -> ()
        %add3A_109 = arith.constant 2 : i32
        %add3A_110 = arith.addi %add3A_98, %add3A_109 : i32
        %lt3A_111 = arith.constant 50 : i32
        %lt3A_112 = arith.cmpi slt, %add3A_110, %lt3A_111 : i32
        %convert_element_type3A_113 = arith.extui %lt3A_112 : i1 to i32
        %cond3A_114 = arith.constant 0 : i32
        %cond3A_115 = arith.cmpi ne, %convert_element_type3A_113, %cond3A_114 : i32
        scf.if %cond3A_115 {
          %add3A_116 = arith.constant 2 : i32
          %add3A_117 = arith.addi %add3A_98, %add3A_116 : i32
          %mul3A_118 = arith.constant 400 : i32
          %mul3A_119 = arith.muli %add3A_117, %mul3A_118 : i32
          %add3A_120 = arith.addi %mul3A_2, %mul3A_119 : i32
          %dma_start3A_121 = arith.constant 0 : i32
          %dma_start3A_122 = tpu.memref_slice %arg3[%dma_start3A_121, %add3A_120] : memref<2x320000xi32, #tpu.memory_space<hbm>> -> memref<1x400xi32, #tpu.memory_space<hbm>>
          %dma_start3A_123 = tpu.memref_squeeze %dma_start3A_122 : memref<1x400xi32, #tpu.memory_space<hbm>> -> memref<400xi32, #tpu.memory_space<hbm>>
          %dma_start3A_124 = tpu.memref_slice %arg3[%dma_start3A_121, %add3A_120] : memref<2x320000xi32, #tpu.memory_space<hbm>> -> memref<1x400xi32, #tpu.memory_space<hbm>>
          %dma_start3A_125 = tpu.memref_squeeze %dma_start3A_124 : memref<1x400xi32, #tpu.memory_space<hbm>> -> memref<400xi32, #tpu.memory_space<hbm>>
          tpu.enqueue_dma source(%dma_start3A_125 : memref<400xi32, #tpu.memory_space<hbm>>) target(%arg8 : memref<400xi32, #tpu.memory_space<vmem>>) target_semaphore(%arg15 : memref<!tpu.dma_semaphore, #tpu.memory_space<semaphore_mem>>)
          %dma_start3A_126 = arith.constant 1 : i32
          %dma_start3A_127 = tpu.memref_slice %arg3[%dma_start3A_126, %add3A_120] : memref<2x320000xi32, #tpu.memory_space<hbm>> -> memref<1x400xi32, #tpu.memory_space<hbm>>
          %dma_start3A_128 = tpu.memref_squeeze %dma_start3A_127 : memref<1x400xi32, #tpu.memory_space<hbm>> -> memref<400xi32, #tpu.memory_space<hbm>>
          %dma_start3A_129 = tpu.memref_slice %arg3[%dma_start3A_126, %add3A_120] : memref<2x320000xi32, #tpu.memory_space<hbm>> -> memref<1x400xi32, #tpu.memory_space<hbm>>
          %dma_start3A_130 = tpu.memref_squeeze %dma_start3A_129 : memref<1x400xi32, #tpu.memory_space<hbm>> -> memref<400xi32, #tpu.memory_space<hbm>>
          tpu.enqueue_dma source(%dma_start3A_130 : memref<400xi32, #tpu.memory_space<hbm>>) target(%arg10 : memref<400xi32, #tpu.memory_space<vmem>>) target_semaphore(%arg15 : memref<!tpu.dma_semaphore, #tpu.memory_space<semaphore_mem>>)
        } else {
        }
      }
      %scan3A_73 = arith.constant 25 : i32
    } else {
    }
    %eq3A_8 = arith.constant 1 : i32
    %eq3A_9 = arith.cmpi eq, %arg0, %eq3A_8 : i32
    %convert_element_type3A_10 = arith.extui %eq3A_9 : i1 to i32
    %cond3A_11 = arith.constant 0 : i32
    %cond3A_12 = arith.cmpi ne, %convert_element_type3A_10, %cond3A_11 : i32
    scf.if %cond3A_12 {
      %add3A = arith.constant 0 : i32
      %add3A_23 = arith.addi %mul3A_2, %add3A : i32
      %dma_start3A_24 = arith.constant 0 : i32
      %dma_start3A_25 = tpu.memref_slice %arg3[%dma_start3A_24, %add3A_23] : memref<2x320000xi32, #tpu.memory_space<hbm>> -> memref<1x400xi32, #tpu.memory_space<hbm>>
      %dma_start3A_26 = tpu.memref_squeeze %dma_start3A_25 : memref<1x400xi32, #tpu.memory_space<hbm>> -> memref<400xi32, #tpu.memory_space<hbm>>
      %dma_start3A_27 = tpu.memref_slice %arg3[%dma_start3A_24, %add3A_23] : memref<2x320000xi32, #tpu.memory_space<hbm>> -> memref<1x400xi32, #tpu.memory_space<hbm>>
      %dma_start3A_28 = tpu.memref_squeeze %dma_start3A_27 : memref<1x400xi32, #tpu.memory_space<hbm>> -> memref<400xi32, #tpu.memory_space<hbm>>
      tpu.enqueue_dma source(%dma_start3A_28 : memref<400xi32, #tpu.memory_space<hbm>>) target(%arg7 : memref<400xi32, #tpu.memory_space<vmem>>) target_semaphore(%arg14 : memref<!tpu.dma_semaphore, #tpu.memory_space<semaphore_mem>>)
      %dma_start3A_29 = arith.constant 1 : i32
      %dma_start3A_30 = tpu.memref_slice %arg3[%dma_start3A_29, %add3A_23] : memref<2x320000xi32, #tpu.memory_space<hbm>> -> memref<1x400xi32, #tpu.memory_space<hbm>>
      %dma_start3A_31 = tpu.memref_squeeze %dma_start3A_30 : memref<1x400xi32, #tpu.memory_space<hbm>> -> memref<400xi32, #tpu.memory_space<hbm>>
      %dma_start3A_32 = tpu.memref_slice %arg3[%dma_start3A_29, %add3A_23] : memref<2x320000xi32, #tpu.memory_space<hbm>> -> memref<1x400xi32, #tpu.memory_space<hbm>>
      %dma_start3A_33 = tpu.memref_squeeze %dma_start3A_32 : memref<1x400xi32, #tpu.memory_space<hbm>> -> memref<400xi32, #tpu.memory_space<hbm>>
      tpu.enqueue_dma source(%dma_start3A_33 : memref<400xi32, #tpu.memory_space<hbm>>) target(%arg9 : memref<400xi32, #tpu.memory_space<vmem>>) target_semaphore(%arg14 : memref<!tpu.dma_semaphore, #tpu.memory_space<semaphore_mem>>)
      %dma_wait3A = arith.constant 0 : i32
      %dma_wait3A_34 = tpu.memref_slice %arg3[%dma_wait3A, %add3A_23] : memref<2x320000xi32, #tpu.memory_space<hbm>> -> memref<1x400xi32, #tpu.memory_space<hbm>>
      %dma_wait3A_35 = tpu.memref_squeeze %dma_wait3A_34 : memref<1x400xi32, #tpu.memory_space<hbm>> -> memref<400xi32, #tpu.memory_space<hbm>>
      %dma_wait3A_36 = tpu.memref_slice %arg3[%dma_wait3A, %add3A_23] : memref<2x320000xi32, #tpu.memory_space<hbm>> -> memref<1x400xi32, #tpu.memory_space<hbm>>
      %dma_wait3A_37 = tpu.memref_squeeze %dma_wait3A_36 : memref<1x400xi32, #tpu.memory_space<hbm>> -> memref<400xi32, #tpu.memory_space<hbm>>
      tpu.wait_dma2 semaphore(%arg14 : memref<!tpu.dma_semaphore, #tpu.memory_space<semaphore_mem>>) src(%dma_wait3A_37 : memref<400xi32, #tpu.memory_space<hbm>>) dst(%arg7 : memref<400xi32, #tpu.memory_space<vmem>>)
      %dma_wait3A_38 = arith.constant 1 : i32
      %dma_wait3A_39 = tpu.memref_slice %arg3[%dma_wait3A_38, %add3A_23] : memref<2x320000xi32, #tpu.memory_space<hbm>> -> memref<1x400xi32, #tpu.memory_space<hbm>>
      %dma_wait3A_40 = tpu.memref_squeeze %dma_wait3A_39 : memref<1x400xi32, #tpu.memory_space<hbm>> -> memref<400xi32, #tpu.memory_space<hbm>>
      %dma_wait3A_41 = tpu.memref_slice %arg3[%dma_wait3A_38, %add3A_23] : memref<2x320000xi32, #tpu.memory_space<hbm>> -> memref<1x400xi32, #tpu.memory_space<hbm>>
      %dma_wait3A_42 = tpu.memref_squeeze %dma_wait3A_41 : memref<1x400xi32, #tpu.memory_space<hbm>> -> memref<400xi32, #tpu.memory_space<hbm>>
      tpu.wait_dma2 semaphore(%arg14 : memref<!tpu.dma_semaphore, #tpu.memory_space<semaphore_mem>>) src(%dma_wait3A_42 : memref<400xi32, #tpu.memory_space<hbm>>) dst(%arg9 : memref<400xi32, #tpu.memory_space<vmem>>)
      %scan3A = arith.constant 0 : i32
      %scan3A_43 = arith.constant 0 : i32
      %scan3A_44 = arith.constant 25 : i32
      %scan3A_45 = arith.addi %scan3A_43, %scan3A_44 : i32
      %scan3A_46 = arith.constant 1 : i32
      scf.for %scan3A_74 = %scan3A_43 to %scan3A_45 step %scan3A_46  : i32 {
        %mul3A_75 = arith.constant 16 : i32
        %mul3A_76 = arith.muli %scan3A_74, %mul3A_75 : i32
        %get3A = arith.index_cast %mul3A_76 : i32 to index
        %get3A_77 = tpu.vector_load %arg7[%get3A] {strides = array<i32>} : memref<400xi32, #tpu.memory_space<vmem>>, vector<16xi32>,
        %get3A_78 = vector.shape_cast %get3A_77 : vector<16xi32> to vector<16xi32>
        %mul3A_79 = arith.constant 2 : i32
        %mul3A_80 = vector.broadcast %mul3A_79 : i32 to vector<16xi32>
        %mul3A_81 = arith.muli %get3A_78, %mul3A_80 : vector<16xi32>
        %add3A_82 = vector.broadcast %arg0 : i32 to vector<16xi32>
        %add3A_83 = arith.addi %mul3A_81, %add3A_82 : vector<16xi32>
        %mul3A_84 = arith.constant 16 : i32
        %mul3A_85 = arith.muli %scan3A_74, %mul3A_84 : i32
        %swap3A = arith.index_cast %mul3A_85 : i32 to index
        %swap3A_86 = tpu.vector_load %arg7[%swap3A] {strides = array<i32>} : memref<400xi32, #tpu.memory_space<vmem>>, vector<16xi32>,
        %swap3A_87 = vector.shape_cast %swap3A_86 : vector<16xi32> to vector<16xi32>
        %swap3A_88 = vector.shape_cast %add3A_83 : vector<16xi32> to vector<16xi32>
        tpu.vector_store %arg7[%swap3A], %swap3A_88 {strides = array<i32>} : memref<400xi32, #tpu.memory_space<vmem>>, vector<16xi32>,
      }
      %scan3A_47 = arith.constant 25 : i32
      %add3A_48 = arith.constant 400 : i32
      %add3A_49 = arith.addi %mul3A_2, %add3A_48 : i32
      %dma_start3A_50 = arith.constant 0 : i32
      %dma_start3A_51 = tpu.memref_slice %arg3[%dma_start3A_50, %add3A_49] : memref<2x320000xi32, #tpu.memory_space<hbm>> -> memref<1x400xi32, #tpu.memory_space<hbm>>
      %dma_start3A_52 = tpu.memref_squeeze %dma_start3A_51 : memref<1x400xi32, #tpu.memory_space<hbm>> -> memref<400xi32, #tpu.memory_space<hbm>>
      %dma_start3A_53 = tpu.memref_slice %arg3[%dma_start3A_50, %add3A_49] : memref<2x320000xi32, #tpu.memory_space<hbm>> -> memref<1x400xi32, #tpu.memory_space<hbm>>
      %dma_start3A_54 = tpu.memref_squeeze %dma_start3A_53 : memref<1x400xi32, #tpu.memory_space<hbm>> -> memref<400xi32, #tpu.memory_space<hbm>>
      tpu.enqueue_dma source(%dma_start3A_54 : memref<400xi32, #tpu.memory_space<hbm>>) target(%arg8 : memref<400xi32, #tpu.memory_space<vmem>>) target_semaphore(%arg15 : memref<!tpu.dma_semaphore, #tpu.memory_space<semaphore_mem>>)
      %dma_start3A_55 = arith.constant 1 : i32
      %dma_start3A_56 = tpu.memref_slice %arg3[%dma_start3A_55, %add3A_49] : memref<2x320000xi32, #tpu.memory_space<hbm>> -> memref<1x400xi32, #tpu.memory_space<hbm>>
      %dma_start3A_57 = tpu.memref_squeeze %dma_start3A_56 : memref<1x400xi32, #tpu.memory_space<hbm>> -> memref<400xi32, #tpu.memory_space<hbm>>
      %dma_start3A_58 = tpu.memref_slice %arg3[%dma_start3A_55, %add3A_49] : memref<2x320000xi32, #tpu.memory_space<hbm>> -> memref<1x400xi32, #tpu.memory_space<hbm>>
      %dma_start3A_59 = tpu.memref_squeeze %dma_start3A_58 : memref<1x400xi32, #tpu.memory_space<hbm>> -> memref<400xi32, #tpu.memory_space<hbm>>
      tpu.enqueue_dma source(%dma_start3A_59 : memref<400xi32, #tpu.memory_space<hbm>>) target(%arg10 : memref<400xi32, #tpu.memory_space<vmem>>) target_semaphore(%arg15 : memref<!tpu.dma_semaphore, #tpu.memory_space<semaphore_mem>>)
      %dma_start3A_60 = arith.constant 0 : i32
      %dma_start3A_61 = arith.constant 0 : i32
      %dma_start3A_62 = tpu.memref_slice %arg2[%dma_start3A_60, %dma_start3A_61] : memref<20000x64xf32, #tpu.memory_space<hbm>> -> memref<20000x64xf32, #tpu.memory_space<hbm>>
      tpu.enqueue_indirect_dma source(%dma_start3A_62 : memref<20000x64xf32, #tpu.memory_space<hbm>>) target(%arg11 : memref<400x64xf32, #tpu.memory_space<vmem>>) offsets(%arg7 : memref<400xi32, #tpu.memory_space<vmem>>) semaphore(%arg16 : memref<!tpu.dma_semaphore, #tpu.memory_space<semaphore_mem>>)
      %dma_wait3A_63 = arith.constant 0 : i32
      %dma_wait3A_64 = tpu.memref_slice %arg13[%mul3A_0, %dma_wait3A_63] : memref<10000x64xf32, #tpu.memory_space<vmem_shared>> -> memref<625x64xf32, #tpu.memory_space<vmem_shared>>
      %dma_wait3A_65 = arith.constant 0 : i32
      %dma_wait3A_66 = tpu.memref_slice %arg4[%mul3A_0, %dma_wait3A_65] : memref<10000x64xf32, #tpu.memory_space<hbm>> -> memref<625x64xf32, #tpu.memory_space<hbm>>
      tpu.wait_dma2 semaphore(%arg18 : memref<!tpu.dma_semaphore, #tpu.memory_space<semaphore_mem>>) src(%dma_wait3A_66 : memref<625x64xf32, #tpu.memory_space<hbm>>) dst(%dma_wait3A_64 : memref<625x64xf32, #tpu.memory_space<vmem_shared>>)
      %barrier3A_67 = arith.constant 0 : index
      tpu.barrier barrier_id(%barrier3A_67)
      %scan3A_68 = arith.constant 0 : i32
      %scan3A_69 = arith.constant 0 : i32
      %scan3A_70 = arith.constant 25 : i32
      %scan3A_71 = arith.addi %scan3A_69, %scan3A_70 : i32
      %scan3A_72 = arith.constant 1 : i32
      scf.for %scan3A_74 = %scan3A_69 to %scan3A_71 step %scan3A_72  : i32 {
        %mul3A_75 = arith.constant 2 : i32
        %mul3A_76 = arith.muli %mul3A_75, %scan3A_74 : i32
        %add3A_77 = arith.constant 0 : i32
        %add3A_78 = arith.addi %mul3A_76, %add3A_77 : i32
        %add3A_79 = arith.constant 1 : i32
        %add3A_80 = arith.addi %add3A_78, %add3A_79 : i32
        %lt3A = arith.constant 50 : i32
        %lt3A_81 = arith.cmpi slt, %add3A_80, %lt3A : i32
        %convert_element_type3A_82 = arith.extui %lt3A_81 : i1 to i32
        %cond3A_83 = arith.constant 0 : i32
        %cond3A_84 = arith.cmpi ne, %convert_element_type3A_82, %cond3A_83 : i32
        scf.if %cond3A_84 {
          %add3A_116 = arith.constant 1 : i32
          %add3A_117 = arith.addi %add3A_78, %add3A_116 : i32
          %mul3A_118 = arith.constant 400 : i32
          %mul3A_119 = arith.muli %add3A_117, %mul3A_118 : i32
          %add3A_120 = arith.addi %mul3A_2, %mul3A_119 : i32
          %dma_wait3A_121 = arith.constant 0 : i32
          %dma_wait3A_122 = tpu.memref_slice %arg3[%dma_wait3A_121, %add3A_120] : memref<2x320000xi32, #tpu.memory_space<hbm>> -> memref<1x400xi32, #tpu.memory_space<hbm>>
          %dma_wait3A_123 = tpu.memref_squeeze %dma_wait3A_122 : memref<1x400xi32, #tpu.memory_space<hbm>> -> memref<400xi32, #tpu.memory_space<hbm>>
          %dma_wait3A_124 = tpu.memref_slice %arg3[%dma_wait3A_121, %add3A_120] : memref<2x320000xi32, #tpu.memory_space<hbm>> -> memref<1x400xi32, #tpu.memory_space<hbm>>
          %dma_wait3A_125 = tpu.memref_squeeze %dma_wait3A_124 : memref<1x400xi32, #tpu.memory_space<hbm>> -> memref<400xi32, #tpu.memory_space<hbm>>
          tpu.wait_dma2 semaphore(%arg15 : memref<!tpu.dma_semaphore, #tpu.memory_space<semaphore_mem>>) src(%dma_wait3A_125 : memref<400xi32, #tpu.memory_space<hbm>>) dst(%arg8 : memref<400xi32, #tpu.memory_space<vmem>>)
          %dma_wait3A_126 = arith.constant 1 : i32
          %dma_wait3A_127 = tpu.memref_slice %arg3[%dma_wait3A_126, %add3A_120] : memref<2x320000xi32, #tpu.memory_space<hbm>> -> memref<1x400xi32, #tpu.memory_space<hbm>>
          %dma_wait3A_128 = tpu.memref_squeeze %dma_wait3A_127 : memref<1x400xi32, #tpu.memory_space<hbm>> -> memref<400xi32, #tpu.memory_space<hbm>>
          %dma_wait3A_129 = tpu.memref_slice %arg3[%dma_wait3A_126, %add3A_120] : memref<2x320000xi32, #tpu.memory_space<hbm>> -> memref<1x400xi32, #tpu.memory_space<hbm>>
          %dma_wait3A_130 = tpu.memref_squeeze %dma_wait3A_129 : memref<1x400xi32, #tpu.memory_space<hbm>> -> memref<400xi32, #tpu.memory_space<hbm>>
          tpu.wait_dma2 semaphore(%arg15 : memref<!tpu.dma_semaphore, #tpu.memory_space<semaphore_mem>>) src(%dma_wait3A_130 : memref<400xi32, #tpu.memory_space<hbm>>) dst(%arg10 : memref<400xi32, #tpu.memory_space<vmem>>)
          %scan3A_131 = arith.constant 0 : i32
          %scan3A_132 = arith.constant 0 : i32
          %scan3A_133 = arith.constant 25 : i32
          %scan3A_134 = arith.addi %scan3A_132, %scan3A_133 : i32
          %scan3A_135 = arith.constant 1 : i32
          scf.for %scan3A_140 = %scan3A_132 to %scan3A_134 step %scan3A_135  : i32 {
            %mul3A_141 = arith.constant 16 : i32
            %mul3A_142 = arith.muli %scan3A_140, %mul3A_141 : i32
            %get3A = arith.index_cast %mul3A_142 : i32 to index
            %get3A_143 = tpu.vector_load %arg8[%get3A] {strides = array<i32>} : memref<400xi32, #tpu.memory_space<vmem>>, vector<16xi32>,
            %get3A_144 = vector.shape_cast %get3A_143 : vector<16xi32> to vector<16xi32>
            %mul3A_145 = arith.constant 2 : i32
            %mul3A_146 = vector.broadcast %mul3A_145 : i32 to vector<16xi32>
            %mul3A_147 = arith.muli %get3A_144, %mul3A_146 : vector<16xi32>
            %add3A_148 = vector.broadcast %arg0 : i32 to vector<16xi32>
            %add3A_149 = arith.addi %mul3A_147, %add3A_148 : vector<16xi32>
            %mul3A_150 = arith.constant 16 : i32
            %mul3A_151 = arith.muli %scan3A_140, %mul3A_150 : i32
            %swap3A = arith.index_cast %mul3A_151 : i32 to index
            %swap3A_152 = tpu.vector_load %arg8[%swap3A] {strides = array<i32>} : memref<400xi32, #tpu.memory_space<vmem>>, vector<16xi32>,
            %swap3A_153 = vector.shape_cast %swap3A_152 : vector<16xi32> to vector<16xi32>
            %swap3A_154 = vector.shape_cast %add3A_149 : vector<16xi32> to vector<16xi32>
            tpu.vector_store %arg8[%swap3A], %swap3A_154 {strides = array<i32>} : memref<400xi32, #tpu.memory_space<vmem>>, vector<16xi32>,
          }
          %scan3A_136 = arith.constant 25 : i32
          %dma_start3A_137 = arith.constant 0 : i32
          %dma_start3A_138 = arith.constant 0 : i32
          %dma_start3A_139 = tpu.memref_slice %arg2[%dma_start3A_137, %dma_start3A_138] : memref<20000x64xf32, #tpu.memory_space<hbm>> -> memref<20000x64xf32, #tpu.memory_space<hbm>>
          tpu.enqueue_indirect_dma source(%dma_start3A_139 : memref<20000x64xf32, #tpu.memory_space<hbm>>) target(%arg12 : memref<400x64xf32, #tpu.memory_space<vmem>>) offsets(%arg8 : memref<400xi32, #tpu.memory_space<vmem>>) semaphore(%arg17 : memref<!tpu.dma_semaphore, #tpu.memory_space<semaphore_mem>>)
        } else {
        }
        %dma_wait3A_85 = arith.constant 0 : i32
        %dma_wait3A_86 = arith.constant 0 : i32
        %dma_wait3A_87 = tpu.memref_slice %arg2[%dma_wait3A_85, %dma_wait3A_86] : memref<20000x64xf32, #tpu.memory_space<hbm>> -> memref<20000x64xf32, #tpu.memory_space<hbm>>
        tpu.wait_indirect_dma semaphore(%arg16 : memref<!tpu.dma_semaphore, #tpu.memory_space<semaphore_mem>>) src(%dma_wait3A_87 : memref<20000x64xf32, #tpu.memory_space<hbm>>) dst(%arg11 : memref<400x64xf32, #tpu.memory_space<vmem>>)
        "tpu.region"() ({
          %run_scoped3A = tpu.sem_alloc : memref<!tpu.dma_semaphore, #tpu.memory_space<semaphore_mem>>
          %dma_start3A_116 = arith.constant 0 : i32
          %dma_start3A_117 = arith.constant 0 : i32
          %dma_start3A_118 = tpu.memref_slice %arg13[%dma_start3A_116, %dma_start3A_117] : memref<10000x64xf32, #tpu.memory_space<vmem_shared>> -> memref<10000x64xf32, #tpu.memory_space<vmem_shared>>
          tpu.enqueue_indirect_dma source(%arg11 : memref<400x64xf32, #tpu.memory_space<vmem>>) target(%dma_start3A_118 : memref<10000x64xf32, #tpu.memory_space<vmem_shared>>) offsets(%arg9 : memref<400xi32, #tpu.memory_space<vmem>>) semaphore(%run_scoped3A : memref<!tpu.dma_semaphore, #tpu.memory_space<semaphore_mem>>) {add = true}
          %dma_wait3A_119 = arith.constant 0 : i32
          %dma_wait3A_120 = arith.constant 0 : i32
          %dma_wait3A_121 = tpu.memref_slice %arg13[%dma_wait3A_119, %dma_wait3A_120] : memref<10000x64xf32, #tpu.memory_space<vmem_shared>> -> memref<10000x64xf32, #tpu.memory_space<vmem_shared>>
          tpu.wait_indirect_dma semaphore(%run_scoped3A : memref<!tpu.dma_semaphore, #tpu.memory_space<semaphore_mem>>) src(%arg11 : memref<400x64xf32, #tpu.memory_space<vmem>>) dst(%dma_wait3A_121 : memref<10000x64xf32, #tpu.memory_space<vmem_shared>>)
          tpu.yield
        }) : () -> ()
        %add3A_88 = arith.constant 2 : i32
        %add3A_89 = arith.addi %add3A_78, %add3A_88 : i32
        %lt3A_90 = arith.constant 50 : i32
        %lt3A_91 = arith.cmpi slt, %add3A_89, %lt3A_90 : i32
        %convert_element_type3A_92 = arith.extui %lt3A_91 : i1 to i32
        %cond3A_93 = arith.constant 0 : i32
        %cond3A_94 = arith.cmpi ne, %convert_element_type3A_92, %cond3A_93 : i32
        scf.if %cond3A_94 {
          %add3A_116 = arith.constant 2 : i32
          %add3A_117 = arith.addi %add3A_78, %add3A_116 : i32
          %mul3A_118 = arith.constant 400 : i32
          %mul3A_119 = arith.muli %add3A_117, %mul3A_118 : i32
          %add3A_120 = arith.addi %mul3A_2, %mul3A_119 : i32
          %dma_start3A_121 = arith.constant 0 : i32
          %dma_start3A_122 = tpu.memref_slice %arg3[%dma_start3A_121, %add3A_120] : memref<2x320000xi32, #tpu.memory_space<hbm>> -> memref<1x400xi32, #tpu.memory_space<hbm>>
          %dma_start3A_123 = tpu.memref_squeeze %dma_start3A_122 : memref<1x400xi32, #tpu.memory_space<hbm>> -> memref<400xi32, #tpu.memory_space<hbm>>
          %dma_start3A_124 = tpu.memref_slice %arg3[%dma_start3A_121, %add3A_120] : memref<2x320000xi32, #tpu.memory_space<hbm>> -> memref<1x400xi32, #tpu.memory_space<hbm>>
          %dma_start3A_125 = tpu.memref_squeeze %dma_start3A_124 : memref<1x400xi32, #tpu.memory_space<hbm>> -> memref<400xi32, #tpu.memory_space<hbm>>
          tpu.enqueue_dma source(%dma_start3A_125 : memref<400xi32, #tpu.memory_space<hbm>>) target(%arg7 : memref<400xi32, #tpu.memory_space<vmem>>) target_semaphore(%arg14 : memref<!tpu.dma_semaphore, #tpu.memory_space<semaphore_mem>>)
          %dma_start3A_126 = arith.constant 1 : i32
          %dma_start3A_127 = tpu.memref_slice %arg3[%dma_start3A_126, %add3A_120] : memref<2x320000xi32, #tpu.memory_space<hbm>> -> memref<1x400xi32, #tpu.memory_space<hbm>>
          %dma_start3A_128 = tpu.memref_squeeze %dma_start3A_127 : memref<1x400xi32, #tpu.memory_space<hbm>> -> memref<400xi32, #tpu.memory_space<hbm>>
          %dma_start3A_129 = tpu.memref_slice %arg3[%dma_start3A_126, %add3A_120] : memref<2x320000xi32, #tpu.memory_space<hbm>> -> memref<1x400xi32, #tpu.memory_space<hbm>>
          %dma_start3A_130 = tpu.memref_squeeze %dma_start3A_129 : memref<1x400xi32, #tpu.memory_space<hbm>> -> memref<400xi32, #tpu.memory_space<hbm>>
          tpu.enqueue_dma source(%dma_start3A_130 : memref<400xi32, #tpu.memory_space<hbm>>) target(%arg9 : memref<400xi32, #tpu.memory_space<vmem>>) target_semaphore(%arg14 : memref<!tpu.dma_semaphore, #tpu.memory_space<semaphore_mem>>)
        } else {
        }
        %mul3A_95 = arith.constant 2 : i32
        %mul3A_96 = arith.muli %mul3A_95, %scan3A_74 : i32
        %add3A_97 = arith.constant 1 : i32
        %add3A_98 = arith.addi %mul3A_96, %add3A_97 : i32
        %add3A_99 = arith.constant 1 : i32
        %add3A_100 = arith.addi %add3A_98, %add3A_99 : i32
        %lt3A_101 = arith.constant 50 : i32
        %lt3A_102 = arith.cmpi slt, %add3A_100, %lt3A_101 : i32
        %convert_element_type3A_103 = arith.extui %lt3A_102 : i1 to i32
        %cond3A_104 = arith.constant 0 : i32
        %cond3A_105 = arith.cmpi ne, %convert_element_type3A_103, %cond3A_104 : i32
        scf.if %cond3A_105 {
          %add3A_116 = arith.constant 1 : i32
          %add3A_117 = arith.addi %add3A_98, %add3A_116 : i32
          %mul3A_118 = arith.constant 400 : i32
          %mul3A_119 = arith.muli %add3A_117, %mul3A_118 : i32
          %add3A_120 = arith.addi %mul3A_2, %mul3A_119 : i32
          %dma_wait3A_121 = arith.constant 0 : i32
          %dma_wait3A_122 = tpu.memref_slice %arg3[%dma_wait3A_121, %add3A_120] : memref<2x320000xi32, #tpu.memory_space<hbm>> -> memref<1x400xi32, #tpu.memory_space<hbm>>
          %dma_wait3A_123 = tpu.memref_squeeze %dma_wait3A_122 : memref<1x400xi32, #tpu.memory_space<hbm>> -> memref<400xi32, #tpu.memory_space<hbm>>
          %dma_wait3A_124 = tpu.memref_slice %arg3[%dma_wait3A_121, %add3A_120] : memref<2x320000xi32, #tpu.memory_space<hbm>> -> memref<1x400xi32, #tpu.memory_space<hbm>>
          %dma_wait3A_125 = tpu.memref_squeeze %dma_wait3A_124 : memref<1x400xi32, #tpu.memory_space<hbm>> -> memref<400xi32, #tpu.memory_space<hbm>>
          tpu.wait_dma2 semaphore(%arg14 : memref<!tpu.dma_semaphore, #tpu.memory_space<semaphore_mem>>) src(%dma_wait3A_125 : memref<400xi32, #tpu.memory_space<hbm>>) dst(%arg7 : memref<400xi32, #tpu.memory_space<vmem>>)
          %dma_wait3A_126 = arith.constant 1 : i32
          %dma_wait3A_127 = tpu.memref_slice %arg3[%dma_wait3A_126, %add3A_120] : memref<2x320000xi32, #tpu.memory_space<hbm>> -> memref<1x400xi32, #tpu.memory_space<hbm>>
          %dma_wait3A_128 = tpu.memref_squeeze %dma_wait3A_127 : memref<1x400xi32, #tpu.memory_space<hbm>> -> memref<400xi32, #tpu.memory_space<hbm>>
          %dma_wait3A_129 = tpu.memref_slice %arg3[%dma_wait3A_126, %add3A_120] : memref<2x320000xi32, #tpu.memory_space<hbm>> -> memref<1x400xi32, #tpu.memory_space<hbm>>
          %dma_wait3A_130 = tpu.memref_squeeze %dma_wait3A_129 : memref<1x400xi32, #tpu.memory_space<hbm>> -> memref<400xi32, #tpu.memory_space<hbm>>
          tpu.wait_dma2 semaphore(%arg14 : memref<!tpu.dma_semaphore, #tpu.memory_space<semaphore_mem>>) src(%dma_wait3A_130 : memref<400xi32, #tpu.memory_space<hbm>>) dst(%arg9 : memref<400xi32, #tpu.memory_space<vmem>>)
          %scan3A_131 = arith.constant 0 : i32
          %scan3A_132 = arith.constant 0 : i32
          %scan3A_133 = arith.constant 25 : i32
          %scan3A_134 = arith.addi %scan3A_132, %scan3A_133 : i32
          %scan3A_135 = arith.constant 1 : i32
          scf.for %scan3A_140 = %scan3A_132 to %scan3A_134 step %scan3A_135  : i32 {
            %mul3A_141 = arith.constant 16 : i32
            %mul3A_142 = arith.muli %scan3A_140, %mul3A_141 : i32
            %get3A = arith.index_cast %mul3A_142 : i32 to index
            %get3A_143 = tpu.vector_load %arg7[%get3A] {strides = array<i32>} : memref<400xi32, #tpu.memory_space<vmem>>, vector<16xi32>,
            %get3A_144 = vector.shape_cast %get3A_143 : vector<16xi32> to vector<16xi32>
            %mul3A_145 = arith.constant 2 : i32
            %mul3A_146 = vector.broadcast %mul3A_145 : i32 to vector<16xi32>
            %mul3A_147 = arith.muli %get3A_144, %mul3A_146 : vector<16xi32>
            %add3A_148 = vector.broadcast %arg0 : i32 to vector<16xi32>
            %add3A_149 = arith.addi %mul3A_147, %add3A_148 : vector<16xi32>
            %mul3A_150 = arith.constant 16 : i32
            %mul3A_151 = arith.muli %scan3A_140, %mul3A_150 : i32
            %swap3A = arith.index_cast %mul3A_151 : i32 to index
            %swap3A_152 = tpu.vector_load %arg7[%swap3A] {strides = array<i32>} : memref<400xi32, #tpu.memory_space<vmem>>, vector<16xi32>,
            %swap3A_153 = vector.shape_cast %swap3A_152 : vector<16xi32> to vector<16xi32>
            %swap3A_154 = vector.shape_cast %add3A_149 : vector<16xi32> to vector<16xi32>
            tpu.vector_store %arg7[%swap3A], %swap3A_154 {strides = array<i32>} : memref<400xi32, #tpu.memory_space<vmem>>, vector<16xi32>,
          }
          %scan3A_136 = arith.constant 25 : i32
          %dma_start3A_137 = arith.constant 0 : i32
          %dma_start3A_138 = arith.constant 0 : i32
          %dma_start3A_139 = tpu.memref_slice %arg2[%dma_start3A_137, %dma_start3A_138] : memref<20000x64xf32, #tpu.memory_space<hbm>> -> memref<20000x64xf32, #tpu.memory_space<hbm>>
          tpu.enqueue_indirect_dma source(%dma_start3A_139 : memref<20000x64xf32, #tpu.memory_space<hbm>>) target(%arg11 : memref<400x64xf32, #tpu.memory_space<vmem>>) offsets(%arg7 : memref<400xi32, #tpu.memory_space<vmem>>) semaphore(%arg16 : memref<!tpu.dma_semaphore, #tpu.memory_space<semaphore_mem>>)
        } else {
        }
        %dma_wait3A_106 = arith.constant 0 : i32
        %dma_wait3A_107 = arith.constant 0 : i32
        %dma_wait3A_108 = tpu.memref_slice %arg2[%dma_wait3A_106, %dma_wait3A_107] : memref<20000x64xf32, #tpu.memory_space<hbm>> -> memref<20000x64xf32, #tpu.memory_space<hbm>>
        tpu.wait_indirect_dma semaphore(%arg17 : memref<!tpu.dma_semaphore, #tpu.memory_space<semaphore_mem>>) src(%dma_wait3A_108 : memref<20000x64xf32, #tpu.memory_space<hbm>>) dst(%arg12 : memref<400x64xf32, #tpu.memory_space<vmem>>)
        "tpu.region"() ({
          %run_scoped3A = tpu.sem_alloc : memref<!tpu.dma_semaphore, #tpu.memory_space<semaphore_mem>>
          %dma_start3A_116 = arith.constant 0 : i32
          %dma_start3A_117 = arith.constant 0 : i32
          %dma_start3A_118 = tpu.memref_slice %arg13[%dma_start3A_116, %dma_start3A_117] : memref<10000x64xf32, #tpu.memory_space<vmem_shared>> -> memref<10000x64xf32, #tpu.memory_space<vmem_shared>>
          tpu.enqueue_indirect_dma source(%arg12 : memref<400x64xf32, #tpu.memory_space<vmem>>) target(%dma_start3A_118 : memref<10000x64xf32, #tpu.memory_space<vmem_shared>>) offsets(%arg10 : memref<400xi32, #tpu.memory_space<vmem>>) semaphore(%run_scoped3A : memref<!tpu.dma_semaphore, #tpu.memory_space<semaphore_mem>>) {add = true}
          %dma_wait3A_119 = arith.constant 0 : i32
          %dma_wait3A_120 = arith.constant 0 : i32
          %dma_wait3A_121 = tpu.memref_slice %arg13[%dma_wait3A_119, %dma_wait3A_120] : memref<10000x64xf32, #tpu.memory_space<vmem_shared>> -> memref<10000x64xf32, #tpu.memory_space<vmem_shared>>
          tpu.wait_indirect_dma semaphore(%run_scoped3A : memref<!tpu.dma_semaphore, #tpu.memory_space<semaphore_mem>>) src(%arg12 : memref<400x64xf32, #tpu.memory_space<vmem>>) dst(%dma_wait3A_121 : memref<10000x64xf32, #tpu.memory_space<vmem_shared>>)
          tpu.yield
        }) : () -> ()
        %add3A_109 = arith.constant 2 : i32
        %add3A_110 = arith.addi %add3A_98, %add3A_109 : i32
        %lt3A_111 = arith.constant 50 : i32
        %lt3A_112 = arith.cmpi slt, %add3A_110, %lt3A_111 : i32
        %convert_element_type3A_113 = arith.extui %lt3A_112 : i1 to i32
        %cond3A_114 = arith.constant 0 : i32
        %cond3A_115 = arith.cmpi ne, %convert_element_type3A_113, %cond3A_114 : i32
        scf.if %cond3A_115 {
          %add3A_116 = arith.constant 2 : i32
          %add3A_117 = arith.addi %add3A_98, %add3A_116 : i32
          %mul3A_118 = arith.constant 400 : i32
          %mul3A_119 = arith.muli %add3A_117, %mul3A_118 : i32
          %add3A_120 = arith.addi %mul3A_2, %mul3A_119 : i32
          %dma_start3A_121 = arith.constant 0 : i32
          %dma_start3A_122 = tpu.memref_slice %arg3[%dma_start3A_121, %add3A_120] : memref<2x320000xi32, #tpu.memory_space<hbm>> -> memref<1x400xi32, #tpu.memory_space<hbm>>
          %dma_start3A_123 = tpu.memref_squeeze %dma_start3A_122 : memref<1x400xi32, #tpu.memory_space<hbm>> -> memref<400xi32, #tpu.memory_space<hbm>>
          %dma_start3A_124 = tpu.memref_slice %arg3[%dma_start3A_121, %add3A_120] : memref<2x320000xi32, #tpu.memory_space<hbm>> -> memref<1x400xi32, #tpu.memory_space<hbm>>
          %dma_start3A_125 = tpu.memref_squeeze %dma_start3A_124 : memref<1x400xi32, #tpu.memory_space<hbm>> -> memref<400xi32, #tpu.memory_space<hbm>>
          tpu.enqueue_dma source(%dma_start3A_125 : memref<400xi32, #tpu.memory_space<hbm>>) target(%arg8 : memref<400xi32, #tpu.memory_space<vmem>>) target_semaphore(%arg15 : memref<!tpu.dma_semaphore, #tpu.memory_space<semaphore_mem>>)
          %dma_start3A_126 = arith.constant 1 : i32
          %dma_start3A_127 = tpu.memref_slice %arg3[%dma_start3A_126, %add3A_120] : memref<2x320000xi32, #tpu.memory_space<hbm>> -> memref<1x400xi32, #tpu.memory_space<hbm>>
          %dma_start3A_128 = tpu.memref_squeeze %dma_start3A_127 : memref<1x400xi32, #tpu.memory_space<hbm>> -> memref<400xi32, #tpu.memory_space<hbm>>
          %dma_start3A_129 = tpu.memref_slice %arg3[%dma_start3A_126, %add3A_120] : memref<2x320000xi32, #tpu.memory_space<hbm>> -> memref<1x400xi32, #tpu.memory_space<hbm>>
          %dma_start3A_130 = tpu.memref_squeeze %dma_start3A_129 : memref<1x400xi32, #tpu.memory_space<hbm>> -> memref<400xi32, #tpu.memory_space<hbm>>
          tpu.enqueue_dma source(%dma_start3A_130 : memref<400xi32, #tpu.memory_space<hbm>>) target(%arg10 : memref<400xi32, #tpu.memory_space<vmem>>) target_semaphore(%arg15 : memref<!tpu.dma_semaphore, #tpu.memory_space<semaphore_mem>>)
        } else {
        }
      }
      %scan3A_73 = arith.constant 25 : i32
    } else {
    }
    %barrier3A = arith.constant 0 : index
    tpu.barrier barrier_id(%barrier3A)
    %eq3A_13 = arith.constant 0 : i32
    %eq3A_14 = arith.cmpi eq, %arg0, %eq3A_13 : i32
    %convert_element_type3A_15 = arith.extui %eq3A_14 : i1 to i32
    %cond3A_16 = arith.constant 0 : i32
    %cond3A_17 = arith.cmpi ne, %convert_element_type3A_15, %cond3A_16 : i32
    scf.if %cond3A_17 {
      "tpu.region"() ({
        %run_scoped3A = tpu.sem_alloc : memref<!tpu.dma_semaphore, #tpu.memory_space<semaphore_mem>>
        %dma_start3A_23 = arith.constant 0 : i32
        %dma_start3A_24 = tpu.memref_slice %arg6[%mul3A_0, %dma_start3A_23] : memref<10000x128xf32, #tpu.memory_space<hbm>> -> memref<625x64xf32, #tpu.memory_space<hbm>>
        %dma_start3A_25 = arith.constant 0 : i32
        %dma_start3A_26 = tpu.memref_slice %arg13[%mul3A_0, %dma_start3A_25] : memref<10000x64xf32, #tpu.memory_space<vmem_shared>> -> memref<625x64xf32, #tpu.memory_space<vmem_shared>>
        tpu.enqueue_dma source(%dma_start3A_26 : memref<625x64xf32, #tpu.memory_space<vmem_shared>>) target(%dma_start3A_24 : memref<625x64xf32, #tpu.memory_space<hbm>>) target_semaphore(%run_scoped3A : memref<!tpu.dma_semaphore, #tpu.memory_space<semaphore_mem>>)
        %dma_wait3A = arith.constant 0 : i32
        %dma_wait3A_27 = tpu.memref_slice %arg6[%mul3A_0, %dma_wait3A] : memref<10000x128xf32, #tpu.memory_space<hbm>> -> memref<625x64xf32, #tpu.memory_space<hbm>>
        %dma_wait3A_28 = arith.constant 0 : i32
        %dma_wait3A_29 = tpu.memref_slice %arg13[%mul3A_0, %dma_wait3A_28] : memref<10000x64xf32, #tpu.memory_space<vmem_shared>> -> memref<625x64xf32, #tpu.memory_space<vmem_shared>>
        tpu.wait_dma2 semaphore(%run_scoped3A : memref<!tpu.dma_semaphore, #tpu.memory_space<semaphore_mem>>) src(%dma_wait3A_29 : memref<625x64xf32, #tpu.memory_space<vmem_shared>>) dst(%dma_wait3A_27 : memref<625x64xf32, #tpu.memory_space<hbm>>)
        tpu.yield
      }) : () -> ()
    } else {
    }
    %eq3A_18 = arith.constant 1 : i32
    %eq3A_19 = arith.cmpi eq, %arg0, %eq3A_18 : i32
    %convert_element_type3A_20 = arith.extui %eq3A_19 : i1 to i32
    %cond3A_21 = arith.constant 0 : i32
    %cond3A_22 = arith.cmpi ne, %convert_element_type3A_20, %cond3A_21 : i32
    scf.if %cond3A_22 {
      "tpu.region"() ({
        %run_scoped3A = tpu.sem_alloc : memref<!tpu.dma_semaphore, #tpu.memory_space<semaphore_mem>>
        %dma_start3A_23 = arith.constant 64 : i32
        %dma_start3A_24 = tpu.memref_slice %arg6[%mul3A_0, %dma_start3A_23] : memref<10000x128xf32, #tpu.memory_space<hbm>> -> memref<625x64xf32, #tpu.memory_space<hbm>>
        %dma_start3A_25 = arith.constant 0 : i32
        %dma_start3A_26 = tpu.memref_slice %arg13[%mul3A_0, %dma_start3A_25] : memref<10000x64xf32, #tpu.memory_space<vmem_shared>> -> memref<625x64xf32, #tpu.memory_space<vmem_shared>>
        tpu.enqueue_dma source(%dma_start3A_26 : memref<625x64xf32, #tpu.memory_space<vmem_shared>>) target(%dma_start3A_24 : memref<625x64xf32, #tpu.memory_space<hbm>>) target_semaphore(%run_scoped3A : memref<!tpu.dma_semaphore, #tpu.memory_space<semaphore_mem>>)
        %dma_wait3A = arith.constant 64 : i32
        %dma_wait3A_27 = tpu.memref_slice %arg6[%mul3A_0, %dma_wait3A] : memref<10000x128xf32, #tpu.memory_space<hbm>> -> memref<625x64xf32, #tpu.memory_space<hbm>>
        %dma_wait3A_28 = arith.constant 0 : i32
        %dma_wait3A_29 = tpu.memref_slice %arg13[%mul3A_0, %dma_wait3A_28] : memref<10000x64xf32, #tpu.memory_space<vmem_shared>> -> memref<625x64xf32, #tpu.memory_space<vmem_shared>>
        tpu.wait_dma2 semaphore(%run_scoped3A : memref<!tpu.dma_semaphore, #tpu.memory_space<semaphore_mem>>) src(%dma_wait3A_29 : memref<625x64xf32, #tpu.memory_space<vmem_shared>>) dst(%dma_wait3A_27 : memref<625x64xf32, #tpu.memory_space<hbm>>)
        tpu.yield
      }) : () -> ()
    } else {
    }
    return
  }
}

#map = affine_map<(d0, d1) -> (0, 0)>
module attributes {stable_mosaic.version = 14 : i64} {
  func.func @sc_agg(%arg0: i32, %arg1: i32, %arg2: memref<20000x64xf32, #tpu.memory_space<hbm>>, %arg3: memref<2x320000xi32, #tpu.memory_space<hbm>>, %arg4: memref<10000x64xf32, #tpu.memory_space<hbm>>, %arg5: memref<400x8xf32, #tpu.memory_space<hbm>>, %arg6: memref<10000x128xf32, #tpu.memory_space<hbm>>, %arg7: memref<10000x128xf32, #tpu.memory_space<hbm>>, %arg8: memref<400xi32, #tpu.memory_space<vmem>>, %arg9: memref<400xi32, #tpu.memory_space<vmem>>, %arg10: memref<400xi32, #tpu.memory_space<vmem>>, %arg11: memref<400xi32, #tpu.memory_space<vmem>>, %arg12: memref<400x64xf32, #tpu.memory_space<vmem>>, %arg13: memref<400x64xf32, #tpu.memory_space<vmem>>, %arg14: memref<10000x64xf32, #tpu.memory_space<vmem_shared>>, %arg15: memref<!tpu.dma_semaphore, #tpu.memory_space<semaphore_mem>>, %arg16: memref<!tpu.dma_semaphore, #tpu.memory_space<semaphore_mem>>, %arg17: memref<!tpu.dma_semaphore, #tpu.memory_space<semaphore_mem>>, %arg18: memref<!tpu.dma_semaphore, #tpu.memory_space<semaphore_mem>>, %arg19: memref<!tpu.dma_semaphore, #tpu.memory_space<semaphore_mem>>, %arg20: memref<400x8xf32, #tpu.memory_space<vmem>>, %arg21: memref<10000x8xf32, #tpu.memory_space<vmem_shared>>) attributes {dimension_semantics = [#tpu.dimension_semantics<core_parallel>, #tpu.dimension_semantics<subcore_parallel>], iteration_bounds = array<i64: 2, 16>, scalar_prefetch = 0 : i64, scratch_operands = 14 : i64, tpu.core_type = #tpu.core_type<sc_vector_subcore>, window_params = [{transform_indices = #map}, {transform_indices = #map}, {transform_indices = #map}, {transform_indices = #map}, {transform_indices = #map}, {transform_indices = #map}]} {
    %mul3A = arith.constant 625 : i32
    %mul3A_0 = arith.muli %arg1, %mul3A : i32
    %mul3A_1 = arith.constant 20000 : i32
    %mul3A_2 = arith.muli %arg1, %mul3A_1 : i32
    "tpu.region"() ({
      %run_scoped3A = tpu.sem_alloc : memref<!tpu.dma_semaphore, #tpu.memory_space<semaphore_mem>>
      tpu.enqueue_dma source(%arg5 : memref<400x8xf32, #tpu.memory_space<hbm>>) target(%arg20 : memref<400x8xf32, #tpu.memory_space<vmem>>) target_semaphore(%run_scoped3A : memref<!tpu.dma_semaphore, #tpu.memory_space<semaphore_mem>>)
      tpu.wait_dma2 semaphore(%run_scoped3A : memref<!tpu.dma_semaphore, #tpu.memory_space<semaphore_mem>>) src(%arg5 : memref<400x8xf32, #tpu.memory_space<hbm>>) dst(%arg20 : memref<400x8xf32, #tpu.memory_space<vmem>>)
      tpu.yield
    }) : () -> ()
    %dma_start3A = arith.constant 0 : i32
    %dma_start3A_3 = tpu.memref_slice %arg14[%mul3A_0, %dma_start3A] : memref<10000x64xf32, #tpu.memory_space<vmem_shared>> -> memref<625x64xf32, #tpu.memory_space<vmem_shared>>
    %dma_start3A_4 = arith.constant 0 : i32
    %dma_start3A_5 = tpu.memref_slice %arg4[%mul3A_0, %dma_start3A_4] : memref<10000x64xf32, #tpu.memory_space<hbm>> -> memref<625x64xf32, #tpu.memory_space<hbm>>
    tpu.enqueue_dma source(%dma_start3A_5 : memref<625x64xf32, #tpu.memory_space<hbm>>) target(%dma_start3A_3 : memref<625x64xf32, #tpu.memory_space<vmem_shared>>) target_semaphore(%arg19 : memref<!tpu.dma_semaphore, #tpu.memory_space<semaphore_mem>>)
    %dma_start3A_6 = arith.constant 0 : i32
    %dma_start3A_7 = tpu.memref_slice %arg21[%mul3A_0, %dma_start3A_6] : memref<10000x8xf32, #tpu.memory_space<vmem_shared>> -> memref<625x8xf32, #tpu.memory_space<vmem_shared>>
    %dma_start3A_8 = arith.constant 0 : i32
    %dma_start3A_9 = tpu.memref_slice %arg4[%mul3A_0, %dma_start3A_8] : memref<10000x64xf32, #tpu.memory_space<hbm>> -> memref<625x8xf32, #tpu.memory_space<hbm>>
    tpu.enqueue_dma source(%dma_start3A_9 : memref<625x8xf32, #tpu.memory_space<hbm>>) target(%dma_start3A_7 : memref<625x8xf32, #tpu.memory_space<vmem_shared>>) target_semaphore(%arg19 : memref<!tpu.dma_semaphore, #tpu.memory_space<semaphore_mem>>)
    %eq3A = arith.constant 0 : i32
    %eq3A_10 = arith.cmpi eq, %arg0, %eq3A : i32
    %convert_element_type3A = arith.extui %eq3A_10 : i1 to i32
    %cond3A = arith.constant 0 : i32
    %cond3A_11 = arith.cmpi ne, %convert_element_type3A, %cond3A : i32
    scf.if %cond3A_11 {
      %add3A = arith.constant 0 : i32
      %add3A_27 = arith.addi %mul3A_2, %add3A : i32
      %dma_start3A_28 = arith.constant 0 : i32
      %dma_start3A_29 = tpu.memref_slice %arg3[%dma_start3A_28, %add3A_27] : memref<2x320000xi32, #tpu.memory_space<hbm>> -> memref<1x400xi32, #tpu.memory_space<hbm>>
      %dma_start3A_30 = tpu.memref_squeeze %dma_start3A_29 : memref<1x400xi32, #tpu.memory_space<hbm>> -> memref<400xi32, #tpu.memory_space<hbm>>
      %dma_start3A_31 = tpu.memref_slice %arg3[%dma_start3A_28, %add3A_27] : memref<2x320000xi32, #tpu.memory_space<hbm>> -> memref<1x400xi32, #tpu.memory_space<hbm>>
      %dma_start3A_32 = tpu.memref_squeeze %dma_start3A_31 : memref<1x400xi32, #tpu.memory_space<hbm>> -> memref<400xi32, #tpu.memory_space<hbm>>
      tpu.enqueue_dma source(%dma_start3A_32 : memref<400xi32, #tpu.memory_space<hbm>>) target(%arg8 : memref<400xi32, #tpu.memory_space<vmem>>) target_semaphore(%arg15 : memref<!tpu.dma_semaphore, #tpu.memory_space<semaphore_mem>>)
      %dma_start3A_33 = arith.constant 1 : i32
      %dma_start3A_34 = tpu.memref_slice %arg3[%dma_start3A_33, %add3A_27] : memref<2x320000xi32, #tpu.memory_space<hbm>> -> memref<1x400xi32, #tpu.memory_space<hbm>>
      %dma_start3A_35 = tpu.memref_squeeze %dma_start3A_34 : memref<1x400xi32, #tpu.memory_space<hbm>> -> memref<400xi32, #tpu.memory_space<hbm>>
      %dma_start3A_36 = tpu.memref_slice %arg3[%dma_start3A_33, %add3A_27] : memref<2x320000xi32, #tpu.memory_space<hbm>> -> memref<1x400xi32, #tpu.memory_space<hbm>>
      %dma_start3A_37 = tpu.memref_squeeze %dma_start3A_36 : memref<1x400xi32, #tpu.memory_space<hbm>> -> memref<400xi32, #tpu.memory_space<hbm>>
      tpu.enqueue_dma source(%dma_start3A_37 : memref<400xi32, #tpu.memory_space<hbm>>) target(%arg10 : memref<400xi32, #tpu.memory_space<vmem>>) target_semaphore(%arg15 : memref<!tpu.dma_semaphore, #tpu.memory_space<semaphore_mem>>)
      %dma_wait3A = arith.constant 0 : i32
      %dma_wait3A_38 = tpu.memref_slice %arg3[%dma_wait3A, %add3A_27] : memref<2x320000xi32, #tpu.memory_space<hbm>> -> memref<1x400xi32, #tpu.memory_space<hbm>>
      %dma_wait3A_39 = tpu.memref_squeeze %dma_wait3A_38 : memref<1x400xi32, #tpu.memory_space<hbm>> -> memref<400xi32, #tpu.memory_space<hbm>>
      %dma_wait3A_40 = tpu.memref_slice %arg3[%dma_wait3A, %add3A_27] : memref<2x320000xi32, #tpu.memory_space<hbm>> -> memref<1x400xi32, #tpu.memory_space<hbm>>
      %dma_wait3A_41 = tpu.memref_squeeze %dma_wait3A_40 : memref<1x400xi32, #tpu.memory_space<hbm>> -> memref<400xi32, #tpu.memory_space<hbm>>
      tpu.wait_dma2 semaphore(%arg15 : memref<!tpu.dma_semaphore, #tpu.memory_space<semaphore_mem>>) src(%dma_wait3A_41 : memref<400xi32, #tpu.memory_space<hbm>>) dst(%arg8 : memref<400xi32, #tpu.memory_space<vmem>>)
      %dma_wait3A_42 = arith.constant 1 : i32
      %dma_wait3A_43 = tpu.memref_slice %arg3[%dma_wait3A_42, %add3A_27] : memref<2x320000xi32, #tpu.memory_space<hbm>> -> memref<1x400xi32, #tpu.memory_space<hbm>>
      %dma_wait3A_44 = tpu.memref_squeeze %dma_wait3A_43 : memref<1x400xi32, #tpu.memory_space<hbm>> -> memref<400xi32, #tpu.memory_space<hbm>>
      %dma_wait3A_45 = tpu.memref_slice %arg3[%dma_wait3A_42, %add3A_27] : memref<2x320000xi32, #tpu.memory_space<hbm>> -> memref<1x400xi32, #tpu.memory_space<hbm>>
      %dma_wait3A_46 = tpu.memref_squeeze %dma_wait3A_45 : memref<1x400xi32, #tpu.memory_space<hbm>> -> memref<400xi32, #tpu.memory_space<hbm>>
      tpu.wait_dma2 semaphore(%arg15 : memref<!tpu.dma_semaphore, #tpu.memory_space<semaphore_mem>>) src(%dma_wait3A_46 : memref<400xi32, #tpu.memory_space<hbm>>) dst(%arg10 : memref<400xi32, #tpu.memory_space<vmem>>)
      %scan3A = arith.constant 0 : i32
      %scan3A_47 = arith.constant 0 : i32
      %scan3A_48 = arith.constant 25 : i32
      %scan3A_49 = arith.addi %scan3A_47, %scan3A_48 : i32
      %scan3A_50 = arith.constant 1 : i32
      scf.for %scan3A_82 = %scan3A_47 to %scan3A_49 step %scan3A_50  : i32 {
        %mul3A_83 = arith.constant 16 : i32
        %mul3A_84 = arith.muli %scan3A_82, %mul3A_83 : i32
        %get3A = arith.index_cast %mul3A_84 : i32 to index
        %get3A_85 = tpu.vector_load %arg8[%get3A] {strides = array<i32>} : memref<400xi32, #tpu.memory_space<vmem>>, vector<16xi32>,
        %get3A_86 = vector.shape_cast %get3A_85 : vector<16xi32> to vector<16xi32>
        %mul3A_87 = arith.constant 2 : i32
        %mul3A_88 = vector.broadcast %mul3A_87 : i32 to vector<16xi32>
        %mul3A_89 = arith.muli %get3A_86, %mul3A_88 : vector<16xi32>
        %add3A_90 = vector.broadcast %arg0 : i32 to vector<16xi32>
        %add3A_91 = arith.addi %mul3A_89, %add3A_90 : vector<16xi32>
        %mul3A_92 = arith.constant 16 : i32
        %mul3A_93 = arith.muli %scan3A_82, %mul3A_92 : i32
        %swap3A = arith.index_cast %mul3A_93 : i32 to index
        %swap3A_94 = tpu.vector_load %arg8[%swap3A] {strides = array<i32>} : memref<400xi32, #tpu.memory_space<vmem>>, vector<16xi32>,
        %swap3A_95 = vector.shape_cast %swap3A_94 : vector<16xi32> to vector<16xi32>
        %swap3A_96 = vector.shape_cast %add3A_91 : vector<16xi32> to vector<16xi32>
        tpu.vector_store %arg8[%swap3A], %swap3A_96 {strides = array<i32>} : memref<400xi32, #tpu.memory_space<vmem>>, vector<16xi32>,
      }
      %scan3A_51 = arith.constant 25 : i32
      %add3A_52 = arith.constant 400 : i32
      %add3A_53 = arith.addi %mul3A_2, %add3A_52 : i32
      %dma_start3A_54 = arith.constant 0 : i32
      %dma_start3A_55 = tpu.memref_slice %arg3[%dma_start3A_54, %add3A_53] : memref<2x320000xi32, #tpu.memory_space<hbm>> -> memref<1x400xi32, #tpu.memory_space<hbm>>
      %dma_start3A_56 = tpu.memref_squeeze %dma_start3A_55 : memref<1x400xi32, #tpu.memory_space<hbm>> -> memref<400xi32, #tpu.memory_space<hbm>>
      %dma_start3A_57 = tpu.memref_slice %arg3[%dma_start3A_54, %add3A_53] : memref<2x320000xi32, #tpu.memory_space<hbm>> -> memref<1x400xi32, #tpu.memory_space<hbm>>
      %dma_start3A_58 = tpu.memref_squeeze %dma_start3A_57 : memref<1x400xi32, #tpu.memory_space<hbm>> -> memref<400xi32, #tpu.memory_space<hbm>>
      tpu.enqueue_dma source(%dma_start3A_58 : memref<400xi32, #tpu.memory_space<hbm>>) target(%arg9 : memref<400xi32, #tpu.memory_space<vmem>>) target_semaphore(%arg16 : memref<!tpu.dma_semaphore, #tpu.memory_space<semaphore_mem>>)
      %dma_start3A_59 = arith.constant 1 : i32
      %dma_start3A_60 = tpu.memref_slice %arg3[%dma_start3A_59, %add3A_53] : memref<2x320000xi32, #tpu.memory_space<hbm>> -> memref<1x400xi32, #tpu.memory_space<hbm>>
      %dma_start3A_61 = tpu.memref_squeeze %dma_start3A_60 : memref<1x400xi32, #tpu.memory_space<hbm>> -> memref<400xi32, #tpu.memory_space<hbm>>
      %dma_start3A_62 = tpu.memref_slice %arg3[%dma_start3A_59, %add3A_53] : memref<2x320000xi32, #tpu.memory_space<hbm>> -> memref<1x400xi32, #tpu.memory_space<hbm>>
      %dma_start3A_63 = tpu.memref_squeeze %dma_start3A_62 : memref<1x400xi32, #tpu.memory_space<hbm>> -> memref<400xi32, #tpu.memory_space<hbm>>
      tpu.enqueue_dma source(%dma_start3A_63 : memref<400xi32, #tpu.memory_space<hbm>>) target(%arg11 : memref<400xi32, #tpu.memory_space<vmem>>) target_semaphore(%arg16 : memref<!tpu.dma_semaphore, #tpu.memory_space<semaphore_mem>>)
      %dma_start3A_64 = arith.constant 0 : i32
      %dma_start3A_65 = arith.constant 0 : i32
      %dma_start3A_66 = tpu.memref_slice %arg2[%dma_start3A_64, %dma_start3A_65] : memref<20000x64xf32, #tpu.memory_space<hbm>> -> memref<20000x64xf32, #tpu.memory_space<hbm>>
      tpu.enqueue_indirect_dma source(%dma_start3A_66 : memref<20000x64xf32, #tpu.memory_space<hbm>>) target(%arg12 : memref<400x64xf32, #tpu.memory_space<vmem>>) offsets(%arg8 : memref<400xi32, #tpu.memory_space<vmem>>) semaphore(%arg17 : memref<!tpu.dma_semaphore, #tpu.memory_space<semaphore_mem>>)
      %dma_wait3A_67 = arith.constant 0 : i32
      %dma_wait3A_68 = tpu.memref_slice %arg14[%mul3A_0, %dma_wait3A_67] : memref<10000x64xf32, #tpu.memory_space<vmem_shared>> -> memref<625x64xf32, #tpu.memory_space<vmem_shared>>
      %dma_wait3A_69 = arith.constant 0 : i32
      %dma_wait3A_70 = tpu.memref_slice %arg4[%mul3A_0, %dma_wait3A_69] : memref<10000x64xf32, #tpu.memory_space<hbm>> -> memref<625x64xf32, #tpu.memory_space<hbm>>
      tpu.wait_dma2 semaphore(%arg19 : memref<!tpu.dma_semaphore, #tpu.memory_space<semaphore_mem>>) src(%dma_wait3A_70 : memref<625x64xf32, #tpu.memory_space<hbm>>) dst(%dma_wait3A_68 : memref<625x64xf32, #tpu.memory_space<vmem_shared>>)
      %dma_wait3A_71 = arith.constant 0 : i32
      %dma_wait3A_72 = tpu.memref_slice %arg21[%mul3A_0, %dma_wait3A_71] : memref<10000x8xf32, #tpu.memory_space<vmem_shared>> -> memref<625x8xf32, #tpu.memory_space<vmem_shared>>
      %dma_wait3A_73 = arith.constant 0 : i32
      %dma_wait3A_74 = tpu.memref_slice %arg4[%mul3A_0, %dma_wait3A_73] : memref<10000x64xf32, #tpu.memory_space<hbm>> -> memref<625x8xf32, #tpu.memory_space<hbm>>
      tpu.wait_dma2 semaphore(%arg19 : memref<!tpu.dma_semaphore, #tpu.memory_space<semaphore_mem>>) src(%dma_wait3A_74 : memref<625x8xf32, #tpu.memory_space<hbm>>) dst(%dma_wait3A_72 : memref<625x8xf32, #tpu.memory_space<vmem_shared>>)
      %barrier3A_75 = arith.constant 0 : index
      tpu.barrier barrier_id(%barrier3A_75)
      %scan3A_76 = arith.constant 0 : i32
      %scan3A_77 = arith.constant 0 : i32
      %scan3A_78 = arith.constant 25 : i32
      %scan3A_79 = arith.addi %scan3A_77, %scan3A_78 : i32
      %scan3A_80 = arith.constant 1 : i32
      scf.for %scan3A_82 = %scan3A_77 to %scan3A_79 step %scan3A_80  : i32 {
        %mul3A_83 = arith.constant 2 : i32
        %mul3A_84 = arith.muli %mul3A_83, %scan3A_82 : i32
        %add3A_85 = arith.constant 0 : i32
        %add3A_86 = arith.addi %mul3A_84, %add3A_85 : i32
        %add3A_87 = arith.constant 1 : i32
        %add3A_88 = arith.addi %add3A_86, %add3A_87 : i32
        %lt3A = arith.constant 50 : i32
        %lt3A_89 = arith.cmpi slt, %add3A_88, %lt3A : i32
        %convert_element_type3A_90 = arith.extui %lt3A_89 : i1 to i32
        %cond3A_91 = arith.constant 0 : i32
        %cond3A_92 = arith.cmpi ne, %convert_element_type3A_90, %cond3A_91 : i32
        scf.if %cond3A_92 {
          %add3A_124 = arith.constant 1 : i32
          %add3A_125 = arith.addi %add3A_86, %add3A_124 : i32
          %mul3A_126 = arith.constant 400 : i32
          %mul3A_127 = arith.muli %add3A_125, %mul3A_126 : i32
          %add3A_128 = arith.addi %mul3A_2, %mul3A_127 : i32
          %dma_wait3A_129 = arith.constant 0 : i32
          %dma_wait3A_130 = tpu.memref_slice %arg3[%dma_wait3A_129, %add3A_128] : memref<2x320000xi32, #tpu.memory_space<hbm>> -> memref<1x400xi32, #tpu.memory_space<hbm>>
          %dma_wait3A_131 = tpu.memref_squeeze %dma_wait3A_130 : memref<1x400xi32, #tpu.memory_space<hbm>> -> memref<400xi32, #tpu.memory_space<hbm>>
          %dma_wait3A_132 = tpu.memref_slice %arg3[%dma_wait3A_129, %add3A_128] : memref<2x320000xi32, #tpu.memory_space<hbm>> -> memref<1x400xi32, #tpu.memory_space<hbm>>
          %dma_wait3A_133 = tpu.memref_squeeze %dma_wait3A_132 : memref<1x400xi32, #tpu.memory_space<hbm>> -> memref<400xi32, #tpu.memory_space<hbm>>
          tpu.wait_dma2 semaphore(%arg16 : memref<!tpu.dma_semaphore, #tpu.memory_space<semaphore_mem>>) src(%dma_wait3A_133 : memref<400xi32, #tpu.memory_space<hbm>>) dst(%arg9 : memref<400xi32, #tpu.memory_space<vmem>>)
          %dma_wait3A_134 = arith.constant 1 : i32
          %dma_wait3A_135 = tpu.memref_slice %arg3[%dma_wait3A_134, %add3A_128] : memref<2x320000xi32, #tpu.memory_space<hbm>> -> memref<1x400xi32, #tpu.memory_space<hbm>>
          %dma_wait3A_136 = tpu.memref_squeeze %dma_wait3A_135 : memref<1x400xi32, #tpu.memory_space<hbm>> -> memref<400xi32, #tpu.memory_space<hbm>>
          %dma_wait3A_137 = tpu.memref_slice %arg3[%dma_wait3A_134, %add3A_128] : memref<2x320000xi32, #tpu.memory_space<hbm>> -> memref<1x400xi32, #tpu.memory_space<hbm>>
          %dma_wait3A_138 = tpu.memref_squeeze %dma_wait3A_137 : memref<1x400xi32, #tpu.memory_space<hbm>> -> memref<400xi32, #tpu.memory_space<hbm>>
          tpu.wait_dma2 semaphore(%arg16 : memref<!tpu.dma_semaphore, #tpu.memory_space<semaphore_mem>>) src(%dma_wait3A_138 : memref<400xi32, #tpu.memory_space<hbm>>) dst(%arg11 : memref<400xi32, #tpu.memory_space<vmem>>)
          %scan3A_139 = arith.constant 0 : i32
          %scan3A_140 = arith.constant 0 : i32
          %scan3A_141 = arith.constant 25 : i32
          %scan3A_142 = arith.addi %scan3A_140, %scan3A_141 : i32
          %scan3A_143 = arith.constant 1 : i32
          scf.for %scan3A_148 = %scan3A_140 to %scan3A_142 step %scan3A_143  : i32 {
            %mul3A_149 = arith.constant 16 : i32
            %mul3A_150 = arith.muli %scan3A_148, %mul3A_149 : i32
            %get3A = arith.index_cast %mul3A_150 : i32 to index
            %get3A_151 = tpu.vector_load %arg9[%get3A] {strides = array<i32>} : memref<400xi32, #tpu.memory_space<vmem>>, vector<16xi32>,
            %get3A_152 = vector.shape_cast %get3A_151 : vector<16xi32> to vector<16xi32>
            %mul3A_153 = arith.constant 2 : i32
            %mul3A_154 = vector.broadcast %mul3A_153 : i32 to vector<16xi32>
            %mul3A_155 = arith.muli %get3A_152, %mul3A_154 : vector<16xi32>
            %add3A_156 = vector.broadcast %arg0 : i32 to vector<16xi32>
            %add3A_157 = arith.addi %mul3A_155, %add3A_156 : vector<16xi32>
            %mul3A_158 = arith.constant 16 : i32
            %mul3A_159 = arith.muli %scan3A_148, %mul3A_158 : i32
            %swap3A = arith.index_cast %mul3A_159 : i32 to index
            %swap3A_160 = tpu.vector_load %arg9[%swap3A] {strides = array<i32>} : memref<400xi32, #tpu.memory_space<vmem>>, vector<16xi32>,
            %swap3A_161 = vector.shape_cast %swap3A_160 : vector<16xi32> to vector<16xi32>
            %swap3A_162 = vector.shape_cast %add3A_157 : vector<16xi32> to vector<16xi32>
            tpu.vector_store %arg9[%swap3A], %swap3A_162 {strides = array<i32>} : memref<400xi32, #tpu.memory_space<vmem>>, vector<16xi32>,
          }
          %scan3A_144 = arith.constant 25 : i32
          %dma_start3A_145 = arith.constant 0 : i32
          %dma_start3A_146 = arith.constant 0 : i32
          %dma_start3A_147 = tpu.memref_slice %arg2[%dma_start3A_145, %dma_start3A_146] : memref<20000x64xf32, #tpu.memory_space<hbm>> -> memref<20000x64xf32, #tpu.memory_space<hbm>>
          tpu.enqueue_indirect_dma source(%dma_start3A_147 : memref<20000x64xf32, #tpu.memory_space<hbm>>) target(%arg13 : memref<400x64xf32, #tpu.memory_space<vmem>>) offsets(%arg9 : memref<400xi32, #tpu.memory_space<vmem>>) semaphore(%arg18 : memref<!tpu.dma_semaphore, #tpu.memory_space<semaphore_mem>>)
        } else {
        }
        %dma_wait3A_93 = arith.constant 0 : i32
        %dma_wait3A_94 = arith.constant 0 : i32
        %dma_wait3A_95 = tpu.memref_slice %arg2[%dma_wait3A_93, %dma_wait3A_94] : memref<20000x64xf32, #tpu.memory_space<hbm>> -> memref<20000x64xf32, #tpu.memory_space<hbm>>
        tpu.wait_indirect_dma semaphore(%arg17 : memref<!tpu.dma_semaphore, #tpu.memory_space<semaphore_mem>>) src(%dma_wait3A_95 : memref<20000x64xf32, #tpu.memory_space<hbm>>) dst(%arg12 : memref<400x64xf32, #tpu.memory_space<vmem>>)
        "tpu.region"() ({
          %run_scoped3A = tpu.sem_alloc : memref<!tpu.dma_semaphore, #tpu.memory_space<semaphore_mem>>
          %dma_start3A_124 = arith.constant 0 : i32
          %dma_start3A_125 = arith.constant 0 : i32
          %dma_start3A_126 = tpu.memref_slice %arg14[%dma_start3A_124, %dma_start3A_125] : memref<10000x64xf32, #tpu.memory_space<vmem_shared>> -> memref<10000x64xf32, #tpu.memory_space<vmem_shared>>
          tpu.enqueue_indirect_dma source(%arg12 : memref<400x64xf32, #tpu.memory_space<vmem>>) target(%dma_start3A_126 : memref<10000x64xf32, #tpu.memory_space<vmem_shared>>) offsets(%arg10 : memref<400xi32, #tpu.memory_space<vmem>>) semaphore(%run_scoped3A : memref<!tpu.dma_semaphore, #tpu.memory_space<semaphore_mem>>) {add = true}
          %dma_wait3A_127 = arith.constant 0 : i32
          %dma_wait3A_128 = arith.constant 0 : i32
          %dma_wait3A_129 = tpu.memref_slice %arg14[%dma_wait3A_127, %dma_wait3A_128] : memref<10000x64xf32, #tpu.memory_space<vmem_shared>> -> memref<10000x64xf32, #tpu.memory_space<vmem_shared>>
          tpu.wait_indirect_dma semaphore(%run_scoped3A : memref<!tpu.dma_semaphore, #tpu.memory_space<semaphore_mem>>) src(%arg12 : memref<400x64xf32, #tpu.memory_space<vmem>>) dst(%dma_wait3A_129 : memref<10000x64xf32, #tpu.memory_space<vmem_shared>>)
          tpu.yield
        }) : () -> ()
        "tpu.region"() ({
          %run_scoped3A = tpu.sem_alloc : memref<!tpu.dma_semaphore, #tpu.memory_space<semaphore_mem>>
          %dma_start3A_124 = arith.constant 0 : i32
          %dma_start3A_125 = arith.constant 0 : i32
          %dma_start3A_126 = tpu.memref_slice %arg21[%dma_start3A_124, %dma_start3A_125] : memref<10000x8xf32, #tpu.memory_space<vmem_shared>> -> memref<10000x8xf32, #tpu.memory_space<vmem_shared>>
          tpu.enqueue_indirect_dma source(%arg20 : memref<400x8xf32, #tpu.memory_space<vmem>>) target(%dma_start3A_126 : memref<10000x8xf32, #tpu.memory_space<vmem_shared>>) offsets(%arg10 : memref<400xi32, #tpu.memory_space<vmem>>) semaphore(%run_scoped3A : memref<!tpu.dma_semaphore, #tpu.memory_space<semaphore_mem>>) {add = true}
          %dma_wait3A_127 = arith.constant 0 : i32
          %dma_wait3A_128 = arith.constant 0 : i32
          %dma_wait3A_129 = tpu.memref_slice %arg21[%dma_wait3A_127, %dma_wait3A_128] : memref<10000x8xf32, #tpu.memory_space<vmem_shared>> -> memref<10000x8xf32, #tpu.memory_space<vmem_shared>>
          tpu.wait_indirect_dma semaphore(%run_scoped3A : memref<!tpu.dma_semaphore, #tpu.memory_space<semaphore_mem>>) src(%arg20 : memref<400x8xf32, #tpu.memory_space<vmem>>) dst(%dma_wait3A_129 : memref<10000x8xf32, #tpu.memory_space<vmem_shared>>)
          tpu.yield
        }) : () -> ()
        %add3A_96 = arith.constant 2 : i32
        %add3A_97 = arith.addi %add3A_86, %add3A_96 : i32
        %lt3A_98 = arith.constant 50 : i32
        %lt3A_99 = arith.cmpi slt, %add3A_97, %lt3A_98 : i32
        %convert_element_type3A_100 = arith.extui %lt3A_99 : i1 to i32
        %cond3A_101 = arith.constant 0 : i32
        %cond3A_102 = arith.cmpi ne, %convert_element_type3A_100, %cond3A_101 : i32
        scf.if %cond3A_102 {
          %add3A_124 = arith.constant 2 : i32
          %add3A_125 = arith.addi %add3A_86, %add3A_124 : i32
          %mul3A_126 = arith.constant 400 : i32
          %mul3A_127 = arith.muli %add3A_125, %mul3A_126 : i32
          %add3A_128 = arith.addi %mul3A_2, %mul3A_127 : i32
          %dma_start3A_129 = arith.constant 0 : i32
          %dma_start3A_130 = tpu.memref_slice %arg3[%dma_start3A_129, %add3A_128] : memref<2x320000xi32, #tpu.memory_space<hbm>> -> memref<1x400xi32, #tpu.memory_space<hbm>>
          %dma_start3A_131 = tpu.memref_squeeze %dma_start3A_130 : memref<1x400xi32, #tpu.memory_space<hbm>> -> memref<400xi32, #tpu.memory_space<hbm>>
          %dma_start3A_132 = tpu.memref_slice %arg3[%dma_start3A_129, %add3A_128] : memref<2x320000xi32, #tpu.memory_space<hbm>> -> memref<1x400xi32, #tpu.memory_space<hbm>>
          %dma_start3A_133 = tpu.memref_squeeze %dma_start3A_132 : memref<1x400xi32, #tpu.memory_space<hbm>> -> memref<400xi32, #tpu.memory_space<hbm>>
          tpu.enqueue_dma source(%dma_start3A_133 : memref<400xi32, #tpu.memory_space<hbm>>) target(%arg8 : memref<400xi32, #tpu.memory_space<vmem>>) target_semaphore(%arg15 : memref<!tpu.dma_semaphore, #tpu.memory_space<semaphore_mem>>)
          %dma_start3A_134 = arith.constant 1 : i32
          %dma_start3A_135 = tpu.memref_slice %arg3[%dma_start3A_134, %add3A_128] : memref<2x320000xi32, #tpu.memory_space<hbm>> -> memref<1x400xi32, #tpu.memory_space<hbm>>
          %dma_start3A_136 = tpu.memref_squeeze %dma_start3A_135 : memref<1x400xi32, #tpu.memory_space<hbm>> -> memref<400xi32, #tpu.memory_space<hbm>>
          %dma_start3A_137 = tpu.memref_slice %arg3[%dma_start3A_134, %add3A_128] : memref<2x320000xi32, #tpu.memory_space<hbm>> -> memref<1x400xi32, #tpu.memory_space<hbm>>
          %dma_start3A_138 = tpu.memref_squeeze %dma_start3A_137 : memref<1x400xi32, #tpu.memory_space<hbm>> -> memref<400xi32, #tpu.memory_space<hbm>>
          tpu.enqueue_dma source(%dma_start3A_138 : memref<400xi32, #tpu.memory_space<hbm>>) target(%arg10 : memref<400xi32, #tpu.memory_space<vmem>>) target_semaphore(%arg15 : memref<!tpu.dma_semaphore, #tpu.memory_space<semaphore_mem>>)
        } else {
        }
        %mul3A_103 = arith.constant 2 : i32
        %mul3A_104 = arith.muli %mul3A_103, %scan3A_82 : i32
        %add3A_105 = arith.constant 1 : i32
        %add3A_106 = arith.addi %mul3A_104, %add3A_105 : i32
        %add3A_107 = arith.constant 1 : i32
        %add3A_108 = arith.addi %add3A_106, %add3A_107 : i32
        %lt3A_109 = arith.constant 50 : i32
        %lt3A_110 = arith.cmpi slt, %add3A_108, %lt3A_109 : i32
        %convert_element_type3A_111 = arith.extui %lt3A_110 : i1 to i32
        %cond3A_112 = arith.constant 0 : i32
        %cond3A_113 = arith.cmpi ne, %convert_element_type3A_111, %cond3A_112 : i32
        scf.if %cond3A_113 {
          %add3A_124 = arith.constant 1 : i32
          %add3A_125 = arith.addi %add3A_106, %add3A_124 : i32
          %mul3A_126 = arith.constant 400 : i32
          %mul3A_127 = arith.muli %add3A_125, %mul3A_126 : i32
          %add3A_128 = arith.addi %mul3A_2, %mul3A_127 : i32
          %dma_wait3A_129 = arith.constant 0 : i32
          %dma_wait3A_130 = tpu.memref_slice %arg3[%dma_wait3A_129, %add3A_128] : memref<2x320000xi32, #tpu.memory_space<hbm>> -> memref<1x400xi32, #tpu.memory_space<hbm>>
          %dma_wait3A_131 = tpu.memref_squeeze %dma_wait3A_130 : memref<1x400xi32, #tpu.memory_space<hbm>> -> memref<400xi32, #tpu.memory_space<hbm>>
          %dma_wait3A_132 = tpu.memref_slice %arg3[%dma_wait3A_129, %add3A_128] : memref<2x320000xi32, #tpu.memory_space<hbm>> -> memref<1x400xi32, #tpu.memory_space<hbm>>
          %dma_wait3A_133 = tpu.memref_squeeze %dma_wait3A_132 : memref<1x400xi32, #tpu.memory_space<hbm>> -> memref<400xi32, #tpu.memory_space<hbm>>
          tpu.wait_dma2 semaphore(%arg15 : memref<!tpu.dma_semaphore, #tpu.memory_space<semaphore_mem>>) src(%dma_wait3A_133 : memref<400xi32, #tpu.memory_space<hbm>>) dst(%arg8 : memref<400xi32, #tpu.memory_space<vmem>>)
          %dma_wait3A_134 = arith.constant 1 : i32
          %dma_wait3A_135 = tpu.memref_slice %arg3[%dma_wait3A_134, %add3A_128] : memref<2x320000xi32, #tpu.memory_space<hbm>> -> memref<1x400xi32, #tpu.memory_space<hbm>>
          %dma_wait3A_136 = tpu.memref_squeeze %dma_wait3A_135 : memref<1x400xi32, #tpu.memory_space<hbm>> -> memref<400xi32, #tpu.memory_space<hbm>>
          %dma_wait3A_137 = tpu.memref_slice %arg3[%dma_wait3A_134, %add3A_128] : memref<2x320000xi32, #tpu.memory_space<hbm>> -> memref<1x400xi32, #tpu.memory_space<hbm>>
          %dma_wait3A_138 = tpu.memref_squeeze %dma_wait3A_137 : memref<1x400xi32, #tpu.memory_space<hbm>> -> memref<400xi32, #tpu.memory_space<hbm>>
          tpu.wait_dma2 semaphore(%arg15 : memref<!tpu.dma_semaphore, #tpu.memory_space<semaphore_mem>>) src(%dma_wait3A_138 : memref<400xi32, #tpu.memory_space<hbm>>) dst(%arg10 : memref<400xi32, #tpu.memory_space<vmem>>)
          %scan3A_139 = arith.constant 0 : i32
          %scan3A_140 = arith.constant 0 : i32
          %scan3A_141 = arith.constant 25 : i32
          %scan3A_142 = arith.addi %scan3A_140, %scan3A_141 : i32
          %scan3A_143 = arith.constant 1 : i32
          scf.for %scan3A_148 = %scan3A_140 to %scan3A_142 step %scan3A_143  : i32 {
            %mul3A_149 = arith.constant 16 : i32
            %mul3A_150 = arith.muli %scan3A_148, %mul3A_149 : i32
            %get3A = arith.index_cast %mul3A_150 : i32 to index
            %get3A_151 = tpu.vector_load %arg8[%get3A] {strides = array<i32>} : memref<400xi32, #tpu.memory_space<vmem>>, vector<16xi32>,
            %get3A_152 = vector.shape_cast %get3A_151 : vector<16xi32> to vector<16xi32>
            %mul3A_153 = arith.constant 2 : i32
            %mul3A_154 = vector.broadcast %mul3A_153 : i32 to vector<16xi32>
            %mul3A_155 = arith.muli %get3A_152, %mul3A_154 : vector<16xi32>
            %add3A_156 = vector.broadcast %arg0 : i32 to vector<16xi32>
            %add3A_157 = arith.addi %mul3A_155, %add3A_156 : vector<16xi32>
            %mul3A_158 = arith.constant 16 : i32
            %mul3A_159 = arith.muli %scan3A_148, %mul3A_158 : i32
            %swap3A = arith.index_cast %mul3A_159 : i32 to index
            %swap3A_160 = tpu.vector_load %arg8[%swap3A] {strides = array<i32>} : memref<400xi32, #tpu.memory_space<vmem>>, vector<16xi32>,
            %swap3A_161 = vector.shape_cast %swap3A_160 : vector<16xi32> to vector<16xi32>
            %swap3A_162 = vector.shape_cast %add3A_157 : vector<16xi32> to vector<16xi32>
            tpu.vector_store %arg8[%swap3A], %swap3A_162 {strides = array<i32>} : memref<400xi32, #tpu.memory_space<vmem>>, vector<16xi32>,
          }
          %scan3A_144 = arith.constant 25 : i32
          %dma_start3A_145 = arith.constant 0 : i32
          %dma_start3A_146 = arith.constant 0 : i32
          %dma_start3A_147 = tpu.memref_slice %arg2[%dma_start3A_145, %dma_start3A_146] : memref<20000x64xf32, #tpu.memory_space<hbm>> -> memref<20000x64xf32, #tpu.memory_space<hbm>>
          tpu.enqueue_indirect_dma source(%dma_start3A_147 : memref<20000x64xf32, #tpu.memory_space<hbm>>) target(%arg12 : memref<400x64xf32, #tpu.memory_space<vmem>>) offsets(%arg8 : memref<400xi32, #tpu.memory_space<vmem>>) semaphore(%arg17 : memref<!tpu.dma_semaphore, #tpu.memory_space<semaphore_mem>>)
        } else {
        }
        %dma_wait3A_114 = arith.constant 0 : i32
        %dma_wait3A_115 = arith.constant 0 : i32
        %dma_wait3A_116 = tpu.memref_slice %arg2[%dma_wait3A_114, %dma_wait3A_115] : memref<20000x64xf32, #tpu.memory_space<hbm>> -> memref<20000x64xf32, #tpu.memory_space<hbm>>
        tpu.wait_indirect_dma semaphore(%arg18 : memref<!tpu.dma_semaphore, #tpu.memory_space<semaphore_mem>>) src(%dma_wait3A_116 : memref<20000x64xf32, #tpu.memory_space<hbm>>) dst(%arg13 : memref<400x64xf32, #tpu.memory_space<vmem>>)
        "tpu.region"() ({
          %run_scoped3A = tpu.sem_alloc : memref<!tpu.dma_semaphore, #tpu.memory_space<semaphore_mem>>
          %dma_start3A_124 = arith.constant 0 : i32
          %dma_start3A_125 = arith.constant 0 : i32
          %dma_start3A_126 = tpu.memref_slice %arg14[%dma_start3A_124, %dma_start3A_125] : memref<10000x64xf32, #tpu.memory_space<vmem_shared>> -> memref<10000x64xf32, #tpu.memory_space<vmem_shared>>
          tpu.enqueue_indirect_dma source(%arg13 : memref<400x64xf32, #tpu.memory_space<vmem>>) target(%dma_start3A_126 : memref<10000x64xf32, #tpu.memory_space<vmem_shared>>) offsets(%arg11 : memref<400xi32, #tpu.memory_space<vmem>>) semaphore(%run_scoped3A : memref<!tpu.dma_semaphore, #tpu.memory_space<semaphore_mem>>) {add = true}
          %dma_wait3A_127 = arith.constant 0 : i32
          %dma_wait3A_128 = arith.constant 0 : i32
          %dma_wait3A_129 = tpu.memref_slice %arg14[%dma_wait3A_127, %dma_wait3A_128] : memref<10000x64xf32, #tpu.memory_space<vmem_shared>> -> memref<10000x64xf32, #tpu.memory_space<vmem_shared>>
          tpu.wait_indirect_dma semaphore(%run_scoped3A : memref<!tpu.dma_semaphore, #tpu.memory_space<semaphore_mem>>) src(%arg13 : memref<400x64xf32, #tpu.memory_space<vmem>>) dst(%dma_wait3A_129 : memref<10000x64xf32, #tpu.memory_space<vmem_shared>>)
          tpu.yield
        }) : () -> ()
        %add3A_117 = arith.constant 2 : i32
        %add3A_118 = arith.addi %add3A_106, %add3A_117 : i32
        %lt3A_119 = arith.constant 50 : i32
        %lt3A_120 = arith.cmpi slt, %add3A_118, %lt3A_119 : i32
        %convert_element_type3A_121 = arith.extui %lt3A_120 : i1 to i32
        %cond3A_122 = arith.constant 0 : i32
        %cond3A_123 = arith.cmpi ne, %convert_element_type3A_121, %cond3A_122 : i32
        scf.if %cond3A_123 {
          %add3A_124 = arith.constant 2 : i32
          %add3A_125 = arith.addi %add3A_106, %add3A_124 : i32
          %mul3A_126 = arith.constant 400 : i32
          %mul3A_127 = arith.muli %add3A_125, %mul3A_126 : i32
          %add3A_128 = arith.addi %mul3A_2, %mul3A_127 : i32
          %dma_start3A_129 = arith.constant 0 : i32
          %dma_start3A_130 = tpu.memref_slice %arg3[%dma_start3A_129, %add3A_128] : memref<2x320000xi32, #tpu.memory_space<hbm>> -> memref<1x400xi32, #tpu.memory_space<hbm>>
          %dma_start3A_131 = tpu.memref_squeeze %dma_start3A_130 : memref<1x400xi32, #tpu.memory_space<hbm>> -> memref<400xi32, #tpu.memory_space<hbm>>
          %dma_start3A_132 = tpu.memref_slice %arg3[%dma_start3A_129, %add3A_128] : memref<2x320000xi32, #tpu.memory_space<hbm>> -> memref<1x400xi32, #tpu.memory_space<hbm>>
          %dma_start3A_133 = tpu.memref_squeeze %dma_start3A_132 : memref<1x400xi32, #tpu.memory_space<hbm>> -> memref<400xi32, #tpu.memory_space<hbm>>
          tpu.enqueue_dma source(%dma_start3A_133 : memref<400xi32, #tpu.memory_space<hbm>>) target(%arg9 : memref<400xi32, #tpu.memory_space<vmem>>) target_semaphore(%arg16 : memref<!tpu.dma_semaphore, #tpu.memory_space<semaphore_mem>>)
          %dma_start3A_134 = arith.constant 1 : i32
          %dma_start3A_135 = tpu.memref_slice %arg3[%dma_start3A_134, %add3A_128] : memref<2x320000xi32, #tpu.memory_space<hbm>> -> memref<1x400xi32, #tpu.memory_space<hbm>>
          %dma_start3A_136 = tpu.memref_squeeze %dma_start3A_135 : memref<1x400xi32, #tpu.memory_space<hbm>> -> memref<400xi32, #tpu.memory_space<hbm>>
          %dma_start3A_137 = tpu.memref_slice %arg3[%dma_start3A_134, %add3A_128] : memref<2x320000xi32, #tpu.memory_space<hbm>> -> memref<1x400xi32, #tpu.memory_space<hbm>>
          %dma_start3A_138 = tpu.memref_squeeze %dma_start3A_137 : memref<1x400xi32, #tpu.memory_space<hbm>> -> memref<400xi32, #tpu.memory_space<hbm>>
          tpu.enqueue_dma source(%dma_start3A_138 : memref<400xi32, #tpu.memory_space<hbm>>) target(%arg11 : memref<400xi32, #tpu.memory_space<vmem>>) target_semaphore(%arg16 : memref<!tpu.dma_semaphore, #tpu.memory_space<semaphore_mem>>)
        } else {
        }
      }
      %scan3A_81 = arith.constant 25 : i32
    } else {
    }
    %eq3A_12 = arith.constant 1 : i32
    %eq3A_13 = arith.cmpi eq, %arg0, %eq3A_12 : i32
    %convert_element_type3A_14 = arith.extui %eq3A_13 : i1 to i32
    %cond3A_15 = arith.constant 0 : i32
    %cond3A_16 = arith.cmpi ne, %convert_element_type3A_14, %cond3A_15 : i32
    scf.if %cond3A_16 {
      %add3A = arith.constant 0 : i32
      %add3A_27 = arith.addi %mul3A_2, %add3A : i32
      %dma_start3A_28 = arith.constant 0 : i32
      %dma_start3A_29 = tpu.memref_slice %arg3[%dma_start3A_28, %add3A_27] : memref<2x320000xi32, #tpu.memory_space<hbm>> -> memref<1x400xi32, #tpu.memory_space<hbm>>
      %dma_start3A_30 = tpu.memref_squeeze %dma_start3A_29 : memref<1x400xi32, #tpu.memory_space<hbm>> -> memref<400xi32, #tpu.memory_space<hbm>>
      %dma_start3A_31 = tpu.memref_slice %arg3[%dma_start3A_28, %add3A_27] : memref<2x320000xi32, #tpu.memory_space<hbm>> -> memref<1x400xi32, #tpu.memory_space<hbm>>
      %dma_start3A_32 = tpu.memref_squeeze %dma_start3A_31 : memref<1x400xi32, #tpu.memory_space<hbm>> -> memref<400xi32, #tpu.memory_space<hbm>>
      tpu.enqueue_dma source(%dma_start3A_32 : memref<400xi32, #tpu.memory_space<hbm>>) target(%arg8 : memref<400xi32, #tpu.memory_space<vmem>>) target_semaphore(%arg15 : memref<!tpu.dma_semaphore, #tpu.memory_space<semaphore_mem>>)
      %dma_start3A_33 = arith.constant 1 : i32
      %dma_start3A_34 = tpu.memref_slice %arg3[%dma_start3A_33, %add3A_27] : memref<2x320000xi32, #tpu.memory_space<hbm>> -> memref<1x400xi32, #tpu.memory_space<hbm>>
      %dma_start3A_35 = tpu.memref_squeeze %dma_start3A_34 : memref<1x400xi32, #tpu.memory_space<hbm>> -> memref<400xi32, #tpu.memory_space<hbm>>
      %dma_start3A_36 = tpu.memref_slice %arg3[%dma_start3A_33, %add3A_27] : memref<2x320000xi32, #tpu.memory_space<hbm>> -> memref<1x400xi32, #tpu.memory_space<hbm>>
      %dma_start3A_37 = tpu.memref_squeeze %dma_start3A_36 : memref<1x400xi32, #tpu.memory_space<hbm>> -> memref<400xi32, #tpu.memory_space<hbm>>
      tpu.enqueue_dma source(%dma_start3A_37 : memref<400xi32, #tpu.memory_space<hbm>>) target(%arg10 : memref<400xi32, #tpu.memory_space<vmem>>) target_semaphore(%arg15 : memref<!tpu.dma_semaphore, #tpu.memory_space<semaphore_mem>>)
      %dma_wait3A = arith.constant 0 : i32
      %dma_wait3A_38 = tpu.memref_slice %arg3[%dma_wait3A, %add3A_27] : memref<2x320000xi32, #tpu.memory_space<hbm>> -> memref<1x400xi32, #tpu.memory_space<hbm>>
      %dma_wait3A_39 = tpu.memref_squeeze %dma_wait3A_38 : memref<1x400xi32, #tpu.memory_space<hbm>> -> memref<400xi32, #tpu.memory_space<hbm>>
      %dma_wait3A_40 = tpu.memref_slice %arg3[%dma_wait3A, %add3A_27] : memref<2x320000xi32, #tpu.memory_space<hbm>> -> memref<1x400xi32, #tpu.memory_space<hbm>>
      %dma_wait3A_41 = tpu.memref_squeeze %dma_wait3A_40 : memref<1x400xi32, #tpu.memory_space<hbm>> -> memref<400xi32, #tpu.memory_space<hbm>>
      tpu.wait_dma2 semaphore(%arg15 : memref<!tpu.dma_semaphore, #tpu.memory_space<semaphore_mem>>) src(%dma_wait3A_41 : memref<400xi32, #tpu.memory_space<hbm>>) dst(%arg8 : memref<400xi32, #tpu.memory_space<vmem>>)
      %dma_wait3A_42 = arith.constant 1 : i32
      %dma_wait3A_43 = tpu.memref_slice %arg3[%dma_wait3A_42, %add3A_27] : memref<2x320000xi32, #tpu.memory_space<hbm>> -> memref<1x400xi32, #tpu.memory_space<hbm>>
      %dma_wait3A_44 = tpu.memref_squeeze %dma_wait3A_43 : memref<1x400xi32, #tpu.memory_space<hbm>> -> memref<400xi32, #tpu.memory_space<hbm>>
      %dma_wait3A_45 = tpu.memref_slice %arg3[%dma_wait3A_42, %add3A_27] : memref<2x320000xi32, #tpu.memory_space<hbm>> -> memref<1x400xi32, #tpu.memory_space<hbm>>
      %dma_wait3A_46 = tpu.memref_squeeze %dma_wait3A_45 : memref<1x400xi32, #tpu.memory_space<hbm>> -> memref<400xi32, #tpu.memory_space<hbm>>
      tpu.wait_dma2 semaphore(%arg15 : memref<!tpu.dma_semaphore, #tpu.memory_space<semaphore_mem>>) src(%dma_wait3A_46 : memref<400xi32, #tpu.memory_space<hbm>>) dst(%arg10 : memref<400xi32, #tpu.memory_space<vmem>>)
      %scan3A = arith.constant 0 : i32
      %scan3A_47 = arith.constant 0 : i32
      %scan3A_48 = arith.constant 25 : i32
      %scan3A_49 = arith.addi %scan3A_47, %scan3A_48 : i32
      %scan3A_50 = arith.constant 1 : i32
      scf.for %scan3A_82 = %scan3A_47 to %scan3A_49 step %scan3A_50  : i32 {
        %mul3A_83 = arith.constant 16 : i32
        %mul3A_84 = arith.muli %scan3A_82, %mul3A_83 : i32
        %get3A = arith.index_cast %mul3A_84 : i32 to index
        %get3A_85 = tpu.vector_load %arg8[%get3A] {strides = array<i32>} : memref<400xi32, #tpu.memory_space<vmem>>, vector<16xi32>,
        %get3A_86 = vector.shape_cast %get3A_85 : vector<16xi32> to vector<16xi32>
        %mul3A_87 = arith.constant 2 : i32
        %mul3A_88 = vector.broadcast %mul3A_87 : i32 to vector<16xi32>
        %mul3A_89 = arith.muli %get3A_86, %mul3A_88 : vector<16xi32>
        %add3A_90 = vector.broadcast %arg0 : i32 to vector<16xi32>
        %add3A_91 = arith.addi %mul3A_89, %add3A_90 : vector<16xi32>
        %mul3A_92 = arith.constant 16 : i32
        %mul3A_93 = arith.muli %scan3A_82, %mul3A_92 : i32
        %swap3A = arith.index_cast %mul3A_93 : i32 to index
        %swap3A_94 = tpu.vector_load %arg8[%swap3A] {strides = array<i32>} : memref<400xi32, #tpu.memory_space<vmem>>, vector<16xi32>,
        %swap3A_95 = vector.shape_cast %swap3A_94 : vector<16xi32> to vector<16xi32>
        %swap3A_96 = vector.shape_cast %add3A_91 : vector<16xi32> to vector<16xi32>
        tpu.vector_store %arg8[%swap3A], %swap3A_96 {strides = array<i32>} : memref<400xi32, #tpu.memory_space<vmem>>, vector<16xi32>,
      }
      %scan3A_51 = arith.constant 25 : i32
      %add3A_52 = arith.constant 400 : i32
      %add3A_53 = arith.addi %mul3A_2, %add3A_52 : i32
      %dma_start3A_54 = arith.constant 0 : i32
      %dma_start3A_55 = tpu.memref_slice %arg3[%dma_start3A_54, %add3A_53] : memref<2x320000xi32, #tpu.memory_space<hbm>> -> memref<1x400xi32, #tpu.memory_space<hbm>>
      %dma_start3A_56 = tpu.memref_squeeze %dma_start3A_55 : memref<1x400xi32, #tpu.memory_space<hbm>> -> memref<400xi32, #tpu.memory_space<hbm>>
      %dma_start3A_57 = tpu.memref_slice %arg3[%dma_start3A_54, %add3A_53] : memref<2x320000xi32, #tpu.memory_space<hbm>> -> memref<1x400xi32, #tpu.memory_space<hbm>>
      %dma_start3A_58 = tpu.memref_squeeze %dma_start3A_57 : memref<1x400xi32, #tpu.memory_space<hbm>> -> memref<400xi32, #tpu.memory_space<hbm>>
      tpu.enqueue_dma source(%dma_start3A_58 : memref<400xi32, #tpu.memory_space<hbm>>) target(%arg9 : memref<400xi32, #tpu.memory_space<vmem>>) target_semaphore(%arg16 : memref<!tpu.dma_semaphore, #tpu.memory_space<semaphore_mem>>)
      %dma_start3A_59 = arith.constant 1 : i32
      %dma_start3A_60 = tpu.memref_slice %arg3[%dma_start3A_59, %add3A_53] : memref<2x320000xi32, #tpu.memory_space<hbm>> -> memref<1x400xi32, #tpu.memory_space<hbm>>
      %dma_start3A_61 = tpu.memref_squeeze %dma_start3A_60 : memref<1x400xi32, #tpu.memory_space<hbm>> -> memref<400xi32, #tpu.memory_space<hbm>>
      %dma_start3A_62 = tpu.memref_slice %arg3[%dma_start3A_59, %add3A_53] : memref<2x320000xi32, #tpu.memory_space<hbm>> -> memref<1x400xi32, #tpu.memory_space<hbm>>
      %dma_start3A_63 = tpu.memref_squeeze %dma_start3A_62 : memref<1x400xi32, #tpu.memory_space<hbm>> -> memref<400xi32, #tpu.memory_space<hbm>>
      tpu.enqueue_dma source(%dma_start3A_63 : memref<400xi32, #tpu.memory_space<hbm>>) target(%arg11 : memref<400xi32, #tpu.memory_space<vmem>>) target_semaphore(%arg16 : memref<!tpu.dma_semaphore, #tpu.memory_space<semaphore_mem>>)
      %dma_start3A_64 = arith.constant 0 : i32
      %dma_start3A_65 = arith.constant 0 : i32
      %dma_start3A_66 = tpu.memref_slice %arg2[%dma_start3A_64, %dma_start3A_65] : memref<20000x64xf32, #tpu.memory_space<hbm>> -> memref<20000x64xf32, #tpu.memory_space<hbm>>
      tpu.enqueue_indirect_dma source(%dma_start3A_66 : memref<20000x64xf32, #tpu.memory_space<hbm>>) target(%arg12 : memref<400x64xf32, #tpu.memory_space<vmem>>) offsets(%arg8 : memref<400xi32, #tpu.memory_space<vmem>>) semaphore(%arg17 : memref<!tpu.dma_semaphore, #tpu.memory_space<semaphore_mem>>)
      %dma_wait3A_67 = arith.constant 0 : i32
      %dma_wait3A_68 = tpu.memref_slice %arg14[%mul3A_0, %dma_wait3A_67] : memref<10000x64xf32, #tpu.memory_space<vmem_shared>> -> memref<625x64xf32, #tpu.memory_space<vmem_shared>>
      %dma_wait3A_69 = arith.constant 0 : i32
      %dma_wait3A_70 = tpu.memref_slice %arg4[%mul3A_0, %dma_wait3A_69] : memref<10000x64xf32, #tpu.memory_space<hbm>> -> memref<625x64xf32, #tpu.memory_space<hbm>>
      tpu.wait_dma2 semaphore(%arg19 : memref<!tpu.dma_semaphore, #tpu.memory_space<semaphore_mem>>) src(%dma_wait3A_70 : memref<625x64xf32, #tpu.memory_space<hbm>>) dst(%dma_wait3A_68 : memref<625x64xf32, #tpu.memory_space<vmem_shared>>)
      %dma_wait3A_71 = arith.constant 0 : i32
      %dma_wait3A_72 = tpu.memref_slice %arg21[%mul3A_0, %dma_wait3A_71] : memref<10000x8xf32, #tpu.memory_space<vmem_shared>> -> memref<625x8xf32, #tpu.memory_space<vmem_shared>>
      %dma_wait3A_73 = arith.constant 0 : i32
      %dma_wait3A_74 = tpu.memref_slice %arg4[%mul3A_0, %dma_wait3A_73] : memref<10000x64xf32, #tpu.memory_space<hbm>> -> memref<625x8xf32, #tpu.memory_space<hbm>>
      tpu.wait_dma2 semaphore(%arg19 : memref<!tpu.dma_semaphore, #tpu.memory_space<semaphore_mem>>) src(%dma_wait3A_74 : memref<625x8xf32, #tpu.memory_space<hbm>>) dst(%dma_wait3A_72 : memref<625x8xf32, #tpu.memory_space<vmem_shared>>)
      %barrier3A_75 = arith.constant 0 : index
      tpu.barrier barrier_id(%barrier3A_75)
      %scan3A_76 = arith.constant 0 : i32
      %scan3A_77 = arith.constant 0 : i32
      %scan3A_78 = arith.constant 25 : i32
      %scan3A_79 = arith.addi %scan3A_77, %scan3A_78 : i32
      %scan3A_80 = arith.constant 1 : i32
      scf.for %scan3A_82 = %scan3A_77 to %scan3A_79 step %scan3A_80  : i32 {
        %mul3A_83 = arith.constant 2 : i32
        %mul3A_84 = arith.muli %mul3A_83, %scan3A_82 : i32
        %add3A_85 = arith.constant 0 : i32
        %add3A_86 = arith.addi %mul3A_84, %add3A_85 : i32
        %add3A_87 = arith.constant 1 : i32
        %add3A_88 = arith.addi %add3A_86, %add3A_87 : i32
        %lt3A = arith.constant 50 : i32
        %lt3A_89 = arith.cmpi slt, %add3A_88, %lt3A : i32
        %convert_element_type3A_90 = arith.extui %lt3A_89 : i1 to i32
        %cond3A_91 = arith.constant 0 : i32
        %cond3A_92 = arith.cmpi ne, %convert_element_type3A_90, %cond3A_91 : i32
        scf.if %cond3A_92 {
          %add3A_124 = arith.constant 1 : i32
          %add3A_125 = arith.addi %add3A_86, %add3A_124 : i32
          %mul3A_126 = arith.constant 400 : i32
          %mul3A_127 = arith.muli %add3A_125, %mul3A_126 : i32
          %add3A_128 = arith.addi %mul3A_2, %mul3A_127 : i32
          %dma_wait3A_129 = arith.constant 0 : i32
          %dma_wait3A_130 = tpu.memref_slice %arg3[%dma_wait3A_129, %add3A_128] : memref<2x320000xi32, #tpu.memory_space<hbm>> -> memref<1x400xi32, #tpu.memory_space<hbm>>
          %dma_wait3A_131 = tpu.memref_squeeze %dma_wait3A_130 : memref<1x400xi32, #tpu.memory_space<hbm>> -> memref<400xi32, #tpu.memory_space<hbm>>
          %dma_wait3A_132 = tpu.memref_slice %arg3[%dma_wait3A_129, %add3A_128] : memref<2x320000xi32, #tpu.memory_space<hbm>> -> memref<1x400xi32, #tpu.memory_space<hbm>>
          %dma_wait3A_133 = tpu.memref_squeeze %dma_wait3A_132 : memref<1x400xi32, #tpu.memory_space<hbm>> -> memref<400xi32, #tpu.memory_space<hbm>>
          tpu.wait_dma2 semaphore(%arg16 : memref<!tpu.dma_semaphore, #tpu.memory_space<semaphore_mem>>) src(%dma_wait3A_133 : memref<400xi32, #tpu.memory_space<hbm>>) dst(%arg9 : memref<400xi32, #tpu.memory_space<vmem>>)
          %dma_wait3A_134 = arith.constant 1 : i32
          %dma_wait3A_135 = tpu.memref_slice %arg3[%dma_wait3A_134, %add3A_128] : memref<2x320000xi32, #tpu.memory_space<hbm>> -> memref<1x400xi32, #tpu.memory_space<hbm>>
          %dma_wait3A_136 = tpu.memref_squeeze %dma_wait3A_135 : memref<1x400xi32, #tpu.memory_space<hbm>> -> memref<400xi32, #tpu.memory_space<hbm>>
          %dma_wait3A_137 = tpu.memref_slice %arg3[%dma_wait3A_134, %add3A_128] : memref<2x320000xi32, #tpu.memory_space<hbm>> -> memref<1x400xi32, #tpu.memory_space<hbm>>
          %dma_wait3A_138 = tpu.memref_squeeze %dma_wait3A_137 : memref<1x400xi32, #tpu.memory_space<hbm>> -> memref<400xi32, #tpu.memory_space<hbm>>
          tpu.wait_dma2 semaphore(%arg16 : memref<!tpu.dma_semaphore, #tpu.memory_space<semaphore_mem>>) src(%dma_wait3A_138 : memref<400xi32, #tpu.memory_space<hbm>>) dst(%arg11 : memref<400xi32, #tpu.memory_space<vmem>>)
          %scan3A_139 = arith.constant 0 : i32
          %scan3A_140 = arith.constant 0 : i32
          %scan3A_141 = arith.constant 25 : i32
          %scan3A_142 = arith.addi %scan3A_140, %scan3A_141 : i32
          %scan3A_143 = arith.constant 1 : i32
          scf.for %scan3A_148 = %scan3A_140 to %scan3A_142 step %scan3A_143  : i32 {
            %mul3A_149 = arith.constant 16 : i32
            %mul3A_150 = arith.muli %scan3A_148, %mul3A_149 : i32
            %get3A = arith.index_cast %mul3A_150 : i32 to index
            %get3A_151 = tpu.vector_load %arg9[%get3A] {strides = array<i32>} : memref<400xi32, #tpu.memory_space<vmem>>, vector<16xi32>,
            %get3A_152 = vector.shape_cast %get3A_151 : vector<16xi32> to vector<16xi32>
            %mul3A_153 = arith.constant 2 : i32
            %mul3A_154 = vector.broadcast %mul3A_153 : i32 to vector<16xi32>
            %mul3A_155 = arith.muli %get3A_152, %mul3A_154 : vector<16xi32>
            %add3A_156 = vector.broadcast %arg0 : i32 to vector<16xi32>
            %add3A_157 = arith.addi %mul3A_155, %add3A_156 : vector<16xi32>
            %mul3A_158 = arith.constant 16 : i32
            %mul3A_159 = arith.muli %scan3A_148, %mul3A_158 : i32
            %swap3A = arith.index_cast %mul3A_159 : i32 to index
            %swap3A_160 = tpu.vector_load %arg9[%swap3A] {strides = array<i32>} : memref<400xi32, #tpu.memory_space<vmem>>, vector<16xi32>,
            %swap3A_161 = vector.shape_cast %swap3A_160 : vector<16xi32> to vector<16xi32>
            %swap3A_162 = vector.shape_cast %add3A_157 : vector<16xi32> to vector<16xi32>
            tpu.vector_store %arg9[%swap3A], %swap3A_162 {strides = array<i32>} : memref<400xi32, #tpu.memory_space<vmem>>, vector<16xi32>,
          }
          %scan3A_144 = arith.constant 25 : i32
          %dma_start3A_145 = arith.constant 0 : i32
          %dma_start3A_146 = arith.constant 0 : i32
          %dma_start3A_147 = tpu.memref_slice %arg2[%dma_start3A_145, %dma_start3A_146] : memref<20000x64xf32, #tpu.memory_space<hbm>> -> memref<20000x64xf32, #tpu.memory_space<hbm>>
          tpu.enqueue_indirect_dma source(%dma_start3A_147 : memref<20000x64xf32, #tpu.memory_space<hbm>>) target(%arg13 : memref<400x64xf32, #tpu.memory_space<vmem>>) offsets(%arg9 : memref<400xi32, #tpu.memory_space<vmem>>) semaphore(%arg18 : memref<!tpu.dma_semaphore, #tpu.memory_space<semaphore_mem>>)
        } else {
        }
        %dma_wait3A_93 = arith.constant 0 : i32
        %dma_wait3A_94 = arith.constant 0 : i32
        %dma_wait3A_95 = tpu.memref_slice %arg2[%dma_wait3A_93, %dma_wait3A_94] : memref<20000x64xf32, #tpu.memory_space<hbm>> -> memref<20000x64xf32, #tpu.memory_space<hbm>>
        tpu.wait_indirect_dma semaphore(%arg17 : memref<!tpu.dma_semaphore, #tpu.memory_space<semaphore_mem>>) src(%dma_wait3A_95 : memref<20000x64xf32, #tpu.memory_space<hbm>>) dst(%arg12 : memref<400x64xf32, #tpu.memory_space<vmem>>)
        "tpu.region"() ({
          %run_scoped3A = tpu.sem_alloc : memref<!tpu.dma_semaphore, #tpu.memory_space<semaphore_mem>>
          %dma_start3A_124 = arith.constant 0 : i32
          %dma_start3A_125 = arith.constant 0 : i32
          %dma_start3A_126 = tpu.memref_slice %arg14[%dma_start3A_124, %dma_start3A_125] : memref<10000x64xf32, #tpu.memory_space<vmem_shared>> -> memref<10000x64xf32, #tpu.memory_space<vmem_shared>>
          tpu.enqueue_indirect_dma source(%arg12 : memref<400x64xf32, #tpu.memory_space<vmem>>) target(%dma_start3A_126 : memref<10000x64xf32, #tpu.memory_space<vmem_shared>>) offsets(%arg10 : memref<400xi32, #tpu.memory_space<vmem>>) semaphore(%run_scoped3A : memref<!tpu.dma_semaphore, #tpu.memory_space<semaphore_mem>>) {add = true}
          %dma_wait3A_127 = arith.constant 0 : i32
          %dma_wait3A_128 = arith.constant 0 : i32
          %dma_wait3A_129 = tpu.memref_slice %arg14[%dma_wait3A_127, %dma_wait3A_128] : memref<10000x64xf32, #tpu.memory_space<vmem_shared>> -> memref<10000x64xf32, #tpu.memory_space<vmem_shared>>
          tpu.wait_indirect_dma semaphore(%run_scoped3A : memref<!tpu.dma_semaphore, #tpu.memory_space<semaphore_mem>>) src(%arg12 : memref<400x64xf32, #tpu.memory_space<vmem>>) dst(%dma_wait3A_129 : memref<10000x64xf32, #tpu.memory_space<vmem_shared>>)
          tpu.yield
        }) : () -> ()
        %add3A_96 = arith.constant 2 : i32
        %add3A_97 = arith.addi %add3A_86, %add3A_96 : i32
        %lt3A_98 = arith.constant 50 : i32
        %lt3A_99 = arith.cmpi slt, %add3A_97, %lt3A_98 : i32
        %convert_element_type3A_100 = arith.extui %lt3A_99 : i1 to i32
        %cond3A_101 = arith.constant 0 : i32
        %cond3A_102 = arith.cmpi ne, %convert_element_type3A_100, %cond3A_101 : i32
        scf.if %cond3A_102 {
          %add3A_124 = arith.constant 2 : i32
          %add3A_125 = arith.addi %add3A_86, %add3A_124 : i32
          %mul3A_126 = arith.constant 400 : i32
          %mul3A_127 = arith.muli %add3A_125, %mul3A_126 : i32
          %add3A_128 = arith.addi %mul3A_2, %mul3A_127 : i32
          %dma_start3A_129 = arith.constant 0 : i32
          %dma_start3A_130 = tpu.memref_slice %arg3[%dma_start3A_129, %add3A_128] : memref<2x320000xi32, #tpu.memory_space<hbm>> -> memref<1x400xi32, #tpu.memory_space<hbm>>
          %dma_start3A_131 = tpu.memref_squeeze %dma_start3A_130 : memref<1x400xi32, #tpu.memory_space<hbm>> -> memref<400xi32, #tpu.memory_space<hbm>>
          %dma_start3A_132 = tpu.memref_slice %arg3[%dma_start3A_129, %add3A_128] : memref<2x320000xi32, #tpu.memory_space<hbm>> -> memref<1x400xi32, #tpu.memory_space<hbm>>
          %dma_start3A_133 = tpu.memref_squeeze %dma_start3A_132 : memref<1x400xi32, #tpu.memory_space<hbm>> -> memref<400xi32, #tpu.memory_space<hbm>>
          tpu.enqueue_dma source(%dma_start3A_133 : memref<400xi32, #tpu.memory_space<hbm>>) target(%arg8 : memref<400xi32, #tpu.memory_space<vmem>>) target_semaphore(%arg15 : memref<!tpu.dma_semaphore, #tpu.memory_space<semaphore_mem>>)
          %dma_start3A_134 = arith.constant 1 : i32
          %dma_start3A_135 = tpu.memref_slice %arg3[%dma_start3A_134, %add3A_128] : memref<2x320000xi32, #tpu.memory_space<hbm>> -> memref<1x400xi32, #tpu.memory_space<hbm>>
          %dma_start3A_136 = tpu.memref_squeeze %dma_start3A_135 : memref<1x400xi32, #tpu.memory_space<hbm>> -> memref<400xi32, #tpu.memory_space<hbm>>
          %dma_start3A_137 = tpu.memref_slice %arg3[%dma_start3A_134, %add3A_128] : memref<2x320000xi32, #tpu.memory_space<hbm>> -> memref<1x400xi32, #tpu.memory_space<hbm>>
          %dma_start3A_138 = tpu.memref_squeeze %dma_start3A_137 : memref<1x400xi32, #tpu.memory_space<hbm>> -> memref<400xi32, #tpu.memory_space<hbm>>
          tpu.enqueue_dma source(%dma_start3A_138 : memref<400xi32, #tpu.memory_space<hbm>>) target(%arg10 : memref<400xi32, #tpu.memory_space<vmem>>) target_semaphore(%arg15 : memref<!tpu.dma_semaphore, #tpu.memory_space<semaphore_mem>>)
        } else {
        }
        %mul3A_103 = arith.constant 2 : i32
        %mul3A_104 = arith.muli %mul3A_103, %scan3A_82 : i32
        %add3A_105 = arith.constant 1 : i32
        %add3A_106 = arith.addi %mul3A_104, %add3A_105 : i32
        %add3A_107 = arith.constant 1 : i32
        %add3A_108 = arith.addi %add3A_106, %add3A_107 : i32
        %lt3A_109 = arith.constant 50 : i32
        %lt3A_110 = arith.cmpi slt, %add3A_108, %lt3A_109 : i32
        %convert_element_type3A_111 = arith.extui %lt3A_110 : i1 to i32
        %cond3A_112 = arith.constant 0 : i32
        %cond3A_113 = arith.cmpi ne, %convert_element_type3A_111, %cond3A_112 : i32
        scf.if %cond3A_113 {
          %add3A_124 = arith.constant 1 : i32
          %add3A_125 = arith.addi %add3A_106, %add3A_124 : i32
          %mul3A_126 = arith.constant 400 : i32
          %mul3A_127 = arith.muli %add3A_125, %mul3A_126 : i32
          %add3A_128 = arith.addi %mul3A_2, %mul3A_127 : i32
          %dma_wait3A_129 = arith.constant 0 : i32
          %dma_wait3A_130 = tpu.memref_slice %arg3[%dma_wait3A_129, %add3A_128] : memref<2x320000xi32, #tpu.memory_space<hbm>> -> memref<1x400xi32, #tpu.memory_space<hbm>>
          %dma_wait3A_131 = tpu.memref_squeeze %dma_wait3A_130 : memref<1x400xi32, #tpu.memory_space<hbm>> -> memref<400xi32, #tpu.memory_space<hbm>>
          %dma_wait3A_132 = tpu.memref_slice %arg3[%dma_wait3A_129, %add3A_128] : memref<2x320000xi32, #tpu.memory_space<hbm>> -> memref<1x400xi32, #tpu.memory_space<hbm>>
          %dma_wait3A_133 = tpu.memref_squeeze %dma_wait3A_132 : memref<1x400xi32, #tpu.memory_space<hbm>> -> memref<400xi32, #tpu.memory_space<hbm>>
          tpu.wait_dma2 semaphore(%arg15 : memref<!tpu.dma_semaphore, #tpu.memory_space<semaphore_mem>>) src(%dma_wait3A_133 : memref<400xi32, #tpu.memory_space<hbm>>) dst(%arg8 : memref<400xi32, #tpu.memory_space<vmem>>)
          %dma_wait3A_134 = arith.constant 1 : i32
          %dma_wait3A_135 = tpu.memref_slice %arg3[%dma_wait3A_134, %add3A_128] : memref<2x320000xi32, #tpu.memory_space<hbm>> -> memref<1x400xi32, #tpu.memory_space<hbm>>
          %dma_wait3A_136 = tpu.memref_squeeze %dma_wait3A_135 : memref<1x400xi32, #tpu.memory_space<hbm>> -> memref<400xi32, #tpu.memory_space<hbm>>
          %dma_wait3A_137 = tpu.memref_slice %arg3[%dma_wait3A_134, %add3A_128] : memref<2x320000xi32, #tpu.memory_space<hbm>> -> memref<1x400xi32, #tpu.memory_space<hbm>>
          %dma_wait3A_138 = tpu.memref_squeeze %dma_wait3A_137 : memref<1x400xi32, #tpu.memory_space<hbm>> -> memref<400xi32, #tpu.memory_space<hbm>>
          tpu.wait_dma2 semaphore(%arg15 : memref<!tpu.dma_semaphore, #tpu.memory_space<semaphore_mem>>) src(%dma_wait3A_138 : memref<400xi32, #tpu.memory_space<hbm>>) dst(%arg10 : memref<400xi32, #tpu.memory_space<vmem>>)
          %scan3A_139 = arith.constant 0 : i32
          %scan3A_140 = arith.constant 0 : i32
          %scan3A_141 = arith.constant 25 : i32
          %scan3A_142 = arith.addi %scan3A_140, %scan3A_141 : i32
          %scan3A_143 = arith.constant 1 : i32
          scf.for %scan3A_148 = %scan3A_140 to %scan3A_142 step %scan3A_143  : i32 {
            %mul3A_149 = arith.constant 16 : i32
            %mul3A_150 = arith.muli %scan3A_148, %mul3A_149 : i32
            %get3A = arith.index_cast %mul3A_150 : i32 to index
            %get3A_151 = tpu.vector_load %arg8[%get3A] {strides = array<i32>} : memref<400xi32, #tpu.memory_space<vmem>>, vector<16xi32>,
            %get3A_152 = vector.shape_cast %get3A_151 : vector<16xi32> to vector<16xi32>
            %mul3A_153 = arith.constant 2 : i32
            %mul3A_154 = vector.broadcast %mul3A_153 : i32 to vector<16xi32>
            %mul3A_155 = arith.muli %get3A_152, %mul3A_154 : vector<16xi32>
            %add3A_156 = vector.broadcast %arg0 : i32 to vector<16xi32>
            %add3A_157 = arith.addi %mul3A_155, %add3A_156 : vector<16xi32>
            %mul3A_158 = arith.constant 16 : i32
            %mul3A_159 = arith.muli %scan3A_148, %mul3A_158 : i32
            %swap3A = arith.index_cast %mul3A_159 : i32 to index
            %swap3A_160 = tpu.vector_load %arg8[%swap3A] {strides = array<i32>} : memref<400xi32, #tpu.memory_space<vmem>>, vector<16xi32>,
            %swap3A_161 = vector.shape_cast %swap3A_160 : vector<16xi32> to vector<16xi32>
            %swap3A_162 = vector.shape_cast %add3A_157 : vector<16xi32> to vector<16xi32>
            tpu.vector_store %arg8[%swap3A], %swap3A_162 {strides = array<i32>} : memref<400xi32, #tpu.memory_space<vmem>>, vector<16xi32>,
          }
          %scan3A_144 = arith.constant 25 : i32
          %dma_start3A_145 = arith.constant 0 : i32
          %dma_start3A_146 = arith.constant 0 : i32
          %dma_start3A_147 = tpu.memref_slice %arg2[%dma_start3A_145, %dma_start3A_146] : memref<20000x64xf32, #tpu.memory_space<hbm>> -> memref<20000x64xf32, #tpu.memory_space<hbm>>
          tpu.enqueue_indirect_dma source(%dma_start3A_147 : memref<20000x64xf32, #tpu.memory_space<hbm>>) target(%arg12 : memref<400x64xf32, #tpu.memory_space<vmem>>) offsets(%arg8 : memref<400xi32, #tpu.memory_space<vmem>>) semaphore(%arg17 : memref<!tpu.dma_semaphore, #tpu.memory_space<semaphore_mem>>)
        } else {
        }
        %dma_wait3A_114 = arith.constant 0 : i32
        %dma_wait3A_115 = arith.constant 0 : i32
        %dma_wait3A_116 = tpu.memref_slice %arg2[%dma_wait3A_114, %dma_wait3A_115] : memref<20000x64xf32, #tpu.memory_space<hbm>> -> memref<20000x64xf32, #tpu.memory_space<hbm>>
        tpu.wait_indirect_dma semaphore(%arg18 : memref<!tpu.dma_semaphore, #tpu.memory_space<semaphore_mem>>) src(%dma_wait3A_116 : memref<20000x64xf32, #tpu.memory_space<hbm>>) dst(%arg13 : memref<400x64xf32, #tpu.memory_space<vmem>>)
        "tpu.region"() ({
          %run_scoped3A = tpu.sem_alloc : memref<!tpu.dma_semaphore, #tpu.memory_space<semaphore_mem>>
          %dma_start3A_124 = arith.constant 0 : i32
          %dma_start3A_125 = arith.constant 0 : i32
          %dma_start3A_126 = tpu.memref_slice %arg14[%dma_start3A_124, %dma_start3A_125] : memref<10000x64xf32, #tpu.memory_space<vmem_shared>> -> memref<10000x64xf32, #tpu.memory_space<vmem_shared>>
          tpu.enqueue_indirect_dma source(%arg13 : memref<400x64xf32, #tpu.memory_space<vmem>>) target(%dma_start3A_126 : memref<10000x64xf32, #tpu.memory_space<vmem_shared>>) offsets(%arg11 : memref<400xi32, #tpu.memory_space<vmem>>) semaphore(%run_scoped3A : memref<!tpu.dma_semaphore, #tpu.memory_space<semaphore_mem>>) {add = true}
          %dma_wait3A_127 = arith.constant 0 : i32
          %dma_wait3A_128 = arith.constant 0 : i32
          %dma_wait3A_129 = tpu.memref_slice %arg14[%dma_wait3A_127, %dma_wait3A_128] : memref<10000x64xf32, #tpu.memory_space<vmem_shared>> -> memref<10000x64xf32, #tpu.memory_space<vmem_shared>>
          tpu.wait_indirect_dma semaphore(%run_scoped3A : memref<!tpu.dma_semaphore, #tpu.memory_space<semaphore_mem>>) src(%arg13 : memref<400x64xf32, #tpu.memory_space<vmem>>) dst(%dma_wait3A_129 : memref<10000x64xf32, #tpu.memory_space<vmem_shared>>)
          tpu.yield
        }) : () -> ()
        "tpu.region"() ({
          %run_scoped3A = tpu.sem_alloc : memref<!tpu.dma_semaphore, #tpu.memory_space<semaphore_mem>>
          %dma_start3A_124 = arith.constant 0 : i32
          %dma_start3A_125 = arith.constant 0 : i32
          %dma_start3A_126 = tpu.memref_slice %arg21[%dma_start3A_124, %dma_start3A_125] : memref<10000x8xf32, #tpu.memory_space<vmem_shared>> -> memref<10000x8xf32, #tpu.memory_space<vmem_shared>>
          tpu.enqueue_indirect_dma source(%arg20 : memref<400x8xf32, #tpu.memory_space<vmem>>) target(%dma_start3A_126 : memref<10000x8xf32, #tpu.memory_space<vmem_shared>>) offsets(%arg11 : memref<400xi32, #tpu.memory_space<vmem>>) semaphore(%run_scoped3A : memref<!tpu.dma_semaphore, #tpu.memory_space<semaphore_mem>>) {add = true}
          %dma_wait3A_127 = arith.constant 0 : i32
          %dma_wait3A_128 = arith.constant 0 : i32
          %dma_wait3A_129 = tpu.memref_slice %arg21[%dma_wait3A_127, %dma_wait3A_128] : memref<10000x8xf32, #tpu.memory_space<vmem_shared>> -> memref<10000x8xf32, #tpu.memory_space<vmem_shared>>
          tpu.wait_indirect_dma semaphore(%run_scoped3A : memref<!tpu.dma_semaphore, #tpu.memory_space<semaphore_mem>>) src(%arg20 : memref<400x8xf32, #tpu.memory_space<vmem>>) dst(%dma_wait3A_129 : memref<10000x8xf32, #tpu.memory_space<vmem_shared>>)
          tpu.yield
        }) : () -> ()
        %add3A_117 = arith.constant 2 : i32
        %add3A_118 = arith.addi %add3A_106, %add3A_117 : i32
        %lt3A_119 = arith.constant 50 : i32
        %lt3A_120 = arith.cmpi slt, %add3A_118, %lt3A_119 : i32
        %convert_element_type3A_121 = arith.extui %lt3A_120 : i1 to i32
        %cond3A_122 = arith.constant 0 : i32
        %cond3A_123 = arith.cmpi ne, %convert_element_type3A_121, %cond3A_122 : i32
        scf.if %cond3A_123 {
          %add3A_124 = arith.constant 2 : i32
          %add3A_125 = arith.addi %add3A_106, %add3A_124 : i32
          %mul3A_126 = arith.constant 400 : i32
          %mul3A_127 = arith.muli %add3A_125, %mul3A_126 : i32
          %add3A_128 = arith.addi %mul3A_2, %mul3A_127 : i32
          %dma_start3A_129 = arith.constant 0 : i32
          %dma_start3A_130 = tpu.memref_slice %arg3[%dma_start3A_129, %add3A_128] : memref<2x320000xi32, #tpu.memory_space<hbm>> -> memref<1x400xi32, #tpu.memory_space<hbm>>
          %dma_start3A_131 = tpu.memref_squeeze %dma_start3A_130 : memref<1x400xi32, #tpu.memory_space<hbm>> -> memref<400xi32, #tpu.memory_space<hbm>>
          %dma_start3A_132 = tpu.memref_slice %arg3[%dma_start3A_129, %add3A_128] : memref<2x320000xi32, #tpu.memory_space<hbm>> -> memref<1x400xi32, #tpu.memory_space<hbm>>
          %dma_start3A_133 = tpu.memref_squeeze %dma_start3A_132 : memref<1x400xi32, #tpu.memory_space<hbm>> -> memref<400xi32, #tpu.memory_space<hbm>>
          tpu.enqueue_dma source(%dma_start3A_133 : memref<400xi32, #tpu.memory_space<hbm>>) target(%arg9 : memref<400xi32, #tpu.memory_space<vmem>>) target_semaphore(%arg16 : memref<!tpu.dma_semaphore, #tpu.memory_space<semaphore_mem>>)
          %dma_start3A_134 = arith.constant 1 : i32
          %dma_start3A_135 = tpu.memref_slice %arg3[%dma_start3A_134, %add3A_128] : memref<2x320000xi32, #tpu.memory_space<hbm>> -> memref<1x400xi32, #tpu.memory_space<hbm>>
          %dma_start3A_136 = tpu.memref_squeeze %dma_start3A_135 : memref<1x400xi32, #tpu.memory_space<hbm>> -> memref<400xi32, #tpu.memory_space<hbm>>
          %dma_start3A_137 = tpu.memref_slice %arg3[%dma_start3A_134, %add3A_128] : memref<2x320000xi32, #tpu.memory_space<hbm>> -> memref<1x400xi32, #tpu.memory_space<hbm>>
          %dma_start3A_138 = tpu.memref_squeeze %dma_start3A_137 : memref<1x400xi32, #tpu.memory_space<hbm>> -> memref<400xi32, #tpu.memory_space<hbm>>
          tpu.enqueue_dma source(%dma_start3A_138 : memref<400xi32, #tpu.memory_space<hbm>>) target(%arg11 : memref<400xi32, #tpu.memory_space<vmem>>) target_semaphore(%arg16 : memref<!tpu.dma_semaphore, #tpu.memory_space<semaphore_mem>>)
        } else {
        }
      }
      %scan3A_81 = arith.constant 25 : i32
    } else {
    }
    %barrier3A = arith.constant 0 : index
    tpu.barrier barrier_id(%barrier3A)
    %eq3A_17 = arith.constant 0 : i32
    %eq3A_18 = arith.cmpi eq, %arg0, %eq3A_17 : i32
    %convert_element_type3A_19 = arith.extui %eq3A_18 : i1 to i32
    %cond3A_20 = arith.constant 0 : i32
    %cond3A_21 = arith.cmpi ne, %convert_element_type3A_19, %cond3A_20 : i32
    scf.if %cond3A_21 {
      "tpu.region"() ({
        %run_scoped3A = tpu.sem_alloc : memref<!tpu.dma_semaphore, #tpu.memory_space<semaphore_mem>>
        %dma_start3A_27 = arith.constant 0 : i32
        %dma_start3A_28 = tpu.memref_slice %arg6[%mul3A_0, %dma_start3A_27] : memref<10000x128xf32, #tpu.memory_space<hbm>> -> memref<625x64xf32, #tpu.memory_space<hbm>>
        %dma_start3A_29 = arith.constant 0 : i32
        %dma_start3A_30 = tpu.memref_slice %arg14[%mul3A_0, %dma_start3A_29] : memref<10000x64xf32, #tpu.memory_space<vmem_shared>> -> memref<625x64xf32, #tpu.memory_space<vmem_shared>>
        tpu.enqueue_dma source(%dma_start3A_30 : memref<625x64xf32, #tpu.memory_space<vmem_shared>>) target(%dma_start3A_28 : memref<625x64xf32, #tpu.memory_space<hbm>>) target_semaphore(%run_scoped3A : memref<!tpu.dma_semaphore, #tpu.memory_space<semaphore_mem>>)
        %dma_wait3A = arith.constant 0 : i32
        %dma_wait3A_31 = tpu.memref_slice %arg6[%mul3A_0, %dma_wait3A] : memref<10000x128xf32, #tpu.memory_space<hbm>> -> memref<625x64xf32, #tpu.memory_space<hbm>>
        %dma_wait3A_32 = arith.constant 0 : i32
        %dma_wait3A_33 = tpu.memref_slice %arg14[%mul3A_0, %dma_wait3A_32] : memref<10000x64xf32, #tpu.memory_space<vmem_shared>> -> memref<625x64xf32, #tpu.memory_space<vmem_shared>>
        tpu.wait_dma2 semaphore(%run_scoped3A : memref<!tpu.dma_semaphore, #tpu.memory_space<semaphore_mem>>) src(%dma_wait3A_33 : memref<625x64xf32, #tpu.memory_space<vmem_shared>>) dst(%dma_wait3A_31 : memref<625x64xf32, #tpu.memory_space<hbm>>)
        tpu.yield
      }) : () -> ()
      "tpu.region"() ({
        %run_scoped3A = tpu.sem_alloc : memref<!tpu.dma_semaphore, #tpu.memory_space<semaphore_mem>>
        %dma_start3A_27 = arith.constant 0 : i32
        %dma_start3A_28 = tpu.memref_slice %arg7[%mul3A_0, %dma_start3A_27] : memref<10000x128xf32, #tpu.memory_space<hbm>> -> memref<625x8xf32, #tpu.memory_space<hbm>>
        %dma_start3A_29 = arith.constant 0 : i32
        %dma_start3A_30 = tpu.memref_slice %arg21[%mul3A_0, %dma_start3A_29] : memref<10000x8xf32, #tpu.memory_space<vmem_shared>> -> memref<625x8xf32, #tpu.memory_space<vmem_shared>>
        tpu.enqueue_dma source(%dma_start3A_30 : memref<625x8xf32, #tpu.memory_space<vmem_shared>>) target(%dma_start3A_28 : memref<625x8xf32, #tpu.memory_space<hbm>>) target_semaphore(%run_scoped3A : memref<!tpu.dma_semaphore, #tpu.memory_space<semaphore_mem>>)
        %dma_wait3A = arith.constant 0 : i32
        %dma_wait3A_31 = tpu.memref_slice %arg7[%mul3A_0, %dma_wait3A] : memref<10000x128xf32, #tpu.memory_space<hbm>> -> memref<625x8xf32, #tpu.memory_space<hbm>>
        %dma_wait3A_32 = arith.constant 0 : i32
        %dma_wait3A_33 = tpu.memref_slice %arg21[%mul3A_0, %dma_wait3A_32] : memref<10000x8xf32, #tpu.memory_space<vmem_shared>> -> memref<625x8xf32, #tpu.memory_space<vmem_shared>>
        tpu.wait_dma2 semaphore(%run_scoped3A : memref<!tpu.dma_semaphore, #tpu.memory_space<semaphore_mem>>) src(%dma_wait3A_33 : memref<625x8xf32, #tpu.memory_space<vmem_shared>>) dst(%dma_wait3A_31 : memref<625x8xf32, #tpu.memory_space<hbm>>)
        tpu.yield
      }) : () -> ()
    } else {
    }
    %eq3A_22 = arith.constant 1 : i32
    %eq3A_23 = arith.cmpi eq, %arg0, %eq3A_22 : i32
    %convert_element_type3A_24 = arith.extui %eq3A_23 : i1 to i32
    %cond3A_25 = arith.constant 0 : i32
    %cond3A_26 = arith.cmpi ne, %convert_element_type3A_24, %cond3A_25 : i32
    scf.if %cond3A_26 {
      "tpu.region"() ({
        %run_scoped3A = tpu.sem_alloc : memref<!tpu.dma_semaphore, #tpu.memory_space<semaphore_mem>>
        %dma_start3A_27 = arith.constant 64 : i32
        %dma_start3A_28 = tpu.memref_slice %arg6[%mul3A_0, %dma_start3A_27] : memref<10000x128xf32, #tpu.memory_space<hbm>> -> memref<625x64xf32, #tpu.memory_space<hbm>>
        %dma_start3A_29 = arith.constant 0 : i32
        %dma_start3A_30 = tpu.memref_slice %arg14[%mul3A_0, %dma_start3A_29] : memref<10000x64xf32, #tpu.memory_space<vmem_shared>> -> memref<625x64xf32, #tpu.memory_space<vmem_shared>>
        tpu.enqueue_dma source(%dma_start3A_30 : memref<625x64xf32, #tpu.memory_space<vmem_shared>>) target(%dma_start3A_28 : memref<625x64xf32, #tpu.memory_space<hbm>>) target_semaphore(%run_scoped3A : memref<!tpu.dma_semaphore, #tpu.memory_space<semaphore_mem>>)
        %dma_wait3A = arith.constant 64 : i32
        %dma_wait3A_31 = tpu.memref_slice %arg6[%mul3A_0, %dma_wait3A] : memref<10000x128xf32, #tpu.memory_space<hbm>> -> memref<625x64xf32, #tpu.memory_space<hbm>>
        %dma_wait3A_32 = arith.constant 0 : i32
        %dma_wait3A_33 = tpu.memref_slice %arg14[%mul3A_0, %dma_wait3A_32] : memref<10000x64xf32, #tpu.memory_space<vmem_shared>> -> memref<625x64xf32, #tpu.memory_space<vmem_shared>>
        tpu.wait_dma2 semaphore(%run_scoped3A : memref<!tpu.dma_semaphore, #tpu.memory_space<semaphore_mem>>) src(%dma_wait3A_33 : memref<625x64xf32, #tpu.memory_space<vmem_shared>>) dst(%dma_wait3A_31 : memref<625x64xf32, #tpu.memory_space<hbm>>)
        tpu.yield
      }) : () -> ()
      "tpu.region"() ({
        %run_scoped3A = tpu.sem_alloc : memref<!tpu.dma_semaphore, #tpu.memory_space<semaphore_mem>>
        %dma_start3A_27 = arith.constant 8 : i32
        %dma_start3A_28 = tpu.memref_slice %arg7[%mul3A_0, %dma_start3A_27] : memref<10000x128xf32, #tpu.memory_space<hbm>> -> memref<625x8xf32, #tpu.memory_space<hbm>>
        %dma_start3A_29 = arith.constant 0 : i32
        %dma_start3A_30 = tpu.memref_slice %arg21[%mul3A_0, %dma_start3A_29] : memref<10000x8xf32, #tpu.memory_space<vmem_shared>> -> memref<625x8xf32, #tpu.memory_space<vmem_shared>>
        tpu.enqueue_dma source(%dma_start3A_30 : memref<625x8xf32, #tpu.memory_space<vmem_shared>>) target(%dma_start3A_28 : memref<625x8xf32, #tpu.memory_space<hbm>>) target_semaphore(%run_scoped3A : memref<!tpu.dma_semaphore, #tpu.memory_space<semaphore_mem>>)
        %dma_wait3A = arith.constant 8 : i32
        %dma_wait3A_31 = tpu.memref_slice %arg7[%mul3A_0, %dma_wait3A] : memref<10000x128xf32, #tpu.memory_space<hbm>> -> memref<625x8xf32, #tpu.memory_space<hbm>>
        %dma_wait3A_32 = arith.constant 0 : i32
        %dma_wait3A_33 = tpu.memref_slice %arg21[%mul3A_0, %dma_wait3A_32] : memref<10000x8xf32, #tpu.memory_space<vmem_shared>> -> memref<625x8xf32, #tpu.memory_space<vmem_shared>>
        tpu.wait_dma2 semaphore(%run_scoped3A : memref<!tpu.dma_semaphore, #tpu.memory_space<semaphore_mem>>) src(%dma_wait3A_33 : memref<625x8xf32, #tpu.memory_space<vmem_shared>>) dst(%dma_wait3A_31 : memref<625x8xf32, #tpu.memory_space<hbm>>)
        tpu.yield
      }) : () -> ()
    } else {
    }
    return
  }
}

module attributes {stable_mosaic.version = 14 : i64} {
  func.func @_tc_layer1_body(%arg0: i32, %arg1: memref<5000x128xf32, #tpu.memory_space<vmem>>, %arg2: memref<5000x128xf32, #tpu.memory_space<vmem>>, %arg3: memref<5000x128xf32, #tpu.memory_space<vmem>>, %arg4: memref<128x128xf32, #tpu.memory_space<vmem>>, %arg5: memref<128x128xf32, #tpu.memory_space<vmem>>, %arg6: memref<1x128xf32, #tpu.memory_space<vmem>>, %arg7: memref<5000x128xf32, #tpu.memory_space<vmem>>, %arg8: memref<5000x1xf32, #tpu.memory_space<vmem>>) attributes {dimension_semantics = [#tpu.dimension_semantics<arbitrary>], iteration_bounds = array<i64: 2>, scalar_prefetch = 0 : i64, scratch_operands = 0 : i64, tpu.core_type = #tpu.core_type<tc>, window_params = [{transform_indices = @transform_0, window_bounds = array<i64: 5000, 128>}, {transform_indices = @transform_1, window_bounds = array<i64: 5000, 128>}, {transform_indices = @transform_2, window_bounds = array<i64: 5000, 128>}, {pipeline_mode = #tpu.pipeline_mode<synchronous>, transform_indices = @transform_3, window_bounds = array<i64: 128, 128>}, {pipeline_mode = #tpu.pipeline_mode<synchronous>, transform_indices = @transform_4, window_bounds = array<i64: 128, 128>}, {pipeline_mode = #tpu.pipeline_mode<synchronous>, transform_indices = @transform_5, window_bounds = array<i64: 1, 128>}, {transform_indices = @transform_6, window_bounds = array<i64: 5000, 128>}, {transform_indices = @transform_7, window_bounds = array<i64: 5000, 1>}]} {
    %get3A = arith.constant 0 : index
    %get3A_0 = arith.constant 0 : index
    %get3A_1 = vector.load %arg2[%get3A, %get3A_0] : memref<5000x128xf32, #tpu.memory_space<vmem>>, vector<5000x1xf32>
    %get3A_2 = arith.constant 0 : index
    %get3A_3 = arith.constant 8 : index
    %get3A_4 = vector.load %arg2[%get3A_2, %get3A_3] : memref<5000x128xf32, #tpu.memory_space<vmem>>, vector<5000x1xf32>
    %add3A = arith.addf %get3A_1, %get3A_4 : vector<5000x1xf32>
    %max3A = arith.constant 1.000000e+00 : f32
    %max3A_5 = vector.broadcast %max3A : f32 to vector<5000x1xf32>
    %max3A_6 = arith.maximumf %add3A, %max3A_5 : vector<5000x1xf32>
    %div3A = arith.constant 1.000000e+00 : f32
    %div3A_7 = vector.broadcast %div3A : f32 to vector<5000x1xf32>
    %div3A_8 = arith.divf %div3A_7, %max3A_6 : vector<5000x1xf32>
    %get3A_9 = arith.constant 0 : index
    %get3A_10 = arith.constant 0 : index
    %get3A_11 = vector.load %arg1[%get3A_9, %get3A_10] : memref<5000x128xf32, #tpu.memory_space<vmem>>, vector<5000x128xf32>
    %mul3A = vector.broadcast %div3A_8 : vector<5000x1xf32> to vector<5000x128xf32>
    %mul3A_12 = arith.mulf %get3A_11, %mul3A : vector<5000x128xf32>
    %get3A_13 = arith.constant 0 : index
    %get3A_14 = arith.constant 0 : index
    %get3A_15 = vector.load %arg3[%get3A_13, %get3A_14] : memref<5000x128xf32, #tpu.memory_space<vmem>>, vector<5000x128xf32>
    %get3A_16 = arith.constant 0 : index
    %get3A_17 = arith.constant 0 : index
    %get3A_18 = vector.load %arg4[%get3A_16, %get3A_17] : memref<128x128xf32, #tpu.memory_space<vmem>>, vector<128x128xf32>
    %dot_general3A = arith.constant dense<0.000000e+00> : vector<5000x128xf32>
    %dot_general3A_19 = tpu.matmul %get3A_15, %get3A_18, %dot_general3A {dimension_numbers = #tpu.dot_dimension_numbers<[1], [0], [0], [1], [0, 0, 1, 1], [], []>, transpose_lhs_hint = false} : vector<5000x128xf32>, vector<128x128xf32>, vector<5000x128xf32> -> vector<5000x128xf32>
    %get3A_20 = arith.constant 0 : index
    %get3A_21 = arith.constant 0 : index
    %get3A_22 = vector.load %arg5[%get3A_20, %get3A_21] : memref<128x128xf32, #tpu.memory_space<vmem>>, vector<128x128xf32>
    %dot_general3A_23 = arith.constant dense<0.000000e+00> : vector<5000x128xf32>
    %dot_general3A_24 = tpu.matmul %mul3A_12, %get3A_22, %dot_general3A_23 {dimension_numbers = #tpu.dot_dimension_numbers<[1], [0], [0], [1], [0, 0, 1, 1], [], []>, transpose_lhs_hint = false} : vector<5000x128xf32>, vector<128x128xf32>, vector<5000x128xf32> -> vector<5000x128xf32>
    %add3A_25 = arith.addf %dot_general3A_19, %dot_general3A_24 : vector<5000x128xf32>
    %get3A_26 = arith.constant 0 : index
    %get3A_27 = arith.constant 0 : index
    %get3A_28 = vector.load %arg6[%get3A_26, %get3A_27] : memref<1x128xf32, #tpu.memory_space<vmem>>, vector<1x128xf32>
    %add3A_29 = vector.broadcast %get3A_28 : vector<1x128xf32> to vector<5000x128xf32>
    %add3A_30 = arith.addf %add3A_25, %add3A_29 : vector<5000x128xf32>
    %max3A_31 = arith.constant 0.000000e+00 : f32
    %max3A_32 = vector.broadcast %max3A_31 : f32 to vector<5000x128xf32>
    %max3A_33 = arith.maximumf %add3A_30, %max3A_32 : vector<5000x128xf32>
    %swap3A = arith.constant 0 : index
    %swap3A_34 = arith.constant 0 : index
    %swap3A_35 = vector.load %arg7[%swap3A, %swap3A_34] : memref<5000x128xf32, #tpu.memory_space<vmem>>, vector<5000x128xf32>
    tpu.vector_store %arg7[%swap3A, %swap3A_34], %max3A_33 {strides = array<i32>} : memref<5000x128xf32, #tpu.memory_space<vmem>>, vector<5000x128xf32>,
    %swap3A_36 = arith.constant 0 : index
    %swap3A_37 = arith.constant 0 : index
    %swap3A_38 = vector.load %arg8[%swap3A_36, %swap3A_37] : memref<5000x1xf32, #tpu.memory_space<vmem>>, vector<5000x1xf32>
    tpu.vector_store %arg8[%swap3A_36, %swap3A_37], %div3A_8 {strides = array<i32>} : memref<5000x1xf32, #tpu.memory_space<vmem>>, vector<5000x1xf32>,
    return
  }
  func.func @transform_0(%arg0: i32) -> (i32, i32) {
    %c0_i32 = arith.constant 0 : i32
    %c0_i32_0 = arith.constant 0 : i32
    return %arg0, %c0_i32 : i32, i32
  }
  func.func @transform_1(%arg0: i32) -> (i32, i32) {
    %c0_i32 = arith.constant 0 : i32
    %c0_i32_0 = arith.constant 0 : i32
    return %arg0, %c0_i32 : i32, i32
  }
  func.func @transform_2(%arg0: i32) -> (i32, i32) {
    %c0_i32 = arith.constant 0 : i32
    %c0_i32_0 = arith.constant 0 : i32
    return %arg0, %c0_i32 : i32, i32
  }
  func.func @transform_3(%arg0: i32) -> (i32, i32) {
    %c0_i32 = arith.constant 0 : i32
    %c0_i32_0 = arith.constant 0 : i32
    %c0_i32_1 = arith.constant 0 : i32
    return %c0_i32, %c0_i32_0 : i32, i32
  }
  func.func @transform_4(%arg0: i32) -> (i32, i32) {
    %c0_i32 = arith.constant 0 : i32
    %c0_i32_0 = arith.constant 0 : i32
    %c0_i32_1 = arith.constant 0 : i32
    return %c0_i32, %c0_i32_0 : i32, i32
  }
  func.func @transform_5(%arg0: i32) -> (i32, i32) {
    %c0_i32 = arith.constant 0 : i32
    %c0_i32_0 = arith.constant 0 : i32
    %c0_i32_1 = arith.constant 0 : i32
    return %c0_i32, %c0_i32_0 : i32, i32
  }
  func.func @transform_6(%arg0: i32) -> (i32, i32) {
    %c0_i32 = arith.constant 0 : i32
    %c0_i32_0 = arith.constant 0 : i32
    return %arg0, %c0_i32 : i32, i32
  }
  func.func @transform_7(%arg0: i32) -> (i32, i32) {
    %c0_i32 = arith.constant 0 : i32
    %c0_i32_0 = arith.constant 0 : i32
    return %arg0, %c0_i32 : i32, i32
  }
}

module attributes {stable_mosaic.version = 14 : i64} {
  func.func @_tc_layer2_body(%arg0: i32, %arg1: memref<5000x128xf32, #tpu.memory_space<vmem>>, %arg2: memref<5000x128xf32, #tpu.memory_space<vmem>>, %arg3: memref<5000x1xf32, #tpu.memory_space<vmem>>, %arg4: memref<128x128xf32, #tpu.memory_space<vmem>>, %arg5: memref<128x128xf32, #tpu.memory_space<vmem>>, %arg6: memref<1x128xf32, #tpu.memory_space<vmem>>, %arg7: memref<5000x128xf32, #tpu.memory_space<vmem>>) attributes {dimension_semantics = [#tpu.dimension_semantics<arbitrary>], iteration_bounds = array<i64: 2>, scalar_prefetch = 0 : i64, scratch_operands = 0 : i64, tpu.core_type = #tpu.core_type<tc>, window_params = [{transform_indices = @transform_0, window_bounds = array<i64: 5000, 128>}, {transform_indices = @transform_1, window_bounds = array<i64: 5000, 128>}, {transform_indices = @transform_2, window_bounds = array<i64: 5000, 1>}, {pipeline_mode = #tpu.pipeline_mode<synchronous>, transform_indices = @transform_3, window_bounds = array<i64: 128, 128>}, {pipeline_mode = #tpu.pipeline_mode<synchronous>, transform_indices = @transform_4, window_bounds = array<i64: 128, 128>}, {pipeline_mode = #tpu.pipeline_mode<synchronous>, transform_indices = @transform_5, window_bounds = array<i64: 1, 128>}, {transform_indices = @transform_6, window_bounds = array<i64: 5000, 128>}]} {
    %get3A = arith.constant 0 : index
    %get3A_0 = arith.constant 0 : index
    %get3A_1 = vector.load %arg1[%get3A, %get3A_0] : memref<5000x128xf32, #tpu.memory_space<vmem>>, vector<5000x128xf32>
    %get3A_2 = arith.constant 0 : index
    %get3A_3 = arith.constant 0 : index
    %get3A_4 = vector.load %arg3[%get3A_2, %get3A_3] : memref<5000x1xf32, #tpu.memory_space<vmem>>, vector<5000x1xf32>
    %mul3A = vector.broadcast %get3A_4 : vector<5000x1xf32> to vector<5000x128xf32>
    %mul3A_5 = arith.mulf %get3A_1, %mul3A : vector<5000x128xf32>
    %get3A_6 = arith.constant 0 : index
    %get3A_7 = arith.constant 0 : index
    %get3A_8 = vector.load %arg2[%get3A_6, %get3A_7] : memref<5000x128xf32, #tpu.memory_space<vmem>>, vector<5000x128xf32>
    %get3A_9 = arith.constant 0 : index
    %get3A_10 = arith.constant 0 : index
    %get3A_11 = vector.load %arg4[%get3A_9, %get3A_10] : memref<128x128xf32, #tpu.memory_space<vmem>>, vector<128x128xf32>
    %dot_general3A = arith.constant dense<0.000000e+00> : vector<5000x128xf32>
    %dot_general3A_12 = tpu.matmul %get3A_8, %get3A_11, %dot_general3A {dimension_numbers = #tpu.dot_dimension_numbers<[1], [0], [0], [1], [0, 0, 1, 1], [], []>, transpose_lhs_hint = false} : vector<5000x128xf32>, vector<128x128xf32>, vector<5000x128xf32> -> vector<5000x128xf32>
    %get3A_13 = arith.constant 0 : index
    %get3A_14 = arith.constant 0 : index
    %get3A_15 = vector.load %arg5[%get3A_13, %get3A_14] : memref<128x128xf32, #tpu.memory_space<vmem>>, vector<128x128xf32>
    %dot_general3A_16 = arith.constant dense<0.000000e+00> : vector<5000x128xf32>
    %dot_general3A_17 = tpu.matmul %mul3A_5, %get3A_15, %dot_general3A_16 {dimension_numbers = #tpu.dot_dimension_numbers<[1], [0], [0], [1], [0, 0, 1, 1], [], []>, transpose_lhs_hint = false} : vector<5000x128xf32>, vector<128x128xf32>, vector<5000x128xf32> -> vector<5000x128xf32>
    %add3A = arith.addf %dot_general3A_12, %dot_general3A_17 : vector<5000x128xf32>
    %get3A_18 = arith.constant 0 : index
    %get3A_19 = arith.constant 0 : index
    %get3A_20 = vector.load %arg6[%get3A_18, %get3A_19] : memref<1x128xf32, #tpu.memory_space<vmem>>, vector<1x128xf32>
    %add3A_21 = vector.broadcast %get3A_20 : vector<1x128xf32> to vector<5000x128xf32>
    %add3A_22 = arith.addf %add3A, %add3A_21 : vector<5000x128xf32>
    %swap3A = arith.constant 0 : index
    %swap3A_23 = arith.constant 0 : index
    %swap3A_24 = vector.load %arg7[%swap3A, %swap3A_23] : memref<5000x128xf32, #tpu.memory_space<vmem>>, vector<5000x128xf32>
    tpu.vector_store %arg7[%swap3A, %swap3A_23], %add3A_22 {strides = array<i32>} : memref<5000x128xf32, #tpu.memory_space<vmem>>, vector<5000x128xf32>,
    return
  }
  func.func @transform_0(%arg0: i32) -> (i32, i32) {
    %c0_i32 = arith.constant 0 : i32
    %c0_i32_0 = arith.constant 0 : i32
    return %arg0, %c0_i32 : i32, i32
  }
  func.func @transform_1(%arg0: i32) -> (i32, i32) {
    %c0_i32 = arith.constant 0 : i32
    %c0_i32_0 = arith.constant 0 : i32
    return %arg0, %c0_i32 : i32, i32
  }
  func.func @transform_2(%arg0: i32) -> (i32, i32) {
    %c0_i32 = arith.constant 0 : i32
    %c0_i32_0 = arith.constant 0 : i32
    return %arg0, %c0_i32 : i32, i32
  }
  func.func @transform_3(%arg0: i32) -> (i32, i32) {
    %c0_i32 = arith.constant 0 : i32
    %c0_i32_0 = arith.constant 0 : i32
    %c0_i32_1 = arith.constant 0 : i32
    return %c0_i32, %c0_i32_0 : i32, i32
  }
  func.func @transform_4(%arg0: i32) -> (i32, i32) {
    %c0_i32 = arith.constant 0 : i32
    %c0_i32_0 = arith.constant 0 : i32
    %c0_i32_1 = arith.constant 0 : i32
    return %c0_i32, %c0_i32_0 : i32, i32
  }
  func.func @transform_5(%arg0: i32) -> (i32, i32) {
    %c0_i32 = arith.constant 0 : i32
    %c0_i32_0 = arith.constant 0 : i32
    %c0_i32_1 = arith.constant 0 : i32
    return %c0_i32, %c0_i32_0 : i32, i32
  }
  func.func @transform_6(%arg0: i32) -> (i32, i32) {
    %c0_i32 = arith.constant 0 : i32
    %c0_i32_0 = arith.constant 0 : i32
    return %arg0, %c0_i32 : i32, i32
  }
}

</mosaic_0001>

<sc_bundles>
// kernel: kernel.6.cloned.1.call-start
scs
__scs_entry_jumppad:
0x0: {  	(pc) =	sbr.rel $0x88, $3  }
0x1: {  	(tag) =	ssettag $0x0;
	lr =	simm.s32 $0x1  }
0x2: {  	[smem:$0x3F99] =	sst lr;
	_ =	strace $0xD0000000  }
0x3: {  	_ = 	snop  }
0x4: {  	_ = 	snop  }
0x5: {  	_ = 	snop  }
0x6: {  	_ = 	snop  }
0x7: {  	_ = 	snop  }
__scs_overlays_trampoline_lowered:
0x8: {  	[smem:$0x3FA8] =	sst s0  }
0x9: {  	[smem:$0x3FA9] =	sst s1  }
0xa: {  	[smem:$0x3FAA] =	sst s2  }
0xb: {  	[smem:$0x3FAB] =	sst s3  }
0xc: {  	[smem:$0x3FAC] =	sst s4  }
0xd: {  	[smem:$0x3FAD] =	sst s5  }
0xe: {  	[smem:$0x3FAE] =	sst s6  }
0xf: {  	[smem:$0x3FAF] =	sst s7  }
0x10: {  	[smem:$0x3FB0] =	sst s8  }
0x11: {  	[smem:$0x3FB1] =	sst s9;
	s0 =	simm.s32 @!p0 $0x0  }
0x12: {  	s1 =	sld [smem:$0x3F97];
	s0 =	simm.s32 @p0 $0x1  }
0x13: {  	[smem:$0x3FB2] =	sst s0;
	s0 =	simm.s32 @!p1 $0x0  }
0x14: {  	s2 =	sld [smem:$0x3F96];
	s0 =	simm.s32 @p1 $0x1  }
0x15: {  	[smem:$0x3FB3] =	sst s0;
	s0 =	simm.s32 @!p2 $0x0  }
0x16: {  	s3 =	sld [smem:$0x3FDB];
	s0 =	simm.s32 @p2 $0x1  }
0x17: {  	s4 =	simm.s32 $0x1BF5;
	[smem:$0x3FB5] =	sst s0  }
0x18: {  	s0 =	sld [smem:$0x3F98];
	_ =	swait.ge [sflag:s4], $0x0  }
0x19: {  	s7 =	sld [smem:$0x3F99]  }
0x1a: {  	s8 =	sadd.s32 $0xFFFFE003, lr  }
0x1b: {  	s9 =	sadd.s32 $0xFFFFFEF7, lr;
	s5 =	simm.s32 $0xFFFFFFFF;
	p2 =	slt.u32 s8, $0xFFFFF086  }
0x1c: {  	p1 =	slt.u32 s9, $0xF7A;
	s5 =	simm.s32 @!p2 $0x0  }
0x1d: {  	s5 =	simm.s32 @p1 $0x1;
	p0 =	seq.s32 s7, s2  }
0x1e: {  	s7 =	smul.u32 @!p0 $0xF7A, s2;
	p2 =	seq.s32 @!p0 s5, $0x0  }
0x1f: {  	s9 =	smul.u32 $0xF7A, s1;
	s8 =	simm.s32 @!p0 $0x1BF5;
	p2 =	por !p2, p0  }
0x20: {  	[sflag:s8] =	ssyncset.s32 @!p0 $0xFFFFF086;
	s6 =	sadd.s32 @!p0 s3, s7;
	s7 =	simm.s32 @!p0 $0x108  }
0x21: {  	s3 =	sadd.s32 s3, s9;
	s6 =	sadd.s32 @!p0 $0x88, s6;
	s7 =	simm.s32 @p2 $0x1082  }
0x22: {  	[simem:s7], [sflag:s8] =	dma.local @!p0 [hbm:s6], $0xF7A  }
0x23: {  	s9 =	sor.u32 $0xD0000000, s2;
	s6 =	simm.s32 $0x108;
	_ =	swait.ge @!p0 [sflag:s8], $0x0  }
0x24: {  	s3 =	sadd.s32 $0x88, s3;
	s6 =	simm.s32 @!p1 $0x1082;
	[sflag:s4] =	ssyncset.s32 $0xFFFFF086  }
0x25: {  	[simem:s6], [sflag:s4] =	dma.local [hbm:s3], $0xF7A  }
0x26: {  	[smem:$0x3F99] =	sst s1;
	(tag) =	ssettag s2;
	_ =	strace s9  }
0x27: {  	s1 =	sld [smem:$0x3FA9]  }
0x28: {  	s2 =	sld [smem:$0x3FAA]  }
0x29: {  	s4 =	sld [smem:$0x3FAC]  }
0x2a: {  	p0 =	seq.s32 s5, $0x0;
	s5 =	sld [smem:$0x3FAD]  }
0x2b: {  	s6 =	sld [smem:$0x3FAE]  }
0x2c: {  	s7 =	sld [smem:$0x3FAF]  }
0x2d: {  	s3 =	simm.s32 $0x108;
	s8 =	sld [smem:$0x3FB0]  }
0x2e: {  	s3 =	simm.s32 @!p0 $0x1082;
	s9 =	sld [smem:$0x3FB1]  }
0x2f: {  	lr =	sadd.s32 s0, s3;
	s0 =	sld [smem:$0x3FA8]  }
0x30: {  	s3 =	sld [smem:$0x3FAB]  }
0x31: {  	[smem:$0x3FB4] =	sst s10  }
0x32: {  	s10 =	sld [smem:$0x3FB2];
	_ =	sdelay $0x3  }
0x33: {  	p0 =	seq.s32 s10, $0x1;
	s10 =	sld [smem:$0x3FB4];
	_ =	sdelay $0x3  }
0x34: {  	[smem:$0x3FB4] =	sst s10  }
0x35: {  	s10 =	sld [smem:$0x3FB3];
	_ =	sdelay $0x3  }
0x36: {  	p1 =	seq.s32 s10, $0x1;
	s10 =	sld [smem:$0x3FB4];
	_ =	sdelay $0x3  }
0x37: {  	[smem:$0x3FB4] =	sst s10  }
0x38: {  	s10 =	sld [smem:$0x3FB5]  }
0x39: {  	_ = 	snop;
	(pc) =	sbr.ind lr, $3  }
0x3a: {  	_ = 	snop  }
0x3b: {  	_ = 	snop  }
0x3c: {  	p2 =	seq.s32 s10, $0x1;
	s10 =	sld [smem:$0x3FB4]  }
0x3d: {  	_ =	shalt  }
0x3e: {  	_ =	shalt  }
0x3f: {  	_ =	shalt  }
0x40: {  	_ =	shalt  }
0x41: {  	_ =	shalt  }
0x42: {  	_ =	shalt  }
0x43: {  	_ =	shalt  }
0x44: {  	_ =	shalt  }
0x45: {  	_ =	shalt  }
0x46: {  	_ =	shalt  }
0x47: {  	_ =	shalt  }
0x48: {  	_ =	shalt  }
0x49: {  	_ =	shalt  }
0x4a: {  	_ =	shalt  }
0x4b: {  	_ =	shalt  }
0x4c: {  	_ =	shalt  }
0x4d: {  	_ =	shalt  }
0x4e: {  	_ =	shalt  }
0x4f: {  	_ =	shalt  }
0x50: {  	_ =	shalt  }
0x51: {  	_ =	shalt  }
0x52: {  	_ =	shalt  }
0x53: {  	_ =	shalt  }
0x54: {  	_ =	shalt  }
0x55: {  	_ =	shalt  }
0x56: {  	_ =	shalt  }
0x57: {  	_ =	shalt  }
0x58: {  	_ =	shalt  }
0x59: {  	_ =	shalt  }
0x5a: {  	_ =	shalt  }
0x5b: {  	_ =	shalt  }
0x5c: {  	_ =	shalt  }
0x5d: {  	_ =	shalt  }
0x5e: {  	_ =	shalt  }
0x5f: {  	_ =	shalt  }
0x60: {  	_ =	shalt  }
0x61: {  	_ =	shalt  }
0x62: {  	_ =	shalt  }
0x63: {  	_ =	shalt  }
0x64: {  	_ =	shalt  }
0x65: {  	_ =	shalt  }
0x66: {  	_ =	shalt  }
0x67: {  	_ =	shalt  }
0x68: {  	_ =	shalt  }
0x69: {  	_ =	shalt  }
0x6a: {  	_ =	shalt  }
0x6b: {  	_ =	shalt  }
0x6c: {  	_ =	shalt  }
0x6d: {  	_ =	shalt  }
0x6e: {  	_ =	shalt  }
0x6f: {  	_ =	shalt  }
0x70: {  	_ =	shalt  }
0x71: {  	_ =	shalt  }
0x72: {  	_ =	shalt  }
0x73: {  	_ =	shalt  }
0x74: {  	_ =	shalt  }
0x75: {  	_ =	shalt  }
0x76: {  	_ =	shalt  }
0x77: {  	_ =	shalt  }
0x78: {  	_ =	shalt  }
0x79: {  	_ =	shalt  }
0x7a: {  	_ =	shalt  }
0x7b: {  	_ =	shalt  }
0x7c: {  	_ =	shalt  }
0x7d: {  	_ =	shalt  }
0x7e: {  	_ =	shalt  }
0x7f: {  	_ =	shalt  }
0x80: {  	_ =	shalt  }
0x81: {  	_ =	shalt  }
0x82: {  	_ =	shalt  }
0x83: {  	_ =	shalt  }
0x84: {  	_ =	shalt  }
0x85: {  	_ =	shalt  }
0x86: {  	_ =	shalt  }
0x87: {  	_ =	shalt  }
.Lfunc_end0:
.L_simem_size_0:
called_computation_lowered:
.L_overlay_start_0:
0x88: {  	s2 =	sld [smem:$0x3FD9]  }
0x89: {  	s3 =	sld [smem:$0x3FFE];
	_ =	sdelay $0x1  }
0x8a: {  	s1 =	srdreg.scid  }
0x8b: {  	s0 =	sand.u32 $0x1, s1  }
0x8c: {  	s17 =	sshll.u32 s0, $0xA;
	s2 =	sadd.s32 s3, s2  }
0x8d: {  	s2 =	sadd.s32 s2, s17  }
0x8e: {  	[smem:$0x3FC0] =	sst s2  }
0x8f: {  	_ = 	snop  }
0x90: {  	s2 =	sld [smem:$0x3FC9]  }
0x91: {  	s18 =	sld [smem:$0x3FD0];
	(tm) =	ssettm $0x1  }
0x92: {  	s4 =	sld [smem:$0x3FFB];
	_ =	sdelay $0x3  }
0x93: {  	_ =	strace s4  }
0x94: {  	s4 =	sld [smem:$0x3FFC];
	_ =	sdelay $0x3  }
0x95: {  	_ =	strace s4  }
0x96: {  	s4 =	sld [smem:$0x3FFD];
	_ =	sdelay $0x3  }
0x97: {  	_ =	strace s4  }
0x98: {  	_ =	strace $0x8FFFFFFF  }
0x99: {  	s19 =	sld [smem:$0x3FDB];
	_ =	sdelay $0x1  }
0x9a: {  	s5 =	simm.s32 $_scs_section_size  }
0x9b: {  	s6 =	simm.s32 $_size__tile_overlayer_lowered;
	s7 =	simm.s32 $_tile_overlayer_lowered  }
0x9c: {  	s22 =	simm.s32 $0x1BFF;
	s21 =	sshll.u32 s7, $0x1;
	s4 =	sadd.s32 s5, s19  }
0x9d: {  	s8 =	simm.s32 $0x0;
	s20 =	sshll.u32 s6, $0x1;
	s6 =	sadd.s32 s21, s4  }
0x9e: {  	[timem:s8], [sflag:s22] =	dma.local [hbm:s6], s20  }
0x9f: {  	_ =	swait.ge [sflag:s22], s20  }
0xa0: {  	s5 =	ssub.s32 $0x0, s20;
	[sflag:s22] =	ssyncset.done $0x0  }
0xa1: {  	[sflag:s22] =	ssyncadd.s32 s5;
	_ =	sdelay $0x1  }
0xa2: {  	s23 =	simm.s32 $0x1B8B  }
0xa3: {  	_ =	swait.ge [sflag:s23], $0x1  }
0xa4: {  	[sflag:s23] =	ssyncset.done $0x0  }
0xa5: {  	s25 =	simm.s32 $0x1B8E;
	s24 =	sld [smem:$0x3FFE];
	[sflag:s23] =	ssyncadd.s32 $0xFFFFFFFF  }
0xa6: {  	s26 =	simm.s32 $execute0_lowered;
	[smem:$0x3FD2] =	sst s25  }
0xa7: {  	s6 =	sshll.u32 s26, $0x1;
	_ =	strace $0x80000046;
	[dreg:$0x1] =	wrdreg $0xFFFFFFFF  }
0xa8: {  	s28 =	simm.s32 $_size_execute0_lowered;
	s4 =	sadd.s32 s4, s6;
	[dreg:$0x0] =	wrdreg $0x0  }
0xa9: {  	s6 =	sshll.u32 s28, $0x1;
	[dreg:$0x2] =	wrdreg s4  }
0xaa: {  	[dreg:$0x3] =	wrdreg s6  }
0xab: {  	[dreg:$0x4] =	wrdreg $0xC0  }
0xac: {  	_ =	task [dreg:s8], $0x5FFFF  }
0xad: {  	[dreg:$0x1] =	wrdreg $0xFFFFFFFF  }
0xae: {  	[dreg:$0x0] =	wrdreg $0x60  }
0xaf: {  	[dreg:$0x2] =	wrdreg s2  }
0xb0: {  	[dreg:$0x3] =	wrdreg s24  }
0xb1: {  	[dreg:$0x4] =	wrdreg s18  }
0xb2: {  	[dreg:$0x5] =	wrdreg $0xCE400  }
0xb3: {  	[dreg:$0x6] =	wrdreg $0x177000  }
0xb4: {  	[dreg:$0x7] =	wrdreg $0x9  }
0xb5: {  	_ =	task.clear_ibuf [dreg:s8], $0x8FFFF;
	_ =	strace $0x90000046  }
0xb6: {  	s29 =	simm.s32 $0x9;
	_ =	strace $0x80000048  }
0xb7: {  	_ =	swait.ge [sflag:s29], $0x1  }
0xb8: {  	[sflag:s29] =	ssyncadd.s32 $0xFFFFFFFF  }
0xb9: {  	_ =	strace $0x90000048  }
0xba: {  	_ =	sfence  }
0xbb: {  	s30 =	sld [smem:$0x0];
	_ =	sdelay $0x2  }
0xbc: {  	s31 =	sshll.u32 s1, $0xD;
	s1 =	sshrl.u32 s1, $0x2  }
0xbd: {  	s3 =	sand.u32 $0x4000, s31;
	s1 =	sadd.s32 s1, s30  }
0xbe: {  	s0 =	sor.u32 s3, s0;
	s1 =	sshll.u32 s1, $0x11  }
0xbf: {  	s0 =	sor.u32 s1, s0  }
0xc0: {  	s0 =	sadd.s32 $0x8F2B, s0  }
0xc1: {  	[sflag:s0] =	ssyncadd.remote.s32 $0x1  }
0xc2: {  	_ =	sfence.sel $0xFFFF  }
0xc3: {  	[dreg:$0x0] =	wrdreg $0xFFFFFFFF;
	(pc) =	sbr.abs _section_cstart, $3  }
0xc4: {  	[dreg:$0x1] =	wrdreg $0xFFFFFFFF  }
0xc5: {  	_ =	task.clear_ibuf [dreg:s8], $0x2FFFF;
	_ =	strace $0x9FFFFFFF  }
0xc6: {  	(tm) =	ssettm $0x7FFFFFFF  }
0xc7: {  	_ =	shalt  }
tec
execute0_lowered:
.L_overlay_start_1:
0x0: {  	(tag) =	ssettag $0x1  }
0x1: {  	s1 =	rddreg [dreg:$0x0]  }
0x2: {  	s0 =	rddreg [dreg:$0x1]  }
0x3: {  	s3 =	rddreg [dreg:$0x2]  }
0x4: {  	s2 =	rddreg [dreg:$0x3]  }
0x5: {  	s4 =	rddreg [dreg:$0x4];
	s5 =	simm.s32 $0x0;
	s17 =	stileid.u32  }
0x6: {  	s8 =	srdreg.scid;
	s28 =	simm.s32 $0x320;
	s29 =	simm.s32 $0x190  }
0x7: {  	s30 =	simm.s32 $0x4B0;
	s31 =	simm.s32 $0x640;
	s7 =	smul.u32 $0x9C40, s17  }
0x8: {  	[smem:$0x7FF] =	sst s5;
	s6 =	sadd.s32 $0x2400, s0;
	s11 =	smul.u32 $0x2710, s17  }
0x9: {  	s8 =	sand.u32 $0x1, s8;
	s12 =	smul.u32 $0x4E20, s17;
	s16 =	sadd.s32 $0x15E00, s0  }
0xa: {  	s25 =	smul.u32 $0x9C4, s17;
	s17 =	simm.s32 $0x10;
	_ =	strace $0x80000047  }
0xb: {  	s10 =	ssub.s32 $0x2, s8;
	[dreg:$0x6] =	wrdreg s16;
	p0 =	sne.s32 s8, $0x0  }
0xc: {  	s9 =	sshrl.u32 s7, $0x3;
	s18 =	sshrl.u32 s10, $0x1;
	s19 =	sshrl.u32 s12, $0x3  }
0xd: {  	s7 =	sadd.s32 s7, s2;
	s20 =	sshrl.u32 s12, $0x2;
	s15 =	sadd.s32 $0x320, s12  }
0xe: {  	s16 =	sadd.s32 $0x4B0, s12;
	s24 =	sadd.s32 s3, s11;
	s3 =	simm.s32 $0x4  }
0xf: {  	s13 =	sadd.s32 s9, s0;
	s0 =	sadd.s32 s11, s0;
	[dreg:$0x7] =	wrdreg s7  }
0x10: {  	s9 =	sadd.s32 s6, s19;
	s7 =	sadd.s32 s20, s4;
	[dreg:$0xc] =	wrdreg s24  }
0x11: {  	s14 =	ssub.s32 s10, s18;
	[dreg:$0x8] =	wrdreg s7;
	s21 =	sadd.s32 $0x9C40, s9  }
0x12: {  	s18 =	simm.s32 $0x2;
	s22 =	sadd.s32 $0x32, s9;
	[dreg:$0x9] =	wrdreg s21  }
0x13: {  	s19 =	simm.s32 $0x6A40;
	s23 =	sadd.s32 $0x9C72, s9;
	[dreg:$0xa] =	wrdreg s22  }
0x14: {  	s20 =	simm.s32 $0x3;
	s7 =	sadd.s32 $0x8, s24;
	[dreg:$0xb] =	wrdreg s23  }
.Ltmp0:
0x15: {  	s26 =	sadd.s32 $0x29A01, s0;
	[dreg:$0xd] =	wrdreg s7;
	(pc) =	sbr.rel .LBB2_1-.Ltmp0, $4  }
0x16: {  	s10 =	sadd.s32 $0x16000, s13;
	s0 =	sadd.s32 $0x29A00, s0;
	[dreg:$0xe] =	wrdreg s26  }
0x17: {  	s24 =	simm.s32 $0x6;
	[dreg:$0xf] =	wrdreg s0;
	s21 =	smax.u32 s14, $0x1  }
0x18: {  	s22 =	sadd.s32 s25, s6;
	s23 =	simm.s32 $0x16A80;
	s25 =	simm.s32 $0x1  }
0x19: {  	s14 =	simm.s32 $0x8;
	s0 =	simm.s32 $0x5;
	s7 =	simm.s32 $0x0  }
.LBB2_17:
0x1a: {  	_ =	swait.ge [sflag:s3], $0x6400  }
0x1b: {  	[sflag:s3] =	ssyncset.done $0x0  }
0x1c: {  	[sflag:s3] =	ssyncadd.s32 $0xFFFF9C00  }
0x1d: {  	[spmem:s2] =	stream.indirect.scatter.add.f32 [tilespmem:s19], [sflag:$0x6], $0x40, s30, s29, $0xb8;
	[tilespmem:$0x18A88] =	vst v63  }
0x1e: {  	_ =	swait.ge [sflag:s24], $0x6400  }
0x1f: {  	[sflag:s24] =	ssyncset.done $0x0;
	s14 =	rddreg [dreg:$0xc]  }
0x20: {  	s13 =	rddreg [dreg:$0xf];
	[sflag:s24] =	ssyncadd.s32 $0xFFFF9C00  }
.LBB2_18:
0x21: {  	[bflag:$0x0] =	sbarrier.arrive $0xFFFF;
	s8 =	sor.u32 $0x1C06, s8;
	s26 =	simm.s32 $0x8  }
0x22: {  	[hbm:s14@s17], [sflag:s8] =	dma.strided [spmem:s12@s26], $0x1388, s25, $0x8   }
0x23: {  	s7 =	sadd.s32 $0x1, s7;
	_ =	swait.ge [sflag:s24], $0x1388  }
0x24: {  	p1 =	sne.s32 s7, s21;
	[sflag:s24] =	ssyncset.done $0x0  }
.Ltmp1:
0x25: {  	[sflag:s24] =	ssyncadd.s32 $0xFFFFEC78;
	(pc) =	sbr.rel @!p1 .LBB2_19-.Ltmp1, $4  }
0x26: {  	[hbm:s13@s17], [sflag:s8] =	dma.strided [spmem:s11@s25], $0x271, s25, $0x1   }
0x27: {  	_ =	swait.ge [sflag:s24], $0x271  }
0x28: {  	[sflag:s24] =	ssyncset.done $0x0  }
0x29: {  	s14 =	simm.s32 $0x8;
	[sflag:s24] =	ssyncadd.s32 $0xFFFFFD8F  }
.LBB2_1:
0x2a: {  	s8 =	rddreg [dreg:$0x6]  }
0x2b: {  	[tilespmem:s23], [sflag:$0x6] =	stream.linear.gather [hbm4b:s8+s5], $0xC80, $0x38;
	[tilespmem:$0x18A88] =	vst v63  }
0x2c: {  	s13 =	stileid.u32;
	_ =	swait.ge [sflag:s24], $0xC80  }
0x2d: {  	s8 =	sshll.u32 s13, $0x6;
	[sflag:s24] =	ssyncset.done $0x0;
	s11 =	rddreg [dreg:$0x7]  }
0x2e: {  	s13 =	sor.u32 $0x1C05, s8;
	[sflag:s24] =	ssyncadd.s32 $0xFFFFF380;
	s12 =	sshrl.u32 s11, $0x3  }
0x2f: {  	[spmem:s12], [sflag:s13] =	dma.local [hbm:s10], $0x1388  }
0x30: {  	s26 =	rddreg [dreg:$0x8]  }
0x31: {  	s11 =	sshrl.u32 s26, $0x3  }
0x32: {  	[spmem:s11@s25], [sflag:s13] =	dma.strided [hbm:s10@s14], $0x271, s25, $0x1   }
0x33: {  	[tilespmem:s5], [sflag:$0x1] =	stream.linear.gather [hbm4b:s9+s5], $0x190, $0x38;
	[tilespmem:$0x18A88] =	vst v63  }
0x34: {  	s13 =	rddreg [dreg:$0x9]  }
0x35: {  	[tilespmem:s28], [sflag:$0x1] =	stream.linear.gather [hbm4b:s13+s5], $0x190, $0x38;
	[tilespmem:$0x18A88] =	vst v63  }
0x36: {  	_ =	swait.ge [sflag:s25], $0x190  }
.Ltmp2:
0x37: {  	[sflag:s25] =	ssyncset.done $0x0;
	(pc) =	sbr.rel @p0 .LBB2_5-.Ltmp2, $4  }
0x38: {  	[sflag:s25] =	ssyncadd.s32 $0xFFFFFE70  }
0x39: {  	_ =	swait.ge [sflag:s25], $0x190  }
0x3a: {  	[sflag:s25] =	ssyncset.done $0x0  }
0x3b: {  	[sflag:s25] =	ssyncadd.s32 $0xFFFFFE70  }
0x3c: {  	v0 =	vld [tilespmem:$0x0]  }
0x3d: {  	v1 =	vld [tilespmem:$0x10]  }
0x3e: {  	v2 =	vld [tilespmem:$0x20]  }
0x3f: {  	v3 =	vld [tilespmem:$0x30]  }
0x40: {  	v4 =	vld [tilespmem:$0x40]  }
0x41: {  	v5 =	vld [tilespmem:$0x50];
	v0 =	vshll.u32 v0, $0x1  }
0x42: {  	v22 =	vld [tilespmem:$0x60];
	v21 =	vshll.u32 v1, $0x1;
	[tilespmem:$0x0] =	vst v0  }
0x43: {  	v24 =	vld [tilespmem:$0x70];
	v23 =	vshll.u32 v2, $0x1;
	[tilespmem:$0x10] =	vst v21  }
0x44: {  	v26 =	vld [tilespmem:$0x80];
	v25 =	vshll.u32 v3, $0x1;
	[tilespmem:$0x20] =	vst v23  }
0x45: {  	v28 =	vld [tilespmem:$0x90];
	v27 =	vshll.u32 v4, $0x1;
	[tilespmem:$0x30] =	vst v25  }
0x46: {  	v30 =	vld [tilespmem:$0xA0];
	v29 =	vshll.u32 v5, $0x1;
	[tilespmem:$0x40] =	vst v27  }
0x47: {  	v32 =	vld [tilespmem:$0xB0];
	v31 =	vshll.u32 v22, $0x1;
	[tilespmem:$0x50] =	vst v29  }
0x48: {  	v34 =	vld [tilespmem:$0xC0];
	v33 =	vshll.u32 v24, $0x1;
	[tilespmem:$0x60] =	vst v31  }
0x49: {  	v36 =	vld [tilespmem:$0xD0];
	v35 =	vshll.u32 v26, $0x1;
	[tilespmem:$0x70] =	vst v33  }
0x4a: {  	v38 =	vld [tilespmem:$0xE0];
	v37 =	vshll.u32 v28, $0x1;
	[tilespmem:$0x80] =	vst v35  }
0x4b: {  	v40 =	vld [tilespmem:$0xF0];
	v39 =	vshll.u32 v30, $0x1;
	[tilespmem:$0x90] =	vst v37  }
0x4c: {  	v42 =	vld [tilespmem:$0x100];
	v41 =	vshll.u32 v32, $0x1;
	[tilespmem:$0xA0] =	vst v39  }
0x4d: {  	v44 =	vld [tilespmem:$0x110];
	v43 =	vshll.u32 v34, $0x1;
	[tilespmem:$0xB0] =	vst v41  }
0x4e: {  	v46 =	vld [tilespmem:$0x120];
	v45 =	vshll.u32 v36, $0x1;
	[tilespmem:$0xC0] =	vst v43  }
0x4f: {  	v48 =	vld [tilespmem:$0x130];
	v47 =	vshll.u32 v38, $0x1;
	[tilespmem:$0xD0] =	vst v45  }
0x50: {  	v50 =	vld [tilespmem:$0x140];
	v49 =	vshll.u32 v40, $0x1;
	[tilespmem:$0xE0] =	vst v47  }
0x51: {  	v52 =	vld [tilespmem:$0x150];
	v51 =	vshll.u32 v42, $0x1;
	[tilespmem:$0xF0] =	vst v49  }
0x52: {  	v54 =	vld [tilespmem:$0x160];
	v53 =	vshll.u32 v44, $0x1;
	[tilespmem:$0x100] =	vst v51  }
0x53: {  	v56 =	vld [tilespmem:$0x170];
	v55 =	vshll.u32 v46, $0x1;
	[tilespmem:$0x110] =	vst v53  }
0x54: {  	v58 =	vld [tilespmem:$0x180];
	v57 =	vshll.u32 v48, $0x1;
	[tilespmem:$0x120] =	vst v55  }
0x55: {  	v59 =	vshll.u32 v50, $0x1;
	[tilespmem:$0x130] =	vst v57  }
0x56: {  	v60 =	vshll.u32 v52, $0x1;
	[tilespmem:$0x140] =	vst v59  }
0x57: {  	v61 =	vshll.u32 v54, $0x1;
	[tilespmem:$0x150] =	vst v60  }
0x58: {  	v62 =	vshll.u32 v56, $0x1;
	[tilespmem:$0x160] =	vst v61  }
0x59: {  	v63 =	vshll.u32 v58, $0x1;
	[tilespmem:$0x170] =	vst v62  }
0x5a: {  	s13 =	rddreg [dreg:$0xa];
	[tilespmem:$0x180] =	vst v63  }
0x5b: {  	[tilespmem:s29], [sflag:$0x2] =	stream.linear.gather [hbm4b:s13+s5], $0x190, $0x38;
	[tilespmem:$0x18A88] =	vst v63  }
0x5c: {  	s26 =	rddreg [dreg:$0xb]  }
0x5d: {  	[tilespmem:s30], [sflag:$0x2] =	stream.linear.gather [hbm4b:s26+s5], $0x190, $0x38;
	[tilespmem:$0x18A88] =	vst v63  }
0x5e: {  	_ = 	snop  }
0x5f: {  	[tilespmem:s31], [sflag:$0x3] =	stream.indirect.gather [hbm4b:s1+s29], $0x40, s5, s29, $0xb8;
	[tilespmem:$0x18A88] =	vst v63  }
0x60: {  	_ =	swait.ge [sflag:s0], $0x1388  }
0x61: {  	[sflag:s0] =	ssyncset.done $0x0  }
0x62: {  	[sflag:s0] =	ssyncadd.s32 $0xFFFFEC78  }
0x63: {  	_ =	swait.ge [sflag:s0], $0x271  }
0x64: {  	[sflag:s0] =	ssyncset.done $0x0  }
0x65: {  	[sflag:s0] =	ssyncadd.s32 $0xFFFFFD8F  }
0x66: {  	s13 =	simm.s32 $0xFFFFF6A0;
	[bflag:$0x0] =	sbarrier.arrive $0xFFFF  }
.LBB2_3:
0x67: {  	_ =	swait.ge [sflag:s18], $0x190  }
0x68: {  	[sflag:s18] =	ssyncset.done $0x0  }
0x69: {  	[sflag:s18] =	ssyncadd.s32 $0xFFFFFE70  }
0x6a: {  	_ =	swait.ge [sflag:s18], $0x190  }
0x6b: {  	[sflag:s18] =	ssyncset.done $0x0  }
0x6c: {  	[sflag:s18] =	ssyncadd.s32 $0xFFFFFE70  }
0x6d: {  	v0 =	vld [tilespmem:$0x190]  }
0x6e: {  	v1 =	vld [tilespmem:$0x1A0]  }
0x6f: {  	v2 =	vld [tilespmem:$0x1B0]  }
0x70: {  	v3 =	vld [tilespmem:$0x1C0]  }
0x71: {  	v4 =	vld [tilespmem:$0x1D0]  }
0x72: {  	v5 =	vld [tilespmem:$0x1E0];
	v0 =	vshll.u32 v0, $0x1  }
0x73: {  	v22 =	vld [tilespmem:$0x1F0];
	v21 =	vshll.u32 v1, $0x1;
	[tilespmem:$0x190] =	vst v0  }
0x74: {  	v24 =	vld [tilespmem:$0x200];
	v23 =	vshll.u32 v2, $0x1;
	[tilespmem:$0x1A0] =	vst v21  }
0x75: {  	v26 =	vld [tilespmem:$0x210];
	v25 =	vshll.u32 v3, $0x1;
	[tilespmem:$0x1B0] =	vst v23  }
0x76: {  	v28 =	vld [tilespmem:$0x220];
	v27 =	vshll.u32 v4, $0x1;
	[tilespmem:$0x1C0] =	vst v25  }
0x77: {  	v30 =	vld [tilespmem:$0x230];
	v29 =	vshll.u32 v5, $0x1;
	[tilespmem:$0x1D0] =	vst v27  }
0x78: {  	v32 =	vld [tilespmem:$0x240];
	v31 =	vshll.u32 v22, $0x1;
	[tilespmem:$0x1E0] =	vst v29  }
0x79: {  	v34 =	vld [tilespmem:$0x250];
	v33 =	vshll.u32 v24, $0x1;
	[tilespmem:$0x1F0] =	vst v31  }
0x7a: {  	v36 =	vld [tilespmem:$0x260];
	v35 =	vshll.u32 v26, $0x1;
	[tilespmem:$0x200] =	vst v33  }
0x7b: {  	v38 =	vld [tilespmem:$0x270];
	v37 =	vshll.u32 v28, $0x1;
	[tilespmem:$0x210] =	vst v35  }
0x7c: {  	v40 =	vld [tilespmem:$0x280];
	v39 =	vshll.u32 v30, $0x1;
	[tilespmem:$0x220] =	vst v37  }
0x7d: {  	v42 =	vld [tilespmem:$0x290];
	v41 =	vshll.u32 v32, $0x1;
	[tilespmem:$0x230] =	vst v39  }
0x7e: {  	v44 =	vld [tilespmem:$0x2A0];
	v43 =	vshll.u32 v34, $0x1;
	[tilespmem:$0x240] =	vst v41  }
0x7f: {  	v46 =	vld [tilespmem:$0x2B0];
	v45 =	vshll.u32 v36, $0x1;
	[tilespmem:$0x250] =	vst v43  }
0x80: {  	v48 =	vld [tilespmem:$0x2C0];
	v47 =	vshll.u32 v38, $0x1;
	[tilespmem:$0x260] =	vst v45  }
0x81: {  	v50 =	vld [tilespmem:$0x2D0];
	v49 =	vshll.u32 v40, $0x1;
	[tilespmem:$0x270] =	vst v47  }
0x82: {  	v52 =	vld [tilespmem:$0x2E0];
	v51 =	vshll.u32 v42, $0x1;
	[tilespmem:$0x280] =	vst v49  }
0x83: {  	v54 =	vld [tilespmem:$0x2F0];
	v53 =	vshll.u32 v44, $0x1;
	[tilespmem:$0x290] =	vst v51  }
0x84: {  	v56 =	vld [tilespmem:$0x300];
	v55 =	vshll.u32 v46, $0x1;
	[tilespmem:$0x2A0] =	vst v53  }
0x85: {  	v58 =	vld [tilespmem:$0x310];
	v57 =	vshll.u32 v48, $0x1;
	[tilespmem:$0x2B0] =	vst v55  }
0x86: {  	v59 =	vshll.u32 v50, $0x1;
	[tilespmem:$0x2C0] =	vst v57  }
0x87: {  	v60 =	vshll.u32 v52, $0x1;
	[tilespmem:$0x2D0] =	vst v59  }
0x88: {  	v61 =	vshll.u32 v54, $0x1;
	[tilespmem:$0x2E0] =	vst v60  }
0x89: {  	v62 =	vshll.u32 v56, $0x1;
	[tilespmem:$0x2F0] =	vst v61  }
0x8a: {  	v63 =	vshll.u32 v58, $0x1;
	[tilespmem:$0x300] =	vst v62  }
0x8b: {  	[tilespmem:$0x310] =	vst v63  }
0x8c: {  	[tilespmem:s19], [sflag:$0x4] =	stream.indirect.gather [hbm4b:s1+s29], $0x40, s29, s29, $0xb8;
	[tilespmem:$0x18A88] =	vst v63  }
0x8d: {  	_ =	swait.ge [sflag:s20], $0x6400  }
0x8e: {  	[sflag:s20] =	ssyncset.done $0x0  }
0x8f: {  	[sflag:s20] =	ssyncadd.s32 $0xFFFF9C00  }
0x90: {  	[spmem:s2] =	stream.indirect.scatter.add.f32 [tilespmem:s31], [sflag:$0x6], $0x40, s28, s29, $0xb8;
	[tilespmem:$0x18A88] =	vst v63  }
0x91: {  	_ =	swait.ge [sflag:s24], $0x6400  }
0x92: {  	p1 =	seq.s32 s13, $0x0;
	[sflag:s24] =	ssyncset.done $0x0  }
.Ltmp3:
0x93: {  	[sflag:s24] =	ssyncadd.s32 $0xFFFF9C00;
	(pc) =	sbr.rel @p1 .LBB2_17-.Ltmp3, $4  }
0x94: {  	[spmem:s4] =	stream.indirect.scatter.add.f32 [tilespmem:s23], [sflag:$0x6], $0x8, s28, s29, $0xb8;
	[tilespmem:$0x18A88] =	vst v63  }
0x95: {  	_ =	swait.ge [sflag:s24], $0xC80  }
0x96: {  	[sflag:s24] =	ssyncset.done $0x0  }
0x97: {  	[sflag:s24] =	ssyncadd.s32 $0xFFFFF380  }
0x98: {  	s14 =	sadd.s32 s13, s22  }
0x99: {  	s26 =	sadd.s32 $0x9C4, s14  }
0x9a: {  	[tilespmem:s5], [sflag:$0x1] =	stream.linear.gather [hbm4b:s26+s5], $0x190, $0x38;
	[tilespmem:$0x18A88] =	vst v63  }
0x9b: {  	s26 =	sadd.s32 $0xA604, s14  }
0x9c: {  	[tilespmem:s28], [sflag:$0x1] =	stream.linear.gather [hbm4b:s26+s5], $0x190, $0x38;
	[tilespmem:$0x18A88] =	vst v63  }
0x9d: {  	_ =	swait.ge [sflag:s25], $0x190  }
0x9e: {  	[sflag:s25] =	ssyncset.done $0x0  }
0x9f: {  	[sflag:s25] =	ssyncadd.s32 $0xFFFFFE70  }
0xa0: {  	_ =	swait.ge [sflag:s25], $0x190  }
0xa1: {  	[sflag:s25] =	ssyncset.done $0x0  }
0xa2: {  	[sflag:s25] =	ssyncadd.s32 $0xFFFFFE70  }
0xa3: {  	v0 =	vld [tilespmem:$0x0]  }
0xa4: {  	v1 =	vld [tilespmem:$0x10]  }
0xa5: {  	v2 =	vld [tilespmem:$0x20]  }
0xa6: {  	v3 =	vld [tilespmem:$0x30]  }
0xa7: {  	v4 =	vld [tilespmem:$0x40]  }
0xa8: {  	v5 =	vld [tilespmem:$0x50];
	v0 =	vshll.u32 v0, $0x1  }
0xa9: {  	v22 =	vld [tilespmem:$0x60];
	v21 =	vshll.u32 v1, $0x1;
	[tilespmem:$0x0] =	vst v0  }
0xaa: {  	v24 =	vld [tilespmem:$0x70];
	v23 =	vshll.u32 v2, $0x1;
	[tilespmem:$0x10] =	vst v21  }
0xab: {  	v26 =	vld [tilespmem:$0x80];
	v25 =	vshll.u32 v3, $0x1;
	[tilespmem:$0x20] =	vst v23  }
0xac: {  	v28 =	vld [tilespmem:$0x90];
	v27 =	vshll.u32 v4, $0x1;
	[tilespmem:$0x30] =	vst v25  }
0xad: {  	v30 =	vld [tilespmem:$0xA0];
	v29 =	vshll.u32 v5, $0x1;
	[tilespmem:$0x40] =	vst v27  }
0xae: {  	v32 =	vld [tilespmem:$0xB0];
	v31 =	vshll.u32 v22, $0x1;
	[tilespmem:$0x50] =	vst v29  }
0xaf: {  	v34 =	vld [tilespmem:$0xC0];
	v33 =	vshll.u32 v24, $0x1;
	[tilespmem:$0x60] =	vst v31  }
0xb0: {  	v36 =	vld [tilespmem:$0xD0];
	v35 =	vshll.u32 v26, $0x1;
	[tilespmem:$0x70] =	vst v33  }
0xb1: {  	v38 =	vld [tilespmem:$0xE0];
	v37 =	vshll.u32 v28, $0x1;
	[tilespmem:$0x80] =	vst v35  }
0xb2: {  	v40 =	vld [tilespmem:$0xF0];
	v39 =	vshll.u32 v30, $0x1;
	[tilespmem:$0x90] =	vst v37  }
0xb3: {  	v42 =	vld [tilespmem:$0x100];
	v41 =	vshll.u32 v32, $0x1;
	[tilespmem:$0xA0] =	vst v39  }
0xb4: {  	v44 =	vld [tilespmem:$0x110];
	v43 =	vshll.u32 v34, $0x1;
	[tilespmem:$0xB0] =	vst v41  }
0xb5: {  	v46 =	vld [tilespmem:$0x120];
	v45 =	vshll.u32 v36, $0x1;
	[tilespmem:$0xC0] =	vst v43  }
0xb6: {  	v48 =	vld [tilespmem:$0x130];
	v47 =	vshll.u32 v38, $0x1;
	[tilespmem:$0xD0] =	vst v45  }
0xb7: {  	v50 =	vld [tilespmem:$0x140];
	v49 =	vshll.u32 v40, $0x1;
	[tilespmem:$0xE0] =	vst v47  }
0xb8: {  	v52 =	vld [tilespmem:$0x150];
	v51 =	vshll.u32 v42, $0x1;
	[tilespmem:$0xF0] =	vst v49  }
0xb9: {  	v54 =	vld [tilespmem:$0x160];
	v53 =	vshll.u32 v44, $0x1;
	[tilespmem:$0x100] =	vst v51  }
0xba: {  	v56 =	vld [tilespmem:$0x170];
	v55 =	vshll.u32 v46, $0x1;
	[tilespmem:$0x110] =	vst v53  }
0xbb: {  	v58 =	vld [tilespmem:$0x180];
	v57 =	vshll.u32 v48, $0x1;
	[tilespmem:$0x120] =	vst v55  }
0xbc: {  	v59 =	vshll.u32 v50, $0x1;
	[tilespmem:$0x130] =	vst v57  }
0xbd: {  	v60 =	vshll.u32 v52, $0x1;
	[tilespmem:$0x140] =	vst v59  }
0xbe: {  	v61 =	vshll.u32 v54, $0x1;
	[tilespmem:$0x150] =	vst v60  }
0xbf: {  	v62 =	vshll.u32 v56, $0x1;
	[tilespmem:$0x160] =	vst v61  }
0xc0: {  	v63 =	vshll.u32 v58, $0x1;
	[tilespmem:$0x170] =	vst v62  }
0xc1: {  	[tilespmem:$0x180] =	vst v63  }
0xc2: {  	[tilespmem:s31], [sflag:$0x3] =	stream.indirect.gather [hbm4b:s1+s29], $0x40, s5, s29, $0xb8;
	[tilespmem:$0x18A88] =	vst v63  }
0xc3: {  	_ =	swait.ge [sflag:s3], $0x6400  }
0xc4: {  	[sflag:s3] =	ssyncset.done $0x0  }
0xc5: {  	[sflag:s3] =	ssyncadd.s32 $0xFFFF9C00  }
0xc6: {  	[spmem:s2] =	stream.indirect.scatter.add.f32 [tilespmem:s19], [sflag:$0x6], $0x40, s30, s29, $0xb8;
	[tilespmem:$0x18A88] =	vst v63  }
0xc7: {  	_ =	swait.ge [sflag:s24], $0x6400  }
.Ltmp4:
0xc8: {  	[sflag:s24] =	ssyncset.done $0x0;
	(pc) =	sbr.rel .LBB2_3-.Ltmp4, $4  }
0xc9: {  	s26 =	sadd.s32 $0x9F6, s14;
	[sflag:s24] =	ssyncadd.s32 $0xFFFF9C00  }
0xca: {  	[tilespmem:s29], [sflag:$0x2] =	stream.linear.gather [hbm4b:s26+s5], $0x190, $0x38;
	[tilespmem:$0x18A88] =	vst v63  }
0xcb: {  	s13 =	sadd.s32 $0x64, s13;
	s14 =	sadd.s32 $0xA636, s14  }
0xcc: {  	[tilespmem:s30], [sflag:$0x2] =	stream.linear.gather [hbm4b:s14+s5], $0x190, $0x38;
	[tilespmem:$0x18A88] =	vst v63  }
.LBB2_5:
0xcd: {  	s13 =	sshra.s32 s5, $0x2;
	s14 =	sadd.s32 $0x40, s5  }
.LBB2_6:
0xce: {  	p1 =	sne.s32 s14, $0x600;
	v0 =	vld [tilespmem:s13+$0x0];
	_ =	sdelay $0x2  }
.Ltmp5:
0xcf: {  	(pc) =	sbr.rel @p1 .LBB2_6-.Ltmp5, $4  }
0xd0: {  	_ = 	snop  }
0xd1: {  	v0 =	vshll.u32 v0, $0x1  }
0xd2: {  	v0 =	vor.u32 $0x1, v0  }
0xd3: {  	[tilespmem:s13+$0x0] =	vst v0;
	s13 =	sshra.s32 s14, $0x2;
	s14 =	sadd.s32 $0x40, s14  }
0xd4: {  	v0 =	vld [tilespmem:s13+$0x0];
	_ =	sdelay $0x4  }
0xd5: {  	v0 =	vshll.u32 v0, $0x1  }
0xd6: {  	v0 =	vor.u32 $0x1, v0  }
0xd7: {  	s14 =	rddreg [dreg:$0xa];
	[tilespmem:s13+$0x0] =	vst v0;
	s13 =	simm.s32 $0x0  }
0xd8: {  	[tilespmem:s29], [sflag:$0x2] =	stream.linear.gather [hbm4b:s14+s13], $0x190, $0x38;
	[tilespmem:$0x18A88] =	vst v63  }
0xd9: {  	s26 =	rddreg [dreg:$0xb]  }
0xda: {  	[tilespmem:s30], [sflag:$0x2] =	stream.linear.gather [hbm4b:s26+s13], $0x190, $0x38;
	[tilespmem:$0x18A88] =	vst v63  }
0xdb: {  	_ = 	snop  }
0xdc: {  	[tilespmem:s31], [sflag:$0x3] =	stream.indirect.gather [hbm4b:s1+s29], $0x40, s13, s29, $0xb8;
	[tilespmem:$0x18A88] =	vst v63  }
0xdd: {  	_ =	swait.ge [sflag:s0], $0x1388  }
0xde: {  	[sflag:s0] =	ssyncset.done $0x0  }
0xdf: {  	[sflag:s0] =	ssyncadd.s32 $0xFFFFEC78  }
0xe0: {  	_ =	swait.ge [sflag:s0], $0x271  }
0xe1: {  	[sflag:s0] =	ssyncset.done $0x0  }
0xe2: {  	[sflag:s0] =	ssyncadd.s32 $0xFFFFFD8F  }
0xe3: {  	[bflag:$0x0] =	sbarrier.arrive $0xFFFF  }
.LBB2_8:
0xe4: {  	_ =	swait.ge [sflag:s18], $0x190  }
0xe5: {  	[sflag:s18] =	ssyncset.done $0x0  }
0xe6: {  	[sflag:s18] =	ssyncadd.s32 $0xFFFFFE70  }
0xe7: {  	_ =	swait.ge [sflag:s18], $0x190  }
0xe8: {  	[sflag:s18] =	ssyncset.done $0x0  }
0xe9: {  	s14 =	simm.s32 $0x0;
	s26 =	simm.s32 $0x40;
	[sflag:s18] =	ssyncadd.s32 $0xFFFFFE70  }
.LBB2_9:
0xea: {  	p1 =	sne.s32 s26, $0x600;
	v0 =	vld [tilespmem:s14+$0x190];
	_ =	sdelay $0x2  }
.Ltmp6:
0xeb: {  	(pc) =	sbr.rel @p1 .LBB2_9-.Ltmp6, $4  }
0xec: {  	_ = 	snop  }
0xed: {  	v0 =	vshll.u32 v0, $0x1  }
0xee: {  	v0 =	vor.u32 $0x1, v0  }
0xef: {  	[tilespmem:s14+$0x190] =	vst v0;
	s14 =	sshra.s32 s26, $0x2;
	s26 =	sadd.s32 $0x40, s26  }
0xf0: {  	v0 =	vld [tilespmem:s14+$0x190];
	_ =	sdelay $0x4  }
0xf1: {  	v0 =	vshll.u32 v0, $0x1  }
0xf2: {  	v0 =	vor.u32 $0x1, v0  }
0xf3: {  	[tilespmem:s14+$0x190] =	vst v0  }
0xf4: {  	[tilespmem:s19], [sflag:$0x4] =	stream.indirect.gather [hbm4b:s1+s29], $0x40, s29, s29, $0xb8;
	[tilespmem:$0x18A88] =	vst v63  }
0xf5: {  	_ =	swait.ge [sflag:s20], $0x6400  }
0xf6: {  	p1 =	seq.s32 s13, $0x18;
	[sflag:s20] =	ssyncset.done $0x0  }
.Ltmp7:
0xf7: {  	[sflag:s20] =	ssyncadd.s32 $0xFFFF9C00;
	(pc) =	sbr.rel @p1 .LBB2_14-.Ltmp7, $4  }
0xf8: {  	[spmem:s2] =	stream.indirect.scatter.add.f32 [tilespmem:s31], [sflag:$0x6], $0x40, s28, s29, $0xb8;
	[tilespmem:$0x18A88] =	vst v63  }
0xf9: {  	_ =	swait.ge [sflag:s24], $0x6400  }
0xfa: {  	[sflag:s24] =	ssyncset.done $0x0  }
0xfb: {  	[sflag:s24] =	ssyncadd.s32 $0xFFFF9C00  }
0xfc: {  	s14 =	smul.u32 $0x320, s13;
	_ =	sdelay $0x1  }
0xfd: {  	s14 =	sadd.s32 s14, s15  }
0xfe: {  	s14 =	sshrl.u32 s14, $0x3  }
0xff: {  	s26 =	simm.s32 $0x0;
	s14 =	sadd.s32 s6, s14  }
0x100: {  	[tilespmem:s26], [sflag:$0x1] =	stream.linear.gather [hbm4b:s14+s26], $0x190, $0x38;
	[tilespmem:$0x18A88] =	vst v63  }
0x101: {  	s14 =	sadd.s32 $0x9C40, s14  }
0x102: {  	[tilespmem:s28], [sflag:$0x1] =	stream.linear.gather [hbm4b:s14+s26], $0x190, $0x38;
	[tilespmem:$0x18A88] =	vst v63  }
0x103: {  	_ =	swait.ge [sflag:s25], $0x190  }
0x104: {  	[sflag:s25] =	ssyncset.done $0x0  }
0x105: {  	[sflag:s25] =	ssyncadd.s32 $0xFFFFFE70  }
0x106: {  	_ =	swait.ge [sflag:s25], $0x190  }
0x107: {  	[sflag:s25] =	ssyncset.done $0x0  }
0x108: {  	s14 =	simm.s32 $0x0;
	s26 =	simm.s32 $0x40;
	[sflag:s25] =	ssyncadd.s32 $0xFFFFFE70  }
.LBB2_12:
0x109: {  	p2 =	sne.s32 s26, $0x600;
	v0 =	vld [tilespmem:s14+$0x0];
	_ =	sdelay $0x2  }
.Ltmp8:
0x10a: {  	(pc) =	sbr.rel @p2 .LBB2_12-.Ltmp8, $4  }
0x10b: {  	_ = 	snop  }
0x10c: {  	v0 =	vshll.u32 v0, $0x1  }
0x10d: {  	v0 =	vor.u32 $0x1, v0  }
0x10e: {  	[tilespmem:s14+$0x0] =	vst v0;
	s14 =	sshra.s32 s26, $0x2;
	s26 =	sadd.s32 $0x40, s26  }
0x10f: {  	v0 =	vld [tilespmem:s14+$0x0];
	_ =	sdelay $0x4  }
0x110: {  	v0 =	vshll.u32 v0, $0x1  }
0x111: {  	v0 =	vor.u32 $0x1, v0  }
0x112: {  	[tilespmem:s14+$0x0] =	vst v0  }
0x113: {  	[tilespmem:s31], [sflag:$0x3] =	stream.indirect.gather [hbm4b:s1+s29], $0x40, s5, s29, $0xb8;
	[tilespmem:$0x18A88] =	vst v63  }
.LBB2_14:
0x114: {  	_ =	swait.ge [sflag:s3], $0x6400  }
0x115: {  	[sflag:s3] =	ssyncset.done $0x0  }
0x116: {  	[sflag:s3] =	ssyncadd.s32 $0xFFFF9C00  }
0x117: {  	[spmem:s2] =	stream.indirect.scatter.add.f32 [tilespmem:s19], [sflag:$0x6], $0x40, s30, s29, $0xb8;
	[tilespmem:$0x18A88] =	vst v63  }
0x118: {  	_ =	swait.ge [sflag:s24], $0x6400  }
0x119: {  	[sflag:s24] =	ssyncset.done $0x0  }
.Ltmp9:
0x11a: {  	[sflag:s24] =	ssyncadd.s32 $0xFFFF9C00;
	(pc) =	sbr.rel @p1 .LBB2_15-.Ltmp9, $4  }
0x11b: {  	[spmem:s4] =	stream.indirect.scatter.add.f32 [tilespmem:s23], [sflag:$0x6], $0x8, s30, s29, $0xb8;
	[tilespmem:$0x18A88] =	vst v63  }
0x11c: {  	_ =	swait.ge [sflag:s24], $0xC80  }
0x11d: {  	[sflag:s24] =	ssyncset.done $0x0  }
0x11e: {  	[sflag:s24] =	ssyncadd.s32 $0xFFFFF380  }
0x11f: {  	s14 =	smul.u32 $0x320, s13;
	_ =	sdelay $0x1  }
0x120: {  	s14 =	sadd.s32 s14, s16  }
.Ltmp10:
0x121: {  	s14 =	sshrl.u32 s14, $0x3;
	(pc) =	sbr.rel .LBB2_8-.Ltmp10, $4  }
0x122: {  	s14 =	sadd.s32 s6, s14  }
0x123: {  	[tilespmem:s29], [sflag:$0x2] =	stream.linear.gather [hbm4b:s14+s5], $0x190, $0x38;
	[tilespmem:$0x18A88] =	vst v63  }
0x124: {  	s13 =	sadd.s32 $0x1, s13;
	s14 =	sadd.s32 $0x9C40, s14  }
0x125: {  	[tilespmem:s30], [sflag:$0x2] =	stream.linear.gather [hbm4b:s14+s5], $0x190, $0x38;
	[tilespmem:$0x18A88] =	vst v63  }
.LBB2_15:
.Ltmp11:
0x126: {  	(pc) =	sbr.rel .LBB2_18-.Ltmp11, $3  }
0x127: {  	_ =	sdelay $0x1  }
0x128: {  	s14 =	rddreg [dreg:$0xd]  }
0x129: {  	s13 =	rddreg [dreg:$0xe]  }
.LBB2_19:
0x12a: {  	_ =	sfence.sel $0x180000  }
0x12b: {  	[bflag:$0x0] =	sbarrier.arrive $0xFFFF  }
0x12c: {  	_ =	strace $0x90000047  }
0x12d: {  	s0 =	stileid.u32;
	[bflag:$0x2] =	sbarrier.arrive $0xFFFF  }
0x12e: {  	p0 =	sne.s32 s0, $0x0;
	s0 =	rddreg [dreg:$0x5]  }
0x12f: {  	s0 =	sadd.s32 @!p0 $0x100000, s0  }
0x130: {  	[sflag:s0] =	ssyncadd.tile.s32 @!p0 $0x1;
	_ =	shalt  }
.Lfunc_end2:
_tile_overlayer_lowered:
.L_overlay_start_2:
0x131: {  	(tag) =	ssettag $0x2  }
0x132: {  	s0 =	rddreg [dreg:$0x0];
	s2 =	stileid.u32  }
0x133: {  	s1 =	rddreg [dreg:$0x1];
	p0 =	sne.s32 s2, $0x0  }
0x134: {  	s3 =	rddreg [dreg:$0x2];
	[bflag:$0x3] =	sbarrier.arrive $0xFFFF;
	s2 =	simm.s32 @!p0 $0x1C06  }
0x135: {  	[timem:s3], [sflag:s2] =	dma.local @!p0 [hbm:s0], s1  }
0x136: {  	s0 =	simm.s32 @!p0 $0x6  }
0x137: {  	_ =	swait.ge @!p0 [sflag:s0], s1  }
0x138: {  	s1 =	ssub.s32 @!p0 $0x0, s1;
	[sflag:s0] =	ssyncset.done @!p0 $0x0  }
0x139: {  	[sflag:s0] =	ssyncadd.s32 @!p0 s1  }
0x13a: {  	[bflag:$0x3] =	sbarrier.arrive $0xFFFF  }
0x13b: {  	_ =	shalt  }

// kernel: kernel.9.cloned.1.call-start
scs
__scs_entry_jumppad:
0x0: {  	(pc) =	sbr.rel $0x88, $3  }
0x1: {  	(tag) =	ssettag $0x0;
	lr =	simm.s32 $0x1  }
0x2: {  	[smem:$0x3F99] =	sst lr;
	_ =	strace $0xD0000000  }
0x3: {  	_ = 	snop  }
0x4: {  	_ = 	snop  }
0x5: {  	_ = 	snop  }
0x6: {  	_ = 	snop  }
0x7: {  	_ = 	snop  }
__scs_overlays_trampoline_lowered:
0x8: {  	[smem:$0x3FA8] =	sst s0  }
0x9: {  	[smem:$0x3FA9] =	sst s1  }
0xa: {  	[smem:$0x3FAA] =	sst s2  }
0xb: {  	[smem:$0x3FAB] =	sst s3  }
0xc: {  	[smem:$0x3FAC] =	sst s4  }
0xd: {  	[smem:$0x3FAD] =	sst s5  }
0xe: {  	[smem:$0x3FAE] =	sst s6  }
0xf: {  	[smem:$0x3FAF] =	sst s7  }
0x10: {  	[smem:$0x3FB0] =	sst s8  }
0x11: {  	[smem:$0x3FB1] =	sst s9;
	s0 =	simm.s32 @!p0 $0x0  }
0x12: {  	s1 =	sld [smem:$0x3F97];
	s0 =	simm.s32 @p0 $0x1  }
0x13: {  	[smem:$0x3FB2] =	sst s0;
	s0 =	simm.s32 @!p1 $0x0  }
0x14: {  	s2 =	sld [smem:$0x3F96];
	s0 =	simm.s32 @p1 $0x1  }
0x15: {  	[smem:$0x3FB3] =	sst s0;
	s0 =	simm.s32 @!p2 $0x0  }
0x16: {  	s3 =	sld [smem:$0x3FDB];
	s0 =	simm.s32 @p2 $0x1  }
0x17: {  	s4 =	simm.s32 $0x1BF5;
	[smem:$0x3FB5] =	sst s0  }
0x18: {  	s0 =	sld [smem:$0x3F98];
	_ =	swait.ge [sflag:s4], $0x0  }
0x19: {  	s7 =	sld [smem:$0x3F99]  }
0x1a: {  	s8 =	sadd.s32 $0xFFFFE003, lr  }
0x1b: {  	s9 =	sadd.s32 $0xFFFFFEF7, lr;
	s5 =	simm.s32 $0xFFFFFFFF;
	p2 =	slt.u32 s8, $0xFFFFF086  }
0x1c: {  	p1 =	slt.u32 s9, $0xF7A;
	s5 =	simm.s32 @!p2 $0x0  }
0x1d: {  	s5 =	simm.s32 @p1 $0x1;
	p0 =	seq.s32 s7, s2  }
0x1e: {  	s7 =	smul.u32 @!p0 $0xF7A, s2;
	p2 =	seq.s32 @!p0 s5, $0x0  }
0x1f: {  	s9 =	smul.u32 $0xF7A, s1;
	s8 =	simm.s32 @!p0 $0x1BF5;
	p2 =	por !p2, p0  }
0x20: {  	[sflag:s8] =	ssyncset.s32 @!p0 $0xFFFFF086;
	s6 =	sadd.s32 @!p0 s3, s7;
	s7 =	simm.s32 @!p0 $0x108  }
0x21: {  	s3 =	sadd.s32 s3, s9;
	s6 =	sadd.s32 @!p0 $0x88, s6;
	s7 =	simm.s32 @p2 $0x1082  }
0x22: {  	[simem:s7], [sflag:s8] =	dma.local @!p0 [hbm:s6], $0xF7A  }
0x23: {  	s9 =	sor.u32 $0xD0000000, s2;
	s6 =	simm.s32 $0x108;
	_ =	swait.ge @!p0 [sflag:s8], $0x0  }
0x24: {  	s3 =	sadd.s32 $0x88, s3;
	s6 =	simm.s32 @!p1 $0x1082;
	[sflag:s4] =	ssyncset.s32 $0xFFFFF086  }
0x25: {  	[simem:s6], [sflag:s4] =	dma.local [hbm:s3], $0xF7A  }
0x26: {  	[smem:$0x3F99] =	sst s1;
	(tag) =	ssettag s2;
	_ =	strace s9  }
0x27: {  	s1 =	sld [smem:$0x3FA9]  }
0x28: {  	s2 =	sld [smem:$0x3FAA]  }
0x29: {  	s4 =	sld [smem:$0x3FAC]  }
0x2a: {  	p0 =	seq.s32 s5, $0x0;
	s5 =	sld [smem:$0x3FAD]  }
0x2b: {  	s6 =	sld [smem:$0x3FAE]  }
0x2c: {  	s7 =	sld [smem:$0x3FAF]  }
0x2d: {  	s3 =	simm.s32 $0x108;
	s8 =	sld [smem:$0x3FB0]  }
0x2e: {  	s3 =	simm.s32 @!p0 $0x1082;
	s9 =	sld [smem:$0x3FB1]  }
0x2f: {  	lr =	sadd.s32 s0, s3;
	s0 =	sld [smem:$0x3FA8]  }
0x30: {  	s3 =	sld [smem:$0x3FAB]  }
0x31: {  	[smem:$0x3FB4] =	sst s10  }
0x32: {  	s10 =	sld [smem:$0x3FB2];
	_ =	sdelay $0x3  }
0x33: {  	p0 =	seq.s32 s10, $0x1;
	s10 =	sld [smem:$0x3FB4];
	_ =	sdelay $0x3  }
0x34: {  	[smem:$0x3FB4] =	sst s10  }
0x35: {  	s10 =	sld [smem:$0x3FB3];
	_ =	sdelay $0x3  }
0x36: {  	p1 =	seq.s32 s10, $0x1;
	s10 =	sld [smem:$0x3FB4];
	_ =	sdelay $0x3  }
0x37: {  	[smem:$0x3FB4] =	sst s10  }
0x38: {  	s10 =	sld [smem:$0x3FB5]  }
0x39: {  	_ = 	snop;
	(pc) =	sbr.ind lr, $3  }
0x3a: {  	_ = 	snop  }
0x3b: {  	_ = 	snop  }
0x3c: {  	p2 =	seq.s32 s10, $0x1;
	s10 =	sld [smem:$0x3FB4]  }
0x3d: {  	_ =	shalt  }
0x3e: {  	_ =	shalt  }
0x3f: {  	_ =	shalt  }
0x40: {  	_ =	shalt  }
0x41: {  	_ =	shalt  }
0x42: {  	_ =	shalt  }
0x43: {  	_ =	shalt  }
0x44: {  	_ =	shalt  }
0x45: {  	_ =	shalt  }
0x46: {  	_ =	shalt  }
0x47: {  	_ =	shalt  }
0x48: {  	_ =	shalt  }
0x49: {  	_ =	shalt  }
0x4a: {  	_ =	shalt  }
0x4b: {  	_ =	shalt  }
0x4c: {  	_ =	shalt  }
0x4d: {  	_ =	shalt  }
0x4e: {  	_ =	shalt  }
0x4f: {  	_ =	shalt  }
0x50: {  	_ =	shalt  }
0x51: {  	_ =	shalt  }
0x52: {  	_ =	shalt  }
0x53: {  	_ =	shalt  }
0x54: {  	_ =	shalt  }
0x55: {  	_ =	shalt  }
0x56: {  	_ =	shalt  }
0x57: {  	_ =	shalt  }
0x58: {  	_ =	shalt  }
0x59: {  	_ =	shalt  }
0x5a: {  	_ =	shalt  }
0x5b: {  	_ =	shalt  }
0x5c: {  	_ =	shalt  }
0x5d: {  	_ =	shalt  }
0x5e: {  	_ =	shalt  }
0x5f: {  	_ =	shalt  }
0x60: {  	_ =	shalt  }
0x61: {  	_ =	shalt  }
0x62: {  	_ =	shalt  }
0x63: {  	_ =	shalt  }
0x64: {  	_ =	shalt  }
0x65: {  	_ =	shalt  }
0x66: {  	_ =	shalt  }
0x67: {  	_ =	shalt  }
0x68: {  	_ =	shalt  }
0x69: {  	_ =	shalt  }
0x6a: {  	_ =	shalt  }
0x6b: {  	_ =	shalt  }
0x6c: {  	_ =	shalt  }
0x6d: {  	_ =	shalt  }
0x6e: {  	_ =	shalt  }
0x6f: {  	_ =	shalt  }
0x70: {  	_ =	shalt  }
0x71: {  	_ =	shalt  }
0x72: {  	_ =	shalt  }
0x73: {  	_ =	shalt  }
0x74: {  	_ =	shalt  }
0x75: {  	_ =	shalt  }
0x76: {  	_ =	shalt  }
0x77: {  	_ =	shalt  }
0x78: {  	_ =	shalt  }
0x79: {  	_ =	shalt  }
0x7a: {  	_ =	shalt  }
0x7b: {  	_ =	shalt  }
0x7c: {  	_ =	shalt  }
0x7d: {  	_ =	shalt  }
0x7e: {  	_ =	shalt  }
0x7f: {  	_ =	shalt  }
0x80: {  	_ =	shalt  }
0x81: {  	_ =	shalt  }
0x82: {  	_ =	shalt  }
0x83: {  	_ =	shalt  }
0x84: {  	_ =	shalt  }
0x85: {  	_ =	shalt  }
0x86: {  	_ =	shalt  }
0x87: {  	_ =	shalt  }
.Lfunc_end0:
.L_simem_size_0:
called_computation.1_lowered:
.L_overlay_start_0:
0x88: {  	s2 =	sld [smem:$0x3FD9]  }
0x89: {  	s3 =	sld [smem:$0x3FFE];
	_ =	sdelay $0x1  }
0x8a: {  	s1 =	srdreg.scid  }
0x8b: {  	s0 =	sand.u32 $0x1, s1  }
0x8c: {  	s17 =	sshll.u32 s0, $0xA;
	s2 =	sadd.s32 s3, s2  }
0x8d: {  	s2 =	sadd.s32 s2, s17  }
0x8e: {  	[smem:$0x3FC0] =	sst s2  }
0x8f: {  	_ = 	snop  }
0x90: {  	s2 =	sld [smem:$0x3FD0];
	(tm) =	ssettm $0x1  }
0x91: {  	s18 =	sld [smem:$0x3FFB];
	_ =	sdelay $0x3  }
0x92: {  	_ =	strace s18  }
0x93: {  	s3 =	sld [smem:$0x3FFC];
	_ =	sdelay $0x3  }
0x94: {  	_ =	strace s3  }
0x95: {  	s3 =	sld [smem:$0x3FFD];
	_ =	sdelay $0x3  }
0x96: {  	_ =	strace s3  }
0x97: {  	_ =	strace $0x8FFFFFFF  }
0x98: {  	s19 =	sld [smem:$0x3FDB];
	_ =	sdelay $0x1  }
0x99: {  	s4 =	simm.s32 $_scs_section_size  }
0x9a: {  	s5 =	simm.s32 $_size__tile_overlayer_lowered;
	s6 =	simm.s32 $_tile_overlayer_lowered  }
0x9b: {  	s22 =	simm.s32 $0x1BFF;
	s21 =	sshll.u32 s6, $0x1;
	s3 =	sadd.s32 s4, s19  }
0x9c: {  	s7 =	simm.s32 $0x0;
	s20 =	sshll.u32 s5, $0x1;
	s5 =	sadd.s32 s21, s3  }
0x9d: {  	[timem:s7], [sflag:s22] =	dma.local [hbm:s5], s20  }
0x9e: {  	_ =	swait.ge [sflag:s22], s20  }
0x9f: {  	s4 =	ssub.s32 $0x0, s20;
	[sflag:s22] =	ssyncset.done $0x0  }
0xa0: {  	[sflag:s22] =	ssyncadd.s32 s4;
	_ =	sdelay $0x1  }
0xa1: {  	s23 =	simm.s32 $0x1B8B  }
0xa2: {  	_ =	swait.ge [sflag:s23], $0x1  }
0xa3: {  	[sflag:s23] =	ssyncset.done $0x0  }
0xa4: {  	s25 =	simm.s32 $0x1B8E;
	s24 =	sld [smem:$0x3FFE];
	[sflag:s23] =	ssyncadd.s32 $0xFFFFFFFF  }
0xa5: {  	s26 =	simm.s32 $execute0_lowered;
	[smem:$0x3FD2] =	sst s25  }
0xa6: {  	s5 =	sshll.u32 s26, $0x1;
	_ =	strace $0x80000049;
	[dreg:$0x1] =	wrdreg $0xFFFFFFFF  }
0xa7: {  	s28 =	simm.s32 $_size_execute0_lowered;
	s3 =	sadd.s32 s3, s5;
	[dreg:$0x0] =	wrdreg $0x0  }
0xa8: {  	s5 =	sshll.u32 s28, $0x1;
	[dreg:$0x2] =	wrdreg s3  }
0xa9: {  	[dreg:$0x3] =	wrdreg s5  }
0xaa: {  	[dreg:$0x4] =	wrdreg $0xC0  }
0xab: {  	_ =	task [dreg:s7], $0x5FFFF  }
0xac: {  	[dreg:$0x1] =	wrdreg $0xFFFFFFFF  }
0xad: {  	[dreg:$0x0] =	wrdreg $0x60  }
0xae: {  	[dreg:$0x2] =	wrdreg s2  }
0xaf: {  	[dreg:$0x3] =	wrdreg s24  }
0xb0: {  	[dreg:$0x4] =	wrdreg $0xCE400  }
0xb1: {  	[dreg:$0x5] =	wrdreg $0x9  }
0xb2: {  	_ =	task.clear_ibuf [dreg:s7], $0x6FFFF;
	_ =	strace $0x90000049  }
0xb3: {  	s29 =	simm.s32 $0x9;
	_ =	strace $0x8000004B  }
0xb4: {  	_ =	swait.ge [sflag:s29], $0x1  }
0xb5: {  	[sflag:s29] =	ssyncadd.s32 $0xFFFFFFFF  }
0xb6: {  	_ =	strace $0x9000004B  }
0xb7: {  	_ =	sfence  }
0xb8: {  	s30 =	sld [smem:$0x0];
	_ =	sdelay $0x2  }
0xb9: {  	s31 =	sshll.u32 s1, $0xD;
	s1 =	sshrl.u32 s1, $0x2  }
0xba: {  	s3 =	sand.u32 $0x4000, s31;
	s1 =	sadd.s32 s1, s30  }
0xbb: {  	s0 =	sor.u32 s3, s0;
	s1 =	sshll.u32 s1, $0x11  }
0xbc: {  	s0 =	sor.u32 s1, s0  }
0xbd: {  	s0 =	sadd.s32 $0x8F2B, s0  }
0xbe: {  	[sflag:s0] =	ssyncadd.remote.s32 $0x1  }
0xbf: {  	_ =	sfence.sel $0xFFFF  }
0xc0: {  	[dreg:$0x0] =	wrdreg $0xFFFFFFFF;
	(pc) =	sbr.abs _section_cstart, $3  }
0xc1: {  	[dreg:$0x1] =	wrdreg $0xFFFFFFFF  }
0xc2: {  	_ =	task.clear_ibuf [dreg:s7], $0x2FFFF;
	_ =	strace $0x9FFFFFFF  }
0xc3: {  	(tm) =	ssettm $0x7FFFFFFF  }
tec
execute0_lowered:
.L_overlay_start_1:
0x0: {  	(tag) =	ssettag $0x1  }
0x1: {  	s1 =	rddreg [dreg:$0x0]  }
0x2: {  	s0 =	rddreg [dreg:$0x1]  }
0x3: {  	s3 =	rddreg [dreg:$0x2]  }
0x4: {  	s4 =	simm.s32 $0x0;
	s16 =	stileid.u32;
	s6 =	srdreg.scid  }
0x5: {  	s20 =	simm.s32 $0x320;
	s21 =	simm.s32 $0x1;
	s22 =	simm.s32 $0x190  }
0x6: {  	s23 =	simm.s32 $0x4B0;
	s28 =	simm.s32 $0x6A40;
	s29 =	simm.s32 $0x3  }
0x7: {  	s30 =	simm.s32 $0x6;
	s31 =	simm.s32 $0x4;
	s2 =	smul.u32 $0x9C40, s16  }
0x8: {  	[smem:$0x7FF] =	sst s4;
	s5 =	sadd.s32 $0x2400, s0;
	s7 =	smul.u32 $0x2710, s16  }
0x9: {  	s6 =	sand.u32 $0x1, s6;
	s14 =	smul.u32 $0x4E20, s16;
	_ =	strace $0x8000004A  }
0xa: {  	s9 =	ssub.s32 $0x2, s6;
	p0 =	sne.s32 s6, $0x0;
	s8 =	sshrl.u32 s2, $0x3  }
0xb: {  	s24 =	sshrl.u32 s9, $0x1;
	s2 =	sadd.s32 s2, s3;
	s25 =	sshrl.u32 s14, $0x3  }
0xc: {  	s13 =	sadd.s32 $0x320, s14;
	s14 =	sadd.s32 $0x4B0, s14;
	s8 =	sadd.s32 s8, s0  }
0xd: {  	s0 =	sadd.s32 s7, s0;
	s15 =	ssub.s32 s9, s24;
	s7 =	sshll.u32 s16, $0x6  }
0xe: {  	s16 =	smul.u32 $0x9C4, s16;
	s19 =	sshrl.u32 s2, $0x3;
	s24 =	simm.s32 $0x640  }
0xf: {  	s26 =	sadd.s32 $0x16000, s8;
	s8 =	sadd.s32 s5, s25;
	s9 =	sor.u32 $0x1C05, s7  }
.Ltmp0:
0x10: {  	s17 =	sadd.s32 $0x29A08, s0;
	s0 =	sadd.s32 $0x29A00, s0;
	(pc) =	sbr.rel .LBB2_1-.Ltmp0, $4  }
0x11: {  	s25 =	simm.s32 $0x5;
	[dreg:$0x4] =	wrdreg s26;
	s10 =	sadd.s32 $0x9C40, s8  }
0x12: {  	s11 =	sadd.s32 $0x32, s8;
	s12 =	sadd.s32 $0x9C72, s8;
	[dreg:$0x5] =	wrdreg s17  }
0x13: {  	[dreg:$0x6] =	wrdreg s0;
	s17 =	smax.u32 s15, $0x1;
	s18 =	sadd.s32 s16, s5  }
0x14: {  	s26 =	simm.s32 $0x2;
	s16 =	simm.s32 $0x10;
	s0 =	simm.s32 $0x0  }
.LBB2_12:
0x15: {  	s2 =	rddreg [dreg:$0x5];
	s16 =	simm.s32 $0x10  }
.LBB2_13:
0x16: {  	_ =	swait.ge [sflag:s31], $0x6400  }
0x17: {  	[sflag:s31] =	ssyncset.done $0x0  }
0x18: {  	[sflag:s31] =	ssyncadd.s32 $0xFFFF9C00  }
0x19: {  	[spmem:s3] =	stream.indirect.scatter.add.f32 [tilespmem:s28], [sflag:$0x6], $0x40, s23, s22, $0xb8;
	[tilespmem:$0x16A80] =	vst v63  }
0x1a: {  	_ =	swait.ge [sflag:s30], $0x6400  }
0x1b: {  	s0 =	sadd.s32 $0x1, s0;
	[sflag:s30] =	ssyncset.done $0x0  }
0x1c: {  	s6 =	sor.u32 $0x1C06, s7;
	p1 =	sne.s32 s0, s17;
	[sflag:s30] =	ssyncadd.s32 $0xFFFF9C00  }
.Ltmp1:
0x1d: {  	s15 =	simm.s32 $0x8;
	[bflag:$0x0] =	sbarrier.arrive $0xFFFF;
	(pc) =	sbr.rel @!p1 .LBB2_14-.Ltmp1, $4  }
0x1e: {  	[hbm:s2@s16], [sflag:s6] =	dma.strided [spmem:s19@s15], $0x1388, s21, $0x8   }
0x1f: {  	_ =	swait.ge [sflag:s30], $0x1388  }
0x20: {  	[sflag:s30] =	ssyncset.done $0x0  }
0x21: {  	[sflag:s30] =	ssyncadd.s32 $0xFFFFEC78  }
.LBB2_1:
0x22: {  	s2 =	rddreg [dreg:$0x4]  }
0x23: {  	[spmem:s19], [sflag:s9] =	dma.local [hbm:s2], $0x1388  }
0x24: {  	[tilespmem:s4], [sflag:$0x1] =	stream.linear.gather [hbm4b:s8+s4], $0x190, $0x38;
	[tilespmem:$0x16A80] =	vst v63  }
0x25: {  	_ = 	snop  }
0x26: {  	[tilespmem:s20], [sflag:$0x1] =	stream.linear.gather [hbm4b:s10+s4], $0x190, $0x38;
	[tilespmem:$0x16A80] =	vst v63  }
0x27: {  	_ =	swait.ge [sflag:s21], $0x190  }
.Ltmp2:
0x28: {  	[sflag:s21] =	ssyncset.done $0x0;
	(pc) =	sbr.rel @p0 .LBB2_6-.Ltmp2, $4  }
0x29: {  	[sflag:s21] =	ssyncadd.s32 $0xFFFFFE70  }
0x2a: {  	_ =	swait.ge [sflag:s21], $0x190  }
0x2b: {  	[sflag:s21] =	ssyncset.done $0x0  }
0x2c: {  	[sflag:s21] =	ssyncadd.s32 $0xFFFFFE70  }
0x2d: {  	v0 =	vld [tilespmem:$0x0]  }
0x2e: {  	v1 =	vld [tilespmem:$0x10]  }
0x2f: {  	v2 =	vld [tilespmem:$0x20]  }
0x30: {  	v3 =	vld [tilespmem:$0x30]  }
0x31: {  	v4 =	vld [tilespmem:$0x40]  }
0x32: {  	v5 =	vld [tilespmem:$0x50];
	v0 =	vshll.u32 v0, $0x1  }
0x33: {  	v22 =	vld [tilespmem:$0x60];
	v21 =	vshll.u32 v1, $0x1;
	[tilespmem:$0x0] =	vst v0  }
0x34: {  	v24 =	vld [tilespmem:$0x70];
	v23 =	vshll.u32 v2, $0x1;
	[tilespmem:$0x10] =	vst v21  }
0x35: {  	v26 =	vld [tilespmem:$0x80];
	v25 =	vshll.u32 v3, $0x1;
	[tilespmem:$0x20] =	vst v23  }
0x36: {  	v28 =	vld [tilespmem:$0x90];
	v27 =	vshll.u32 v4, $0x1;
	[tilespmem:$0x30] =	vst v25  }
0x37: {  	v30 =	vld [tilespmem:$0xA0];
	v29 =	vshll.u32 v5, $0x1;
	[tilespmem:$0x40] =	vst v27  }
0x38: {  	v32 =	vld [tilespmem:$0xB0];
	v31 =	vshll.u32 v22, $0x1;
	[tilespmem:$0x50] =	vst v29  }
0x39: {  	v34 =	vld [tilespmem:$0xC0];
	v33 =	vshll.u32 v24, $0x1;
	[tilespmem:$0x60] =	vst v31  }
0x3a: {  	v36 =	vld [tilespmem:$0xD0];
	v35 =	vshll.u32 v26, $0x1;
	[tilespmem:$0x70] =	vst v33  }
0x3b: {  	v38 =	vld [tilespmem:$0xE0];
	v37 =	vshll.u32 v28, $0x1;
	[tilespmem:$0x80] =	vst v35  }
0x3c: {  	v40 =	vld [tilespmem:$0xF0];
	v39 =	vshll.u32 v30, $0x1;
	[tilespmem:$0x90] =	vst v37  }
0x3d: {  	v42 =	vld [tilespmem:$0x100];
	v41 =	vshll.u32 v32, $0x1;
	[tilespmem:$0xA0] =	vst v39  }
0x3e: {  	v44 =	vld [tilespmem:$0x110];
	v43 =	vshll.u32 v34, $0x1;
	[tilespmem:$0xB0] =	vst v41  }
0x3f: {  	v46 =	vld [tilespmem:$0x120];
	v45 =	vshll.u32 v36, $0x1;
	[tilespmem:$0xC0] =	vst v43  }
0x40: {  	v48 =	vld [tilespmem:$0x130];
	v47 =	vshll.u32 v38, $0x1;
	[tilespmem:$0xD0] =	vst v45  }
0x41: {  	v50 =	vld [tilespmem:$0x140];
	v49 =	vshll.u32 v40, $0x1;
	[tilespmem:$0xE0] =	vst v47  }
0x42: {  	v52 =	vld [tilespmem:$0x150];
	v51 =	vshll.u32 v42, $0x1;
	[tilespmem:$0xF0] =	vst v49  }
0x43: {  	v54 =	vld [tilespmem:$0x160];
	v53 =	vshll.u32 v44, $0x1;
	[tilespmem:$0x100] =	vst v51  }
0x44: {  	v56 =	vld [tilespmem:$0x170];
	v55 =	vshll.u32 v46, $0x1;
	[tilespmem:$0x110] =	vst v53  }
0x45: {  	v58 =	vld [tilespmem:$0x180];
	v57 =	vshll.u32 v48, $0x1;
	[tilespmem:$0x120] =	vst v55  }
0x46: {  	v59 =	vshll.u32 v50, $0x1;
	[tilespmem:$0x130] =	vst v57  }
0x47: {  	v60 =	vshll.u32 v52, $0x1;
	[tilespmem:$0x140] =	vst v59  }
0x48: {  	v61 =	vshll.u32 v54, $0x1;
	[tilespmem:$0x150] =	vst v60  }
0x49: {  	v62 =	vshll.u32 v56, $0x1;
	[tilespmem:$0x160] =	vst v61  }
0x4a: {  	v63 =	vshll.u32 v58, $0x1;
	[tilespmem:$0x170] =	vst v62  }
0x4b: {  	[tilespmem:$0x180] =	vst v63  }
0x4c: {  	[tilespmem:s22], [sflag:$0x2] =	stream.linear.gather [hbm4b:s11+s4], $0x190, $0x38;
	[tilespmem:$0x16A80] =	vst v63  }
0x4d: {  	_ = 	snop  }
0x4e: {  	[tilespmem:s23], [sflag:$0x2] =	stream.linear.gather [hbm4b:s12+s4], $0x190, $0x38;
	[tilespmem:$0x16A80] =	vst v63  }
0x4f: {  	_ = 	snop  }
0x50: {  	[tilespmem:s24], [sflag:$0x3] =	stream.indirect.gather [hbm4b:s1+s22], $0x40, s4, s22, $0xb8;
	[tilespmem:$0x16A80] =	vst v63  }
0x51: {  	_ =	swait.ge [sflag:s25], $0x1388  }
0x52: {  	[sflag:s25] =	ssyncset.done $0x0  }
0x53: {  	[sflag:s25] =	ssyncadd.s32 $0xFFFFEC78  }
0x54: {  	s2 =	simm.s32 $0xFFFFF6A0;
	[bflag:$0x0] =	sbarrier.arrive $0xFFFF  }
.LBB2_3:
0x55: {  	_ =	swait.ge [sflag:s26], $0x190  }
0x56: {  	[sflag:s26] =	ssyncset.done $0x0  }
0x57: {  	[sflag:s26] =	ssyncadd.s32 $0xFFFFFE70  }
0x58: {  	_ =	swait.ge [sflag:s26], $0x190  }
0x59: {  	[sflag:s26] =	ssyncset.done $0x0  }
0x5a: {  	[sflag:s26] =	ssyncadd.s32 $0xFFFFFE70  }
0x5b: {  	v0 =	vld [tilespmem:$0x190]  }
0x5c: {  	v1 =	vld [tilespmem:$0x1A0]  }
0x5d: {  	v2 =	vld [tilespmem:$0x1B0]  }
0x5e: {  	v3 =	vld [tilespmem:$0x1C0]  }
0x5f: {  	v4 =	vld [tilespmem:$0x1D0]  }
0x60: {  	v5 =	vld [tilespmem:$0x1E0];
	v0 =	vshll.u32 v0, $0x1  }
0x61: {  	v22 =	vld [tilespmem:$0x1F0];
	v21 =	vshll.u32 v1, $0x1;
	[tilespmem:$0x190] =	vst v0  }
0x62: {  	v24 =	vld [tilespmem:$0x200];
	v23 =	vshll.u32 v2, $0x1;
	[tilespmem:$0x1A0] =	vst v21  }
0x63: {  	v26 =	vld [tilespmem:$0x210];
	v25 =	vshll.u32 v3, $0x1;
	[tilespmem:$0x1B0] =	vst v23  }
0x64: {  	v28 =	vld [tilespmem:$0x220];
	v27 =	vshll.u32 v4, $0x1;
	[tilespmem:$0x1C0] =	vst v25  }
0x65: {  	v30 =	vld [tilespmem:$0x230];
	v29 =	vshll.u32 v5, $0x1;
	[tilespmem:$0x1D0] =	vst v27  }
0x66: {  	v32 =	vld [tilespmem:$0x240];
	v31 =	vshll.u32 v22, $0x1;
	[tilespmem:$0x1E0] =	vst v29  }
0x67: {  	v34 =	vld [tilespmem:$0x250];
	v33 =	vshll.u32 v24, $0x1;
	[tilespmem:$0x1F0] =	vst v31  }
0x68: {  	v36 =	vld [tilespmem:$0x260];
	v35 =	vshll.u32 v26, $0x1;
	[tilespmem:$0x200] =	vst v33  }
0x69: {  	v38 =	vld [tilespmem:$0x270];
	v37 =	vshll.u32 v28, $0x1;
	[tilespmem:$0x210] =	vst v35  }
0x6a: {  	v40 =	vld [tilespmem:$0x280];
	v39 =	vshll.u32 v30, $0x1;
	[tilespmem:$0x220] =	vst v37  }
0x6b: {  	v42 =	vld [tilespmem:$0x290];
	v41 =	vshll.u32 v32, $0x1;
	[tilespmem:$0x230] =	vst v39  }
0x6c: {  	v44 =	vld [tilespmem:$0x2A0];
	v43 =	vshll.u32 v34, $0x1;
	[tilespmem:$0x240] =	vst v41  }
0x6d: {  	v46 =	vld [tilespmem:$0x2B0];
	v45 =	vshll.u32 v36, $0x1;
	[tilespmem:$0x250] =	vst v43  }
0x6e: {  	v48 =	vld [tilespmem:$0x2C0];
	v47 =	vshll.u32 v38, $0x1;
	[tilespmem:$0x260] =	vst v45  }
0x6f: {  	v50 =	vld [tilespmem:$0x2D0];
	v49 =	vshll.u32 v40, $0x1;
	[tilespmem:$0x270] =	vst v47  }
0x70: {  	v52 =	vld [tilespmem:$0x2E0];
	v51 =	vshll.u32 v42, $0x1;
	[tilespmem:$0x280] =	vst v49  }
0x71: {  	v54 =	vld [tilespmem:$0x2F0];
	v53 =	vshll.u32 v44, $0x1;
	[tilespmem:$0x290] =	vst v51  }
0x72: {  	v56 =	vld [tilespmem:$0x300];
	v55 =	vshll.u32 v46, $0x1;
	[tilespmem:$0x2A0] =	vst v53  }
0x73: {  	v58 =	vld [tilespmem:$0x310];
	v57 =	vshll.u32 v48, $0x1;
	[tilespmem:$0x2B0] =	vst v55  }
0x74: {  	v59 =	vshll.u32 v50, $0x1;
	[tilespmem:$0x2C0] =	vst v57  }
0x75: {  	v60 =	vshll.u32 v52, $0x1;
	[tilespmem:$0x2D0] =	vst v59  }
0x76: {  	v61 =	vshll.u32 v54, $0x1;
	[tilespmem:$0x2E0] =	vst v60  }
0x77: {  	v62 =	vshll.u32 v56, $0x1;
	[tilespmem:$0x2F0] =	vst v61  }
0x78: {  	v63 =	vshll.u32 v58, $0x1;
	[tilespmem:$0x300] =	vst v62  }
0x79: {  	[tilespmem:$0x310] =	vst v63  }
0x7a: {  	[tilespmem:s28], [sflag:$0x4] =	stream.indirect.gather [hbm4b:s1+s22], $0x40, s22, s22, $0xb8;
	[tilespmem:$0x16A80] =	vst v63  }
0x7b: {  	_ =	swait.ge [sflag:s29], $0x6400  }
0x7c: {  	p1 =	seq.s32 s2, $0x0;
	[sflag:s29] =	ssyncset.done $0x0  }
.Ltmp3:
0x7d: {  	[sflag:s29] =	ssyncadd.s32 $0xFFFF9C00;
	(pc) =	sbr.rel @p1 .LBB2_4-.Ltmp3, $4  }
0x7e: {  	[spmem:s3] =	stream.indirect.scatter.add.f32 [tilespmem:s24], [sflag:$0x6], $0x40, s20, s22, $0xb8;
	[tilespmem:$0x16A80] =	vst v63  }
0x7f: {  	_ =	swait.ge [sflag:s30], $0x6400  }
0x80: {  	[sflag:s30] =	ssyncset.done $0x0  }
0x81: {  	[sflag:s30] =	ssyncadd.s32 $0xFFFF9C00  }
0x82: {  	s15 =	sadd.s32 s2, s18  }
0x83: {  	s6 =	sadd.s32 $0x9C4, s15  }
0x84: {  	[tilespmem:s4], [sflag:$0x1] =	stream.linear.gather [hbm4b:s6+s4], $0x190, $0x38;
	[tilespmem:$0x16A80] =	vst v63  }
0x85: {  	s6 =	sadd.s32 $0xA604, s15  }
0x86: {  	[tilespmem:s20], [sflag:$0x1] =	stream.linear.gather [hbm4b:s6+s4], $0x190, $0x38;
	[tilespmem:$0x16A80] =	vst v63  }
0x87: {  	_ =	swait.ge [sflag:s21], $0x190  }
0x88: {  	[sflag:s21] =	ssyncset.done $0x0  }
0x89: {  	[sflag:s21] =	ssyncadd.s32 $0xFFFFFE70  }
0x8a: {  	_ =	swait.ge [sflag:s21], $0x190  }
0x8b: {  	[sflag:s21] =	ssyncset.done $0x0  }
0x8c: {  	[sflag:s21] =	ssyncadd.s32 $0xFFFFFE70  }
0x8d: {  	v0 =	vld [tilespmem:$0x0]  }
0x8e: {  	v1 =	vld [tilespmem:$0x10]  }
0x8f: {  	v2 =	vld [tilespmem:$0x20]  }
0x90: {  	v3 =	vld [tilespmem:$0x30]  }
0x91: {  	v4 =	vld [tilespmem:$0x40]  }
0x92: {  	v5 =	vld [tilespmem:$0x50];
	v0 =	vshll.u32 v0, $0x1  }
0x93: {  	v22 =	vld [tilespmem:$0x60];
	v21 =	vshll.u32 v1, $0x1;
	[tilespmem:$0x0] =	vst v0  }
0x94: {  	v24 =	vld [tilespmem:$0x70];
	v23 =	vshll.u32 v2, $0x1;
	[tilespmem:$0x10] =	vst v21  }
0x95: {  	v26 =	vld [tilespmem:$0x80];
	v25 =	vshll.u32 v3, $0x1;
	[tilespmem:$0x20] =	vst v23  }
0x96: {  	v28 =	vld [tilespmem:$0x90];
	v27 =	vshll.u32 v4, $0x1;
	[tilespmem:$0x30] =	vst v25  }
0x97: {  	v30 =	vld [tilespmem:$0xA0];
	v29 =	vshll.u32 v5, $0x1;
	[tilespmem:$0x40] =	vst v27  }
0x98: {  	v32 =	vld [tilespmem:$0xB0];
	v31 =	vshll.u32 v22, $0x1;
	[tilespmem:$0x50] =	vst v29  }
0x99: {  	v34 =	vld [tilespmem:$0xC0];
	v33 =	vshll.u32 v24, $0x1;
	[tilespmem:$0x60] =	vst v31  }
0x9a: {  	v36 =	vld [tilespmem:$0xD0];
	v35 =	vshll.u32 v26, $0x1;
	[tilespmem:$0x70] =	vst v33  }
0x9b: {  	v38 =	vld [tilespmem:$0xE0];
	v37 =	vshll.u32 v28, $0x1;
	[tilespmem:$0x80] =	vst v35  }
0x9c: {  	v40 =	vld [tilespmem:$0xF0];
	v39 =	vshll.u32 v30, $0x1;
	[tilespmem:$0x90] =	vst v37  }
0x9d: {  	v42 =	vld [tilespmem:$0x100];
	v41 =	vshll.u32 v32, $0x1;
	[tilespmem:$0xA0] =	vst v39  }
0x9e: {  	v44 =	vld [tilespmem:$0x110];
	v43 =	vshll.u32 v34, $0x1;
	[tilespmem:$0xB0] =	vst v41  }
0x9f: {  	v46 =	vld [tilespmem:$0x120];
	v45 =	vshll.u32 v36, $0x1;
	[tilespmem:$0xC0] =	vst v43  }
0xa0: {  	v48 =	vld [tilespmem:$0x130];
	v47 =	vshll.u32 v38, $0x1;
	[tilespmem:$0xD0] =	vst v45  }
0xa1: {  	v50 =	vld [tilespmem:$0x140];
	v49 =	vshll.u32 v40, $0x1;
	[tilespmem:$0xE0] =	vst v47  }
0xa2: {  	v52 =	vld [tilespmem:$0x150];
	v51 =	vshll.u32 v42, $0x1;
	[tilespmem:$0xF0] =	vst v49  }
0xa3: {  	v54 =	vld [tilespmem:$0x160];
	v53 =	vshll.u32 v44, $0x1;
	[tilespmem:$0x100] =	vst v51  }
0xa4: {  	v56 =	vld [tilespmem:$0x170];
	v55 =	vshll.u32 v46, $0x1;
	[tilespmem:$0x110] =	vst v53  }
0xa5: {  	v58 =	vld [tilespmem:$0x180];
	v57 =	vshll.u32 v48, $0x1;
	[tilespmem:$0x120] =	vst v55  }
0xa6: {  	v59 =	vshll.u32 v50, $0x1;
	[tilespmem:$0x130] =	vst v57  }
0xa7: {  	v60 =	vshll.u32 v52, $0x1;
	[tilespmem:$0x140] =	vst v59  }
0xa8: {  	v61 =	vshll.u32 v54, $0x1;
	[tilespmem:$0x150] =	vst v60  }
0xa9: {  	v62 =	vshll.u32 v56, $0x1;
	[tilespmem:$0x160] =	vst v61  }
0xaa: {  	v63 =	vshll.u32 v58, $0x1;
	[tilespmem:$0x170] =	vst v62  }
0xab: {  	[tilespmem:$0x180] =	vst v63  }
0xac: {  	[tilespmem:s24], [sflag:$0x3] =	stream.indirect.gather [hbm4b:s1+s22], $0x40, s4, s22, $0xb8;
	[tilespmem:$0x16A80] =	vst v63  }
0xad: {  	_ =	swait.ge [sflag:s31], $0x6400  }
0xae: {  	[sflag:s31] =	ssyncset.done $0x0  }
0xaf: {  	[sflag:s31] =	ssyncadd.s32 $0xFFFF9C00  }
0xb0: {  	[spmem:s3] =	stream.indirect.scatter.add.f32 [tilespmem:s28], [sflag:$0x6], $0x40, s23, s22, $0xb8;
	[tilespmem:$0x16A80] =	vst v63  }
0xb1: {  	_ =	swait.ge [sflag:s30], $0x6400  }
.Ltmp4:
0xb2: {  	[sflag:s30] =	ssyncset.done $0x0;
	(pc) =	sbr.rel .LBB2_3-.Ltmp4, $4  }
0xb3: {  	s6 =	sadd.s32 $0x9F6, s15;
	[sflag:s30] =	ssyncadd.s32 $0xFFFF9C00  }
0xb4: {  	[tilespmem:s22], [sflag:$0x2] =	stream.linear.gather [hbm4b:s6+s4], $0x190, $0x38;
	[tilespmem:$0x16A80] =	vst v63  }
0xb5: {  	s2 =	sadd.s32 $0x64, s2;
	s15 =	sadd.s32 $0xA636, s15  }
0xb6: {  	[tilespmem:s23], [sflag:$0x2] =	stream.linear.gather [hbm4b:s15+s4], $0x190, $0x38;
	[tilespmem:$0x16A80] =	vst v63  }
.LBB2_6:
0xb7: {  	s2 =	sshra.s32 s4, $0x2;
	s15 =	sadd.s32 $0x40, s4  }
.LBB2_7:
0xb8: {  	p1 =	sne.s32 s15, $0x600;
	v0 =	vld [tilespmem:s2+$0x0];
	_ =	sdelay $0x2  }
.Ltmp5:
0xb9: {  	(pc) =	sbr.rel @p1 .LBB2_7-.Ltmp5, $4  }
0xba: {  	_ = 	snop  }
0xbb: {  	v0 =	vshll.u32 v0, $0x1  }
0xbc: {  	v0 =	vor.u32 $0x1, v0  }
0xbd: {  	[tilespmem:s2+$0x0] =	vst v0;
	s2 =	sshra.s32 s15, $0x2;
	s15 =	sadd.s32 $0x40, s15  }
0xbe: {  	v0 =	vld [tilespmem:s2+$0x0];
	_ =	sdelay $0x4  }
0xbf: {  	v0 =	vshll.u32 v0, $0x1  }
0xc0: {  	v0 =	vor.u32 $0x1, v0  }
0xc1: {  	[tilespmem:s2+$0x0] =	vst v0;
	s2 =	simm.s32 $0x0  }
0xc2: {  	[tilespmem:s22], [sflag:$0x2] =	stream.linear.gather [hbm4b:s11+s2], $0x190, $0x38;
	[tilespmem:$0x16A80] =	vst v63  }
0xc3: {  	_ = 	snop  }
0xc4: {  	[tilespmem:s23], [sflag:$0x2] =	stream.linear.gather [hbm4b:s12+s2], $0x190, $0x38;
	[tilespmem:$0x16A80] =	vst v63  }
0xc5: {  	_ = 	snop  }
0xc6: {  	[tilespmem:s24], [sflag:$0x3] =	stream.indirect.gather [hbm4b:s1+s22], $0x40, s2, s22, $0xb8;
	[tilespmem:$0x16A80] =	vst v63  }
0xc7: {  	_ =	swait.ge [sflag:s25], $0x1388  }
0xc8: {  	[sflag:s25] =	ssyncset.done $0x0  }
0xc9: {  	[sflag:s25] =	ssyncadd.s32 $0xFFFFEC78  }
0xca: {  	[bflag:$0x0] =	sbarrier.arrive $0xFFFF  }
.LBB2_9:
0xcb: {  	_ =	swait.ge [sflag:s26], $0x190  }
0xcc: {  	[sflag:s26] =	ssyncset.done $0x0  }
0xcd: {  	[sflag:s26] =	ssyncadd.s32 $0xFFFFFE70  }
0xce: {  	_ =	swait.ge [sflag:s26], $0x190  }
0xcf: {  	[sflag:s26] =	ssyncset.done $0x0  }
0xd0: {  	s15 =	simm.s32 $0x0;
	s16 =	simm.s32 $0x40;
	[sflag:s26] =	ssyncadd.s32 $0xFFFFFE70  }
.LBB2_10:
0xd1: {  	p1 =	sne.s32 s16, $0x600;
	v0 =	vld [tilespmem:s15+$0x190];
	_ =	sdelay $0x2  }
.Ltmp6:
0xd2: {  	(pc) =	sbr.rel @p1 .LBB2_10-.Ltmp6, $4  }
0xd3: {  	_ = 	snop  }
0xd4: {  	v0 =	vshll.u32 v0, $0x1  }
0xd5: {  	v0 =	vor.u32 $0x1, v0  }
0xd6: {  	[tilespmem:s15+$0x190] =	vst v0;
	s15 =	sshra.s32 s16, $0x2;
	s16 =	sadd.s32 $0x40, s16  }
0xd7: {  	v0 =	vld [tilespmem:s15+$0x190];
	_ =	sdelay $0x4  }
0xd8: {  	v0 =	vshll.u32 v0, $0x1  }
0xd9: {  	v0 =	vor.u32 $0x1, v0  }
0xda: {  	[tilespmem:s15+$0x190] =	vst v0  }
0xdb: {  	[tilespmem:s28], [sflag:$0x4] =	stream.indirect.gather [hbm4b:s1+s22], $0x40, s22, s22, $0xb8;
	[tilespmem:$0x16A80] =	vst v63  }
0xdc: {  	_ =	swait.ge [sflag:s29], $0x6400  }
0xdd: {  	p1 =	seq.s32 s2, $0x18;
	[sflag:s29] =	ssyncset.done $0x0  }
.Ltmp7:
0xde: {  	[sflag:s29] =	ssyncadd.s32 $0xFFFF9C00;
	(pc) =	sbr.rel @p1 .LBB2_12-.Ltmp7, $4  }
0xdf: {  	[spmem:s3] =	stream.indirect.scatter.add.f32 [tilespmem:s24], [sflag:$0x6], $0x40, s20, s22, $0xb8;
	[tilespmem:$0x16A80] =	vst v63  }
0xe0: {  	_ =	swait.ge [sflag:s30], $0x6400  }
0xe1: {  	[sflag:s30] =	ssyncset.done $0x0  }
0xe2: {  	[sflag:s30] =	ssyncadd.s32 $0xFFFF9C00  }
0xe3: {  	s15 =	smul.u32 $0x320, s2;
	_ =	sdelay $0x1  }
0xe4: {  	s6 =	sadd.s32 s15, s13  }
0xe5: {  	s6 =	sshrl.u32 s6, $0x3  }
0xe6: {  	s16 =	simm.s32 $0x0;
	s6 =	sadd.s32 s5, s6  }
0xe7: {  	[tilespmem:s16], [sflag:$0x1] =	stream.linear.gather [hbm4b:s6+s16], $0x190, $0x38;
	[tilespmem:$0x16A80] =	vst v63  }
0xe8: {  	s6 =	sadd.s32 $0x9C40, s6  }
0xe9: {  	[tilespmem:s20], [sflag:$0x1] =	stream.linear.gather [hbm4b:s6+s16], $0x190, $0x38;
	[tilespmem:$0x16A80] =	vst v63  }
0xea: {  	_ =	swait.ge [sflag:s21], $0x190  }
0xeb: {  	[sflag:s21] =	ssyncset.done $0x0  }
0xec: {  	[sflag:s21] =	ssyncadd.s32 $0xFFFFFE70  }
0xed: {  	_ =	swait.ge [sflag:s21], $0x190  }
0xee: {  	[sflag:s21] =	ssyncset.done $0x0  }
0xef: {  	s16 =	simm.s32 $0x0;
	s6 =	simm.s32 $0x40;
	[sflag:s21] =	ssyncadd.s32 $0xFFFFFE70  }
.LBB2_16:
0xf0: {  	p1 =	sne.s32 s6, $0x600;
	v0 =	vld [tilespmem:s16+$0x0];
	_ =	sdelay $0x2  }
.Ltmp8:
0xf1: {  	(pc) =	sbr.rel @p1 .LBB2_16-.Ltmp8, $4  }
0xf2: {  	_ = 	snop  }
0xf3: {  	v0 =	vshll.u32 v0, $0x1  }
0xf4: {  	v0 =	vor.u32 $0x1, v0  }
0xf5: {  	[tilespmem:s16+$0x0] =	vst v0;
	s16 =	sshra.s32 s6, $0x2;
	s6 =	sadd.s32 $0x40, s6  }
0xf6: {  	v0 =	vld [tilespmem:s16+$0x0];
	_ =	sdelay $0x4  }
0xf7: {  	v0 =	vshll.u32 v0, $0x1  }
0xf8: {  	v0 =	vor.u32 $0x1, v0  }
0xf9: {  	[tilespmem:s16+$0x0] =	vst v0  }
0xfa: {  	[tilespmem:s24], [sflag:$0x3] =	stream.indirect.gather [hbm4b:s1+s22], $0x40, s4, s22, $0xb8;
	[tilespmem:$0x16A80] =	vst v63  }
0xfb: {  	_ =	swait.ge [sflag:s31], $0x6400  }
0xfc: {  	[sflag:s31] =	ssyncset.done $0x0  }
0xfd: {  	[sflag:s31] =	ssyncadd.s32 $0xFFFF9C00  }
0xfe: {  	[spmem:s3] =	stream.indirect.scatter.add.f32 [tilespmem:s28], [sflag:$0x6], $0x40, s23, s22, $0xb8;
	[tilespmem:$0x16A80] =	vst v63  }
0xff: {  	s6 =	sadd.s32 s15, s14;
	_ =	swait.ge [sflag:s30], $0x6400  }
.Ltmp9:
0x100: {  	s6 =	sshrl.u32 s6, $0x3;
	[sflag:s30] =	ssyncset.done $0x0;
	(pc) =	sbr.rel .LBB2_9-.Ltmp9, $4  }
0x101: {  	s6 =	sadd.s32 s5, s6;
	[sflag:s30] =	ssyncadd.s32 $0xFFFF9C00  }
0x102: {  	[tilespmem:s22], [sflag:$0x2] =	stream.linear.gather [hbm4b:s6+s4], $0x190, $0x38;
	[tilespmem:$0x16A80] =	vst v63  }
0x103: {  	s2 =	sadd.s32 $0x1, s2;
	s6 =	sadd.s32 $0x9C40, s6  }
0x104: {  	[tilespmem:s23], [sflag:$0x2] =	stream.linear.gather [hbm4b:s6+s4], $0x190, $0x38;
	[tilespmem:$0x16A80] =	vst v63  }
.LBB2_4:
.Ltmp10:
0x105: {  	(pc) =	sbr.rel .LBB2_13-.Ltmp10, $2  }
0x106: {  	_ =	sdelay $0x2  }
0x107: {  	s2 =	rddreg [dreg:$0x6]  }
.LBB2_14:
0x108: {  	_ =	sfence.sel $0x180000  }
0x109: {  	[bflag:$0x0] =	sbarrier.arrive $0xFFFF  }
0x10a: {  	_ =	strace $0x9000004A  }
0x10b: {  	s0 =	stileid.u32;
	[bflag:$0x2] =	sbarrier.arrive $0xFFFF  }
0x10c: {  	p0 =	sne.s32 s0, $0x0;
	s0 =	rddreg [dreg:$0x3]  }
0x10d: {  	s0 =	sadd.s32 @!p0 $0x100000, s0  }
0x10e: {  	[sflag:s0] =	ssyncadd.tile.s32 @!p0 $0x1;
	_ =	shalt  }
.Lfunc_end2:
_tile_overlayer_lowered:
.L_overlay_start_2:
0x10f: {  	(tag) =	ssettag $0x2  }
0x110: {  	s0 =	rddreg [dreg:$0x0];
	s2 =	stileid.u32  }
0x111: {  	s1 =	rddreg [dreg:$0x1];
	p0 =	sne.s32 s2, $0x0  }
0x112: {  	s3 =	rddreg [dreg:$0x2];
	[bflag:$0x3] =	sbarrier.arrive $0xFFFF;
	s2 =	simm.s32 @!p0 $0x1C06  }
0x113: {  	[timem:s3], [sflag:s2] =	dma.local @!p0 [hbm:s0], s1  }
0x114: {  	s0 =	simm.s32 @!p0 $0x6  }
0x115: {  	_ =	swait.ge @!p0 [sflag:s0], s1  }
0x116: {  	s1 =	ssub.s32 @!p0 $0x0, s1;
	[sflag:s0] =	ssyncset.done @!p0 $0x0  }
0x117: {  	[sflag:s0] =	ssyncadd.s32 @!p0 s1  }
0x118: {  	[bflag:$0x3] =	sbarrier.arrive $0xFFFF  }
0x119: {  	_ =	shalt  }

</sc_bundles>
